<compile_context>
chip_gen: v7x
topology: tpu7x:2x2x1
jax: 0.10.2.dev20260603
libtpu: 0.0.44.dev20260713+nightly
codegen_flags: <defaults>
</compile_context>

<pallas_src>
import functools

import jax
import jax.numpy as jnp
from jax import lax
from jax.experimental import pallas as pl
from jax.experimental.pallas import tpu as pltpu, tpu_sc as plsc

_N = 10000
_E = 320000
_D = 128

_MESH = plsc.VectorSubcoreMesh(core_axis_name="c", subcore_axis_name="s")
_NC = _MESH.num_cores
_NS = _MESH.num_subcores
_NW = _NC * _NS
_CH = 64
_NCHT = 160
_EPT = _NCHT * _CH
_EPAD = _NW * _EPT
_NBUF = 3
_NITER = _NCHT // _NBUF
_NREM = _NCHT - _NITER * _NBUF
_NPAD = 10240
_ZROWS = _NPAD // _NS


def _unpack_edges(src_v, dst_v):
    def urow(r, _):
        def ucol(c, _):
            v = src_v[r, pl.ds(c * 16, 16)]
            dst_v[r, pl.ds(c * 16, 16)] = lax.shift_right_logical(v, 14)
            src_v[r, pl.ds(c * 16, 16)] = v & 0x3FFF
            return 0
        return lax.fori_loop(0, _CH // 16, ucol, 0)
    lax.fori_loop(0, _NCHT, urow, 0)


@functools.partial(
    pl.kernel,
    out_type=jax.ShapeDtypeStruct((_NC, _NPAD, 16), jnp.float32),
    mesh=_MESH,
    compiler_params=pltpu.CompilerParams(use_tc_tiling_on_sc=False),
    scratch_types=[
        pltpu.VMEM((_NCHT, _CH), jnp.int32),
        pltpu.VMEM((_NCHT, _CH), jnp.int32),
        pltpu.VMEM((_CH, 16), jnp.float32),
        pltpu.VMEM((_CH, 16), jnp.float32),
        pltpu.VMEM_SHARED((_NPAD, 16), jnp.float32),
        pltpu.SemaphoreType.DMA,
        pltpu.SemaphoreType.DMA,
    ],
)
def _deg_kernel(epk, out, src_v, dst_v, po, pi, table, s0, s1):
    cid = lax.axis_index("c")
    sid = lax.axis_index("s")
    pltpu.sync_copy(epk.at[cid, sid], src_v)

    zero16 = jnp.zeros((16,), jnp.float32)

    def zfill(i, _):
        po[i, pl.ds(0, 16)] = zero16
        return 0

    lax.fori_loop(0, _CH, zfill, 0)
    for z in range(_ZROWS // _CH):
        pltpu.sync_copy(po, table.at[pl.ds(sid * _ZROWS + z * _CH, _CH)])

    lane = lax.iota(jnp.int32, 16)
    po_vec = jnp.where(lane < 8, 1.0, 0.0).astype(jnp.float32)
    pi_vec = jnp.where(lane >= 8, 1.0, 0.0).astype(jnp.float32)

    def fill(i, _):
        po[i, pl.ds(0, 16)] = po_vec
        pi[i, pl.ds(0, 16)] = pi_vec
        return 0

    lax.fori_loop(0, _CH, fill, 0)
    _unpack_edges(src_v, dst_v)
    plsc.subcore_barrier()

    def chunk(j, _):
        @pl.when(j >= 2)
        def _():
            pltpu.make_async_copy(po, table.at[src_v.at[j - 2]], s0).wait()
            pltpu.make_async_copy(pi, table.at[dst_v.at[j - 2]], s1).wait()

        pltpu.async_copy(po, table.at[src_v.at[j]], s0, add=True)
        pltpu.async_copy(pi, table.at[dst_v.at[j]], s1, add=True)
        return 0

    lax.fori_loop(0, _NCHT, chunk, 0)
    for jl in (_NCHT - 2, _NCHT - 1):
        pltpu.make_async_copy(po, table.at[src_v.at[jl]], s0).wait()
        pltpu.make_async_copy(pi, table.at[dst_v.at[jl]], s1).wait()
    plsc.subcore_barrier()
    pltpu.sync_copy(
        table.at[pl.ds(sid * _ZROWS, _ZROWS)],
        out.at[cid, pl.ds(sid * _ZROWS, _ZROWS)],
    )


@functools.partial(
    pl.kernel,
    out_type=jax.ShapeDtypeStruct((_NC, _NPAD, _D), jnp.float32),
    mesh=_MESH,
    compiler_params=pltpu.CompilerParams(use_tc_tiling_on_sc=False),
    scratch_types=[
        pltpu.VMEM((_NCHT, _CH), jnp.int32),
        pltpu.VMEM((_NCHT, _CH), jnp.int32),
        pltpu.VMEM((_NBUF, _CH, _D), jnp.float32),
        pltpu.VMEM_SHARED((_NPAD, _D), jnp.float32),
        pltpu.SemaphoreType.DMA,
        pltpu.SemaphoreType.DMA,
        pltpu.SemaphoreType.DMA,
    ],
)
def _agg_kernel(h, epk, out, src_v, dst_v, bufs, acc, g0, g1, g2):
    gs = (g0, g1, g2)
    cid = lax.axis_index("c")
    sid = lax.axis_index("s")
    pltpu.sync_copy(epk.at[cid, sid], src_v)

    zero16 = jnp.zeros((16,), jnp.float32)

    def zrow(i, _):
        def zcol(c, _):
            bufs[0, i, pl.ds(c * 16, 16)] = zero16
            return 0
        return lax.fori_loop(0, _D // 16, zcol, 0)

    lax.fori_loop(0, _CH, zrow, 0)
    for z in range(_ZROWS // _CH):
        pltpu.sync_copy(
            bufs.at[0], acc.at[pl.ds(sid * _ZROWS + z * _CH, _CH)])

    _unpack_edges(src_v, dst_v)
    plsc.subcore_barrier()

    for k in range(_NBUF):
        pltpu.async_copy(h.at[src_v.at[k]], bufs.at[k], gs[k])

    def body(i, _):
        for k in range(_NBUF):
            j = _NBUF * i + k
            pltpu.make_async_copy(
                h.at[src_v.at[j]], bufs.at[k], gs[k]).wait()
            pltpu.sync_copy(bufs.at[k], acc.at[dst_v.at[j]], add=True)

            @pl.when(j + _NBUF < _NCHT)
            def _():
                pltpu.async_copy(
                    h.at[src_v.at[j + _NBUF]], bufs.at[k], gs[k])

        return 0

    lax.fori_loop(0, _NITER, body, 0)
    for r in range(_NREM):
        jr = _NITER * _NBUF + r
        pltpu.make_async_copy(
            h.at[src_v.at[jr]], bufs.at[r], gs[r]).wait()
        pltpu.sync_copy(bufs.at[r], acc.at[dst_v.at[jr]], add=True)
    plsc.subcore_barrier()
    pltpu.sync_copy(
        acc.at[pl.ds(sid * _ZROWS, _ZROWS)],
        out.at[cid, pl.ds(sid * _ZROWS, _ZROWS)],
    )


def _norm_body(degs_ref, x_ref, h_ref, nin_ref, nout_ref):
    d_out = degs_ref[0, :, 0:1] + degs_ref[1, :, 0:1]
    d_in = degs_ref[0, :, 8:9] + degs_ref[1, :, 8:9]
    n_out = jnp.where(d_out > 0, lax.rsqrt(jnp.maximum(d_out, 1.0)), 0.0)
    n_in = jnp.where(d_in > 0, lax.rsqrt(jnp.maximum(d_in, 1.0)), 0.0)
    h_ref[...] = x_ref[...] * n_out
    nin_ref[...] = n_in
    nout_ref[...] = n_out


def _layer_body(p_ref, nin_ref, nout_ref, w_ref, b_ref, o_ref, *, relu):
    a = (p_ref[0] + p_ref[1]) * nin_ref[...]
    o = jnp.dot(a, w_ref[...], preferred_element_type=jnp.float32) + b_ref[...]
    if relu:
        o = jnp.maximum(o, 0.0) * nout_ref[...]
    o_ref[...] = o


_BN = 1024


def _norm_call(degs, x):
    return pl.pallas_call(
        _norm_body,
        grid=(_NPAD // _BN,),
        in_specs=[
            pl.BlockSpec((_NC, _BN, 16), lambda i: (0, i, 0)),
            pl.BlockSpec((_BN, _D), lambda i: (i, 0)),
        ],
        out_specs=[
            pl.BlockSpec((_BN, _D), lambda i: (i, 0)),
            pl.BlockSpec((_BN, 1), lambda i: (i, 0)),
            pl.BlockSpec((_BN, 1), lambda i: (i, 0)),
        ],
        out_shape=[
            jax.ShapeDtypeStruct((_NPAD, _D), jnp.float32),
            jax.ShapeDtypeStruct((_NPAD, 1), jnp.float32),
            jax.ShapeDtypeStruct((_NPAD, 1), jnp.float32),
        ],
    )(degs, x)


def _layer_call(p, n_in, n_out, wm, bm, relu):
    return pl.pallas_call(
        functools.partial(_layer_body, relu=relu),
        grid=(_NPAD // _BN,),
        in_specs=[
            pl.BlockSpec((_NC, _BN, _D), lambda i: (0, i, 0)),
            pl.BlockSpec((_BN, 1), lambda i: (i, 0)),
            pl.BlockSpec((_BN, 1), lambda i: (i, 0)),
            pl.BlockSpec((_D, _D), lambda i: (0, 0)),
            pl.BlockSpec((1, _D), lambda i: (0, 0)),
        ],
        out_specs=pl.BlockSpec((_BN, _D), lambda i: (i, 0)),
        out_shape=jax.ShapeDtypeStruct((_NPAD, _D), jnp.float32),
    )(p, n_in, n_out, wm, bm)


def kernel(x, edge_index, W1, b1, W2, b2):
    pad = _EPAD - _E
    padnode = _N + (jnp.arange(pad, dtype=jnp.int32) % (_NPAD - _N))
    ei = jnp.concatenate(
        [edge_index, jnp.stack([padnode, padnode])], axis=1)
    epk = (ei[0] | (ei[1] << 14)).reshape(_NC, _NS, _NCHT, _CH)
    x_pad = jnp.pad(x, ((0, _NPAD - _N), (0, 0)))

    degs = _deg_kernel(epk)
    h1, n_in, n_out = _norm_call(degs, x_pad)
    p1 = _agg_kernel(h1, epk)
    h2 = _layer_call(p1, n_in, n_out, W1, b1.reshape(1, _D), relu=True)
    p2 = _agg_kernel(h2, epk)
    out = _layer_call(p2, n_in, n_out, W2, b2.reshape(1, _D), relu=False)
    return out[:_N]

# --- scband reference (transcript-rebuilt; emitter-appended) ---
"""Pipeline reference for scband-gcn-24764781429371 (READ-ONLY COPY).

The authoritative reference and input builder live on the scoring server;
editing this copy changes nothing except your own understanding.
"""

import jax, jax.numpy as jnp
import numpy as np

N = 10000
E = 320000
D_IN = 128
D_HID = 128
D_OUT = 128


def setup_inputs(seed: int = 0) -> dict:
    key = jax.random.key(seed)
    k1, k2, k3, k4, k5, k6 = jax.random.split(key, 6)
    x = jax.random.normal(k1, (N, D_IN), dtype=jnp.float32)
    edge_index = jax.random.randint(k2, (2, E), 0, N, dtype=jnp.int32)
    W1 = jax.random.normal(k3, (D_IN, D_HID), dtype=jnp.float32) * (1.0 / np.sqrt(D_IN))
    b1 = jnp.zeros((D_HID,), dtype=jnp.float32)
    W2 = jax.random.normal(k4, (D_HID, D_OUT), dtype=jnp.float32) * (1.0 / np.sqrt(D_HID))
    b2 = jnp.zeros((D_OUT,), dtype=jnp.float32)
    return {"x": x, "edge_index": edge_index, "W1": W1, "b1": b1, "W2": W2, "b2": b2}


def _graph_conv(x, src, dst, W, b, activation):
    # DGL GraphConv with norm='both': D_out^{-1/2} applied to source feats,
    # sum aggregation over edges, D_in^{-1/2} applied to aggregated feats,
    # then linear transform + bias (aggregate-first since in_feats <= out_feats).
    deg_out = jnp.bincount(src, length=N).astype(x.dtype)
    deg_in = jnp.bincount(dst, length=N).astype(x.dtype)
    norm_out = jnp.where(deg_out > 0, jax.lax.rsqrt(jnp.maximum(deg_out, 1.0)), 0.0)
    norm_in = jnp.where(deg_in > 0, jax.lax.rsqrt(jnp.maximum(deg_in, 1.0)), 0.0)
    h = x * norm_out[:, None]
    msg = jnp.take(h, src, axis=0)
    agg = jax.ops.segment_sum(msg, dst, num_segments=N)
    agg = agg * norm_in[:, None]
    out = agg @ W + b
    if activation:
        out = jax.nn.relu(out)
    return out


def reference(x, edge_index, W1, b1, W2, b2):
    src = edge_index[0]
    dst = edge_index[1]
    h = _graph_conv(x, src, dst, W1, b1, activation=True)
    # dropout(0.2) is identity in eval mode
    h = _graph_conv(h, src, dst, W2, b2, activation=False)
    return h

if __name__ == "__main__":
    import jax
    _d = setup_inputs()
    print(jax.jit(kernel)(*tuple(_d.values())))

</pallas_src>

<mosaic_0001>
#map = affine_map<(d0, d1) -> (0, 0)>
#map1 = affine_map<(d0, d1) -> (0, 0, 0, 0)>
#map2 = affine_map<(d0, d1) -> (0, 0, 0)>
module attributes {stable_mosaic.version = 14 : i64} {
  func.func @_agg_kernel(%arg0: i32, %arg1: i32, %arg2: memref<10240x128xf32, #tpu.memory_space<hbm>>, %arg3: memref<2x16x160x64xi32, #tpu.memory_space<hbm>>, %arg4: memref<2x10240x128xf32, #tpu.memory_space<hbm>>, %arg5: memref<160x64xi32, #tpu.memory_space<vmem>>, %arg6: memref<160x64xi32, #tpu.memory_space<vmem>>, %arg7: memref<3x64x128xf32, #tpu.memory_space<vmem>>, %arg8: memref<10240x128xf32, #tpu.memory_space<vmem_shared>>, %arg9: memref<!tpu.dma_semaphore, #tpu.memory_space<semaphore_mem>>, %arg10: memref<!tpu.dma_semaphore, #tpu.memory_space<semaphore_mem>>, %arg11: memref<!tpu.dma_semaphore, #tpu.memory_space<semaphore_mem>>) attributes {dimension_semantics = [#tpu.dimension_semantics<core_parallel>, #tpu.dimension_semantics<subcore_parallel>], iteration_bounds = array<i64: 2, 16>, scalar_prefetch = 0 : i64, scratch_operands = 7 : i64, tpu.core_type = #tpu.core_type<sc_vector_subcore>, window_params = [{transform_indices = #map}, {transform_indices = #map1}, {transform_indices = #map2}]} {
    "tpu.region"() ({
      %run_scoped3A_121 = tpu.sem_alloc : memref<!tpu.dma_semaphore, #tpu.memory_space<semaphore_mem>>
      %dma_start3A_122 = arith.constant 0 : i32
      %dma_start3A_123 = arith.constant 0 : i32
      %dma_start3A_124 = tpu.memref_slice %arg3[%arg0, %arg1, %dma_start3A_122, %dma_start3A_123] : memref<2x16x160x64xi32, #tpu.memory_space<hbm>> -> memref<1x1x160x64xi32, #tpu.memory_space<hbm>>
      %dma_start3A_125 = tpu.memref_squeeze %dma_start3A_124 : memref<1x1x160x64xi32, #tpu.memory_space<hbm>> -> memref<160x64xi32, #tpu.memory_space<hbm>>
      %dma_start3A_126 = arith.constant 0 : i32
      %dma_start3A_127 = arith.constant 0 : i32
      %dma_start3A_128 = tpu.memref_slice %arg3[%arg0, %arg1, %dma_start3A_126, %dma_start3A_127] : memref<2x16x160x64xi32, #tpu.memory_space<hbm>> -> memref<1x1x160x64xi32, #tpu.memory_space<hbm>>
      %dma_start3A_129 = tpu.memref_squeeze %dma_start3A_128 : memref<1x1x160x64xi32, #tpu.memory_space<hbm>> -> memref<160x64xi32, #tpu.memory_space<hbm>>
      tpu.enqueue_dma source(%dma_start3A_129 : memref<160x64xi32, #tpu.memory_space<hbm>>) target(%arg5 : memref<160x64xi32, #tpu.memory_space<vmem>>) target_semaphore(%run_scoped3A_121 : memref<!tpu.dma_semaphore, #tpu.memory_space<semaphore_mem>>)
      %dma_wait3A_130 = arith.constant 0 : i32
      %dma_wait3A_131 = arith.constant 0 : i32
      %dma_wait3A_132 = tpu.memref_slice %arg3[%arg0, %arg1, %dma_wait3A_130, %dma_wait3A_131] : memref<2x16x160x64xi32, #tpu.memory_space<hbm>> -> memref<1x1x160x64xi32, #tpu.memory_space<hbm>>
      %dma_wait3A_133 = tpu.memref_squeeze %dma_wait3A_132 : memref<1x1x160x64xi32, #tpu.memory_space<hbm>> -> memref<160x64xi32, #tpu.memory_space<hbm>>
      %dma_wait3A_134 = arith.constant 0 : i32
      %dma_wait3A_135 = arith.constant 0 : i32
      %dma_wait3A_136 = tpu.memref_slice %arg3[%arg0, %arg1, %dma_wait3A_134, %dma_wait3A_135] : memref<2x16x160x64xi32, #tpu.memory_space<hbm>> -> memref<1x1x160x64xi32, #tpu.memory_space<hbm>>
      %dma_wait3A_137 = tpu.memref_squeeze %dma_wait3A_136 : memref<1x1x160x64xi32, #tpu.memory_space<hbm>> -> memref<160x64xi32, #tpu.memory_space<hbm>>
      tpu.wait_dma2 semaphore(%run_scoped3A_121 : memref<!tpu.dma_semaphore, #tpu.memory_space<semaphore_mem>>) src(%dma_wait3A_137 : memref<160x64xi32, #tpu.memory_space<hbm>>) dst(%arg5 : memref<160x64xi32, #tpu.memory_space<vmem>>)
      tpu.yield
    }) : () -> ()
    %broadcast_in_dim3A = arith.constant 0.000000e+00 : f32
    %broadcast_in_dim3A_0 = vector.broadcast %broadcast_in_dim3A : f32 to vector<16xf32>
    %scan3A = arith.constant 0 : i32
    %scan3A_1 = arith.constant 0 : i32
    %scan3A_2 = arith.constant 64 : i32
    %scan3A_3 = arith.addi %scan3A_1, %scan3A_2 : i32
    %scan3A_4 = arith.constant 1 : i32
    %scan3A_5 = scf.for %scan3A_121 = %scan3A_1 to %scan3A_3 step %scan3A_4 iter_args(%scan3A_122 = %scan3A) -> (i32)  : i32 {
      %scan3A_123 = arith.constant 0 : i32
      %scan3A_124 = arith.constant 0 : i32
      %scan3A_125 = arith.constant 8 : i32
      %scan3A_126 = arith.addi %scan3A_124, %scan3A_125 : i32
      %scan3A_127 = arith.constant 1 : i32
      %scan3A_128 = scf.for %scan3A_130 = %scan3A_124 to %scan3A_126 step %scan3A_127 iter_args(%scan3A_131 = %scan3A_123) -> (i32)  : i32 {
        %mul3A_132 = arith.constant 16 : i32
        %mul3A_133 = arith.muli %scan3A_130, %mul3A_132 : i32
        %swap3A = arith.constant 0 : i32
        %swap3A_134 = arith.index_cast %swap3A : i32 to index
        %swap3A_135 = arith.index_cast %scan3A_121 : i32 to index
        %swap3A_136 = arith.index_cast %mul3A_133 : i32 to index
        %swap3A_137 = tpu.vector_load %arg7[%swap3A_134, %swap3A_135, %swap3A_136] {strides = array<i32>} : memref<3x64x128xf32, #tpu.memory_space<vmem>>, vector<1x1x16xf32>,
        %swap3A_138 = vector.shape_cast %swap3A_137 : vector<1x1x16xf32> to vector<16xf32>
        %swap3A_139 = vector.shape_cast %broadcast_in_dim3A_0 : vector<16xf32> to vector<1x1x16xf32>
        tpu.vector_store %arg7[%swap3A_134, %swap3A_135, %swap3A_136], %swap3A_139 {strides = array<i32>} : memref<3x64x128xf32, #tpu.memory_space<vmem>>, vector<1x1x16xf32>,
        %scan3A_140 = arith.constant 0 : i32
        scf.yield %scan3A_140 : i32
      }
      %scan3A_129 = arith.constant 8 : i32
      scf.yield %scan3A_128 : i32
    }
    %scan3A_6 = arith.constant 64 : i32
    %mul3A = arith.constant 640 : i32
    %mul3A_7 = arith.muli %arg1, %mul3A : i32
    %add3A = arith.constant 0 : i32
    %add3A_8 = arith.addi %mul3A_7, %add3A : i32
    %run_scoped3A = arith.constant 0 : i32
    "tpu.region"() ({
      %run_scoped3A_121 = tpu.sem_alloc : memref<!tpu.dma_semaphore, #tpu.memory_space<semaphore_mem>>
      %dma_start3A_122 = arith.constant 0 : i32
      %dma_start3A_123 = arith.constant 0 : i32
      %dma_start3A_124 = tpu.memref_slice %arg7[%run_scoped3A, %dma_start3A_122, %dma_start3A_123] : memref<3x64x128xf32, #tpu.memory_space<vmem>> -> memref<1x64x128xf32, #tpu.memory_space<vmem>>
      %dma_start3A_125 = tpu.memref_squeeze %dma_start3A_124 : memref<1x64x128xf32, #tpu.memory_space<vmem>> -> memref<64x128xf32, #tpu.memory_space<vmem>>
      %dma_start3A_126 = arith.constant 0 : i32
      %dma_start3A_127 = tpu.memref_slice %arg8[%add3A_8, %dma_start3A_126] : memref<10240x128xf32, #tpu.memory_space<vmem_shared>> -> memref<64x128xf32, #tpu.memory_space<vmem_shared>>
      %dma_start3A_128 = arith.constant 0 : i32
      %dma_start3A_129 = tpu.memref_slice %arg8[%add3A_8, %dma_start3A_128] : memref<10240x128xf32, #tpu.memory_space<vmem_shared>> -> memref<64x128xf32, #tpu.memory_space<vmem_shared>>
      %dma_start3A_130 = arith.constant 0 : i32
      %dma_start3A_131 = arith.constant 0 : i32
      %dma_start3A_132 = tpu.memref_slice %arg7[%run_scoped3A, %dma_start3A_130, %dma_start3A_131] : memref<3x64x128xf32, #tpu.memory_space<vmem>> -> memref<1x64x128xf32, #tpu.memory_space<vmem>>
      %dma_start3A_133 = tpu.memref_squeeze %dma_start3A_132 : memref<1x64x128xf32, #tpu.memory_space<vmem>> -> memref<64x128xf32, #tpu.memory_space<vmem>>
      tpu.enqueue_dma source(%dma_start3A_133 : memref<64x128xf32, #tpu.memory_space<vmem>>) target(%dma_start3A_129 : memref<64x128xf32, #tpu.memory_space<vmem_shared>>) target_semaphore(%run_scoped3A_121 : memref<!tpu.dma_semaphore, #tpu.memory_space<semaphore_mem>>)
      %dma_wait3A_134 = arith.constant 0 : i32
      %dma_wait3A_135 = arith.constant 0 : i32
      %dma_wait3A_136 = tpu.memref_slice %arg7[%run_scoped3A, %dma_wait3A_134, %dma_wait3A_135] : memref<3x64x128xf32, #tpu.memory_space<vmem>> -> memref<1x64x128xf32, #tpu.memory_space<vmem>>
      %dma_wait3A_137 = tpu.memref_squeeze %dma_wait3A_136 : memref<1x64x128xf32, #tpu.memory_space<vmem>> -> memref<64x128xf32, #tpu.memory_space<vmem>>
      %dma_wait3A_138 = arith.constant 0 : i32
      %dma_wait3A_139 = tpu.memref_slice %arg8[%add3A_8, %dma_wait3A_138] : memref<10240x128xf32, #tpu.memory_space<vmem_shared>> -> memref<64x128xf32, #tpu.memory_space<vmem_shared>>
      %dma_wait3A_140 = arith.constant 0 : i32
      %dma_wait3A_141 = tpu.memref_slice %arg8[%add3A_8, %dma_wait3A_140] : memref<10240x128xf32, #tpu.memory_space<vmem_shared>> -> memref<64x128xf32, #tpu.memory_space<vmem_shared>>
      %dma_wait3A_142 = arith.constant 0 : i32
      %dma_wait3A_143 = arith.constant 0 : i32
      %dma_wait3A_144 = tpu.memref_slice %arg7[%run_scoped3A, %dma_wait3A_142, %dma_wait3A_143] : memref<3x64x128xf32, #tpu.memory_space<vmem>> -> memref<1x64x128xf32, #tpu.memory_space<vmem>>
      %dma_wait3A_145 = tpu.memref_squeeze %dma_wait3A_144 : memref<1x64x128xf32, #tpu.memory_space<vmem>> -> memref<64x128xf32, #tpu.memory_space<vmem>>
      tpu.wait_dma2 semaphore(%run_scoped3A_121 : memref<!tpu.dma_semaphore, #tpu.memory_space<semaphore_mem>>) src(%dma_wait3A_145 : memref<64x128xf32, #tpu.memory_space<vmem>>) dst(%dma_wait3A_141 : memref<64x128xf32, #tpu.memory_space<vmem_shared>>)
      tpu.yield
    }) : () -> ()
    %mul3A_9 = arith.constant 640 : i32
    %mul3A_10 = arith.muli %arg1, %mul3A_9 : i32
    %add3A_11 = arith.constant 64 : i32
    %add3A_12 = arith.addi %mul3A_10, %add3A_11 : i32
    %run_scoped3A_13 = arith.constant 0 : i32
    "tpu.region"() ({
      %run_scoped3A_121 = tpu.sem_alloc : memref<!tpu.dma_semaphore, #tpu.memory_space<semaphore_mem>>
      %dma_start3A_122 = arith.constant 0 : i32
      %dma_start3A_123 = arith.constant 0 : i32
      %dma_start3A_124 = tpu.memref_slice %arg7[%run_scoped3A_13, %dma_start3A_122, %dma_start3A_123] : memref<3x64x128xf32, #tpu.memory_space<vmem>> -> memref<1x64x128xf32, #tpu.memory_space<vmem>>
      %dma_start3A_125 = tpu.memref_squeeze %dma_start3A_124 : memref<1x64x128xf32, #tpu.memory_space<vmem>> -> memref<64x128xf32, #tpu.memory_space<vmem>>
      %dma_start3A_126 = arith.constant 0 : i32
      %dma_start3A_127 = tpu.memref_slice %arg8[%add3A_12, %dma_start3A_126] : memref<10240x128xf32, #tpu.memory_space<vmem_shared>> -> memref<64x128xf32, #tpu.memory_space<vmem_shared>>
      %dma_start3A_128 = arith.constant 0 : i32
      %dma_start3A_129 = tpu.memref_slice %arg8[%add3A_12, %dma_start3A_128] : memref<10240x128xf32, #tpu.memory_space<vmem_shared>> -> memref<64x128xf32, #tpu.memory_space<vmem_shared>>
      %dma_start3A_130 = arith.constant 0 : i32
      %dma_start3A_131 = arith.constant 0 : i32
      %dma_start3A_132 = tpu.memref_slice %arg7[%run_scoped3A_13, %dma_start3A_130, %dma_start3A_131] : memref<3x64x128xf32, #tpu.memory_space<vmem>> -> memref<1x64x128xf32, #tpu.memory_space<vmem>>
      %dma_start3A_133 = tpu.memref_squeeze %dma_start3A_132 : memref<1x64x128xf32, #tpu.memory_space<vmem>> -> memref<64x128xf32, #tpu.memory_space<vmem>>
      tpu.enqueue_dma source(%dma_start3A_133 : memref<64x128xf32, #tpu.memory_space<vmem>>) target(%dma_start3A_129 : memref<64x128xf32, #tpu.memory_space<vmem_shared>>) target_semaphore(%run_scoped3A_121 : memref<!tpu.dma_semaphore, #tpu.memory_space<semaphore_mem>>)
      %dma_wait3A_134 = arith.constant 0 : i32
      %dma_wait3A_135 = arith.constant 0 : i32
      %dma_wait3A_136 = tpu.memref_slice %arg7[%run_scoped3A_13, %dma_wait3A_134, %dma_wait3A_135] : memref<3x64x128xf32, #tpu.memory_space<vmem>> -> memref<1x64x128xf32, #tpu.memory_space<vmem>>
      %dma_wait3A_137 = tpu.memref_squeeze %dma_wait3A_136 : memref<1x64x128xf32, #tpu.memory_space<vmem>> -> memref<64x128xf32, #tpu.memory_space<vmem>>
      %dma_wait3A_138 = arith.constant 0 : i32
      %dma_wait3A_139 = tpu.memref_slice %arg8[%add3A_12, %dma_wait3A_138] : memref<10240x128xf32, #tpu.memory_space<vmem_shared>> -> memref<64x128xf32, #tpu.memory_space<vmem_shared>>
      %dma_wait3A_140 = arith.constant 0 : i32
      %dma_wait3A_141 = tpu.memref_slice %arg8[%add3A_12, %dma_wait3A_140] : memref<10240x128xf32, #tpu.memory_space<vmem_shared>> -> memref<64x128xf32, #tpu.memory_space<vmem_shared>>
      %dma_wait3A_142 = arith.constant 0 : i32
      %dma_wait3A_143 = arith.constant 0 : i32
      %dma_wait3A_144 = tpu.memref_slice %arg7[%run_scoped3A_13, %dma_wait3A_142, %dma_wait3A_143] : memref<3x64x128xf32, #tpu.memory_space<vmem>> -> memref<1x64x128xf32, #tpu.memory_space<vmem>>
      %dma_wait3A_145 = tpu.memref_squeeze %dma_wait3A_144 : memref<1x64x128xf32, #tpu.memory_space<vmem>> -> memref<64x128xf32, #tpu.memory_space<vmem>>
      tpu.wait_dma2 semaphore(%run_scoped3A_121 : memref<!tpu.dma_semaphore, #tpu.memory_space<semaphore_mem>>) src(%dma_wait3A_145 : memref<64x128xf32, #tpu.memory_space<vmem>>) dst(%dma_wait3A_141 : memref<64x128xf32, #tpu.memory_space<vmem_shared>>)
      tpu.yield
    }) : () -> ()
    %mul3A_14 = arith.constant 640 : i32
    %mul3A_15 = arith.muli %arg1, %mul3A_14 : i32
    %add3A_16 = arith.constant 128 : i32
    %add3A_17 = arith.addi %mul3A_15, %add3A_16 : i32
    %run_scoped3A_18 = arith.constant 0 : i32
    "tpu.region"() ({
      %run_scoped3A_121 = tpu.sem_alloc : memref<!tpu.dma_semaphore, #tpu.memory_space<semaphore_mem>>
      %dma_start3A_122 = arith.constant 0 : i32
      %dma_start3A_123 = arith.constant 0 : i32
      %dma_start3A_124 = tpu.memref_slice %arg7[%run_scoped3A_18, %dma_start3A_122, %dma_start3A_123] : memref<3x64x128xf32, #tpu.memory_space<vmem>> -> memref<1x64x128xf32, #tpu.memory_space<vmem>>
      %dma_start3A_125 = tpu.memref_squeeze %dma_start3A_124 : memref<1x64x128xf32, #tpu.memory_space<vmem>> -> memref<64x128xf32, #tpu.memory_space<vmem>>
      %dma_start3A_126 = arith.constant 0 : i32
      %dma_start3A_127 = tpu.memref_slice %arg8[%add3A_17, %dma_start3A_126] : memref<10240x128xf32, #tpu.memory_space<vmem_shared>> -> memref<64x128xf32, #tpu.memory_space<vmem_shared>>
      %dma_start3A_128 = arith.constant 0 : i32
      %dma_start3A_129 = tpu.memref_slice %arg8[%add3A_17, %dma_start3A_128] : memref<10240x128xf32, #tpu.memory_space<vmem_shared>> -> memref<64x128xf32, #tpu.memory_space<vmem_shared>>
      %dma_start3A_130 = arith.constant 0 : i32
      %dma_start3A_131 = arith.constant 0 : i32
      %dma_start3A_132 = tpu.memref_slice %arg7[%run_scoped3A_18, %dma_start3A_130, %dma_start3A_131] : memref<3x64x128xf32, #tpu.memory_space<vmem>> -> memref<1x64x128xf32, #tpu.memory_space<vmem>>
      %dma_start3A_133 = tpu.memref_squeeze %dma_start3A_132 : memref<1x64x128xf32, #tpu.memory_space<vmem>> -> memref<64x128xf32, #tpu.memory_space<vmem>>
      tpu.enqueue_dma source(%dma_start3A_133 : memref<64x128xf32, #tpu.memory_space<vmem>>) target(%dma_start3A_129 : memref<64x128xf32, #tpu.memory_space<vmem_shared>>) target_semaphore(%run_scoped3A_121 : memref<!tpu.dma_semaphore, #tpu.memory_space<semaphore_mem>>)
      %dma_wait3A_134 = arith.constant 0 : i32
      %dma_wait3A_135 = arith.constant 0 : i32
      %dma_wait3A_136 = tpu.memref_slice %arg7[%run_scoped3A_18, %dma_wait3A_134, %dma_wait3A_135] : memref<3x64x128xf32, #tpu.memory_space<vmem>> -> memref<1x64x128xf32, #tpu.memory_space<vmem>>
      %dma_wait3A_137 = tpu.memref_squeeze %dma_wait3A_136 : memref<1x64x128xf32, #tpu.memory_space<vmem>> -> memref<64x128xf32, #tpu.memory_space<vmem>>
      %dma_wait3A_138 = arith.constant 0 : i32
      %dma_wait3A_139 = tpu.memref_slice %arg8[%add3A_17, %dma_wait3A_138] : memref<10240x128xf32, #tpu.memory_space<vmem_shared>> -> memref<64x128xf32, #tpu.memory_space<vmem_shared>>
      %dma_wait3A_140 = arith.constant 0 : i32
      %dma_wait3A_141 = tpu.memref_slice %arg8[%add3A_17, %dma_wait3A_140] : memref<10240x128xf32, #tpu.memory_space<vmem_shared>> -> memref<64x128xf32, #tpu.memory_space<vmem_shared>>
      %dma_wait3A_142 = arith.constant 0 : i32
      %dma_wait3A_143 = arith.constant 0 : i32
      %dma_wait3A_144 = tpu.memref_slice %arg7[%run_scoped3A_18, %dma_wait3A_142, %dma_wait3A_143] : memref<3x64x128xf32, #tpu.memory_space<vmem>> -> memref<1x64x128xf32, #tpu.memory_space<vmem>>
      %dma_wait3A_145 = tpu.memref_squeeze %dma_wait3A_144 : memref<1x64x128xf32, #tpu.memory_space<vmem>> -> memref<64x128xf32, #tpu.memory_space<vmem>>
      tpu.wait_dma2 semaphore(%run_scoped3A_121 : memref<!tpu.dma_semaphore, #tpu.memory_space<semaphore_mem>>) src(%dma_wait3A_145 : memref<64x128xf32, #tpu.memory_space<vmem>>) dst(%dma_wait3A_141 : memref<64x128xf32, #tpu.memory_space<vmem_shared>>)
      tpu.yield
    }) : () -> ()
    %mul3A_19 = arith.constant 640 : i32
    %mul3A_20 = arith.muli %arg1, %mul3A_19 : i32
    %add3A_21 = arith.constant 192 : i32
    %add3A_22 = arith.addi %mul3A_20, %add3A_21 : i32
    %run_scoped3A_23 = arith.constant 0 : i32
    "tpu.region"() ({
      %run_scoped3A_121 = tpu.sem_alloc : memref<!tpu.dma_semaphore, #tpu.memory_space<semaphore_mem>>
      %dma_start3A_122 = arith.constant 0 : i32
      %dma_start3A_123 = arith.constant 0 : i32
      %dma_start3A_124 = tpu.memref_slice %arg7[%run_scoped3A_23, %dma_start3A_122, %dma_start3A_123] : memref<3x64x128xf32, #tpu.memory_space<vmem>> -> memref<1x64x128xf32, #tpu.memory_space<vmem>>
      %dma_start3A_125 = tpu.memref_squeeze %dma_start3A_124 : memref<1x64x128xf32, #tpu.memory_space<vmem>> -> memref<64x128xf32, #tpu.memory_space<vmem>>
      %dma_start3A_126 = arith.constant 0 : i32
      %dma_start3A_127 = tpu.memref_slice %arg8[%add3A_22, %dma_start3A_126] : memref<10240x128xf32, #tpu.memory_space<vmem_shared>> -> memref<64x128xf32, #tpu.memory_space<vmem_shared>>
      %dma_start3A_128 = arith.constant 0 : i32
      %dma_start3A_129 = tpu.memref_slice %arg8[%add3A_22, %dma_start3A_128] : memref<10240x128xf32, #tpu.memory_space<vmem_shared>> -> memref<64x128xf32, #tpu.memory_space<vmem_shared>>
      %dma_start3A_130 = arith.constant 0 : i32
      %dma_start3A_131 = arith.constant 0 : i32
      %dma_start3A_132 = tpu.memref_slice %arg7[%run_scoped3A_23, %dma_start3A_130, %dma_start3A_131] : memref<3x64x128xf32, #tpu.memory_space<vmem>> -> memref<1x64x128xf32, #tpu.memory_space<vmem>>
      %dma_start3A_133 = tpu.memref_squeeze %dma_start3A_132 : memref<1x64x128xf32, #tpu.memory_space<vmem>> -> memref<64x128xf32, #tpu.memory_space<vmem>>
      tpu.enqueue_dma source(%dma_start3A_133 : memref<64x128xf32, #tpu.memory_space<vmem>>) target(%dma_start3A_129 : memref<64x128xf32, #tpu.memory_space<vmem_shared>>) target_semaphore(%run_scoped3A_121 : memref<!tpu.dma_semaphore, #tpu.memory_space<semaphore_mem>>)
      %dma_wait3A_134 = arith.constant 0 : i32
      %dma_wait3A_135 = arith.constant 0 : i32
      %dma_wait3A_136 = tpu.memref_slice %arg7[%run_scoped3A_23, %dma_wait3A_134, %dma_wait3A_135] : memref<3x64x128xf32, #tpu.memory_space<vmem>> -> memref<1x64x128xf32, #tpu.memory_space<vmem>>
      %dma_wait3A_137 = tpu.memref_squeeze %dma_wait3A_136 : memref<1x64x128xf32, #tpu.memory_space<vmem>> -> memref<64x128xf32, #tpu.memory_space<vmem>>
      %dma_wait3A_138 = arith.constant 0 : i32
      %dma_wait3A_139 = tpu.memref_slice %arg8[%add3A_22, %dma_wait3A_138] : memref<10240x128xf32, #tpu.memory_space<vmem_shared>> -> memref<64x128xf32, #tpu.memory_space<vmem_shared>>
      %dma_wait3A_140 = arith.constant 0 : i32
      %dma_wait3A_141 = tpu.memref_slice %arg8[%add3A_22, %dma_wait3A_140] : memref<10240x128xf32, #tpu.memory_space<vmem_shared>> -> memref<64x128xf32, #tpu.memory_space<vmem_shared>>
      %dma_wait3A_142 = arith.constant 0 : i32
      %dma_wait3A_143 = arith.constant 0 : i32
      %dma_wait3A_144 = tpu.memref_slice %arg7[%run_scoped3A_23, %dma_wait3A_142, %dma_wait3A_143] : memref<3x64x128xf32, #tpu.memory_space<vmem>> -> memref<1x64x128xf32, #tpu.memory_space<vmem>>
      %dma_wait3A_145 = tpu.memref_squeeze %dma_wait3A_144 : memref<1x64x128xf32, #tpu.memory_space<vmem>> -> memref<64x128xf32, #tpu.memory_space<vmem>>
      tpu.wait_dma2 semaphore(%run_scoped3A_121 : memref<!tpu.dma_semaphore, #tpu.memory_space<semaphore_mem>>) src(%dma_wait3A_145 : memref<64x128xf32, #tpu.memory_space<vmem>>) dst(%dma_wait3A_141 : memref<64x128xf32, #tpu.memory_space<vmem_shared>>)
      tpu.yield
    }) : () -> ()
    %mul3A_24 = arith.constant 640 : i32
    %mul3A_25 = arith.muli %arg1, %mul3A_24 : i32
    %add3A_26 = arith.constant 256 : i32
    %add3A_27 = arith.addi %mul3A_25, %add3A_26 : i32
    %run_scoped3A_28 = arith.constant 0 : i32
    "tpu.region"() ({
      %run_scoped3A_121 = tpu.sem_alloc : memref<!tpu.dma_semaphore, #tpu.memory_space<semaphore_mem>>
      %dma_start3A_122 = arith.constant 0 : i32
      %dma_start3A_123 = arith.constant 0 : i32
      %dma_start3A_124 = tpu.memref_slice %arg7[%run_scoped3A_28, %dma_start3A_122, %dma_start3A_123] : memref<3x64x128xf32, #tpu.memory_space<vmem>> -> memref<1x64x128xf32, #tpu.memory_space<vmem>>
      %dma_start3A_125 = tpu.memref_squeeze %dma_start3A_124 : memref<1x64x128xf32, #tpu.memory_space<vmem>> -> memref<64x128xf32, #tpu.memory_space<vmem>>
      %dma_start3A_126 = arith.constant 0 : i32
      %dma_start3A_127 = tpu.memref_slice %arg8[%add3A_27, %dma_start3A_126] : memref<10240x128xf32, #tpu.memory_space<vmem_shared>> -> memref<64x128xf32, #tpu.memory_space<vmem_shared>>
      %dma_start3A_128 = arith.constant 0 : i32
      %dma_start3A_129 = tpu.memref_slice %arg8[%add3A_27, %dma_start3A_128] : memref<10240x128xf32, #tpu.memory_space<vmem_shared>> -> memref<64x128xf32, #tpu.memory_space<vmem_shared>>
      %dma_start3A_130 = arith.constant 0 : i32
      %dma_start3A_131 = arith.constant 0 : i32
      %dma_start3A_132 = tpu.memref_slice %arg7[%run_scoped3A_28, %dma_start3A_130, %dma_start3A_131] : memref<3x64x128xf32, #tpu.memory_space<vmem>> -> memref<1x64x128xf32, #tpu.memory_space<vmem>>
      %dma_start3A_133 = tpu.memref_squeeze %dma_start3A_132 : memref<1x64x128xf32, #tpu.memory_space<vmem>> -> memref<64x128xf32, #tpu.memory_space<vmem>>
      tpu.enqueue_dma source(%dma_start3A_133 : memref<64x128xf32, #tpu.memory_space<vmem>>) target(%dma_start3A_129 : memref<64x128xf32, #tpu.memory_space<vmem_shared>>) target_semaphore(%run_scoped3A_121 : memref<!tpu.dma_semaphore, #tpu.memory_space<semaphore_mem>>)
      %dma_wait3A_134 = arith.constant 0 : i32
      %dma_wait3A_135 = arith.constant 0 : i32
      %dma_wait3A_136 = tpu.memref_slice %arg7[%run_scoped3A_28, %dma_wait3A_134, %dma_wait3A_135] : memref<3x64x128xf32, #tpu.memory_space<vmem>> -> memref<1x64x128xf32, #tpu.memory_space<vmem>>
      %dma_wait3A_137 = tpu.memref_squeeze %dma_wait3A_136 : memref<1x64x128xf32, #tpu.memory_space<vmem>> -> memref<64x128xf32, #tpu.memory_space<vmem>>
      %dma_wait3A_138 = arith.constant 0 : i32
      %dma_wait3A_139 = tpu.memref_slice %arg8[%add3A_27, %dma_wait3A_138] : memref<10240x128xf32, #tpu.memory_space<vmem_shared>> -> memref<64x128xf32, #tpu.memory_space<vmem_shared>>
      %dma_wait3A_140 = arith.constant 0 : i32
      %dma_wait3A_141 = tpu.memref_slice %arg8[%add3A_27, %dma_wait3A_140] : memref<10240x128xf32, #tpu.memory_space<vmem_shared>> -> memref<64x128xf32, #tpu.memory_space<vmem_shared>>
      %dma_wait3A_142 = arith.constant 0 : i32
      %dma_wait3A_143 = arith.constant 0 : i32
      %dma_wait3A_144 = tpu.memref_slice %arg7[%run_scoped3A_28, %dma_wait3A_142, %dma_wait3A_143] : memref<3x64x128xf32, #tpu.memory_space<vmem>> -> memref<1x64x128xf32, #tpu.memory_space<vmem>>
      %dma_wait3A_145 = tpu.memref_squeeze %dma_wait3A_144 : memref<1x64x128xf32, #tpu.memory_space<vmem>> -> memref<64x128xf32, #tpu.memory_space<vmem>>
      tpu.wait_dma2 semaphore(%run_scoped3A_121 : memref<!tpu.dma_semaphore, #tpu.memory_space<semaphore_mem>>) src(%dma_wait3A_145 : memref<64x128xf32, #tpu.memory_space<vmem>>) dst(%dma_wait3A_141 : memref<64x128xf32, #tpu.memory_space<vmem_shared>>)
      tpu.yield
    }) : () -> ()
    %mul3A_29 = arith.constant 640 : i32
    %mul3A_30 = arith.muli %arg1, %mul3A_29 : i32
    %add3A_31 = arith.constant 320 : i32
    %add3A_32 = arith.addi %mul3A_30, %add3A_31 : i32
    %run_scoped3A_33 = arith.constant 0 : i32
    "tpu.region"() ({
      %run_scoped3A_121 = tpu.sem_alloc : memref<!tpu.dma_semaphore, #tpu.memory_space<semaphore_mem>>
      %dma_start3A_122 = arith.constant 0 : i32
      %dma_start3A_123 = arith.constant 0 : i32
      %dma_start3A_124 = tpu.memref_slice %arg7[%run_scoped3A_33, %dma_start3A_122, %dma_start3A_123] : memref<3x64x128xf32, #tpu.memory_space<vmem>> -> memref<1x64x128xf32, #tpu.memory_space<vmem>>
      %dma_start3A_125 = tpu.memref_squeeze %dma_start3A_124 : memref<1x64x128xf32, #tpu.memory_space<vmem>> -> memref<64x128xf32, #tpu.memory_space<vmem>>
      %dma_start3A_126 = arith.constant 0 : i32
      %dma_start3A_127 = tpu.memref_slice %arg8[%add3A_32, %dma_start3A_126] : memref<10240x128xf32, #tpu.memory_space<vmem_shared>> -> memref<64x128xf32, #tpu.memory_space<vmem_shared>>
      %dma_start3A_128 = arith.constant 0 : i32
      %dma_start3A_129 = tpu.memref_slice %arg8[%add3A_32, %dma_start3A_128] : memref<10240x128xf32, #tpu.memory_space<vmem_shared>> -> memref<64x128xf32, #tpu.memory_space<vmem_shared>>
      %dma_start3A_130 = arith.constant 0 : i32
      %dma_start3A_131 = arith.constant 0 : i32
      %dma_start3A_132 = tpu.memref_slice %arg7[%run_scoped3A_33, %dma_start3A_130, %dma_start3A_131] : memref<3x64x128xf32, #tpu.memory_space<vmem>> -> memref<1x64x128xf32, #tpu.memory_space<vmem>>
      %dma_start3A_133 = tpu.memref_squeeze %dma_start3A_132 : memref<1x64x128xf32, #tpu.memory_space<vmem>> -> memref<64x128xf32, #tpu.memory_space<vmem>>
      tpu.enqueue_dma source(%dma_start3A_133 : memref<64x128xf32, #tpu.memory_space<vmem>>) target(%dma_start3A_129 : memref<64x128xf32, #tpu.memory_space<vmem_shared>>) target_semaphore(%run_scoped3A_121 : memref<!tpu.dma_semaphore, #tpu.memory_space<semaphore_mem>>)
      %dma_wait3A_134 = arith.constant 0 : i32
      %dma_wait3A_135 = arith.constant 0 : i32
      %dma_wait3A_136 = tpu.memref_slice %arg7[%run_scoped3A_33, %dma_wait3A_134, %dma_wait3A_135] : memref<3x64x128xf32, #tpu.memory_space<vmem>> -> memref<1x64x128xf32, #tpu.memory_space<vmem>>
      %dma_wait3A_137 = tpu.memref_squeeze %dma_wait3A_136 : memref<1x64x128xf32, #tpu.memory_space<vmem>> -> memref<64x128xf32, #tpu.memory_space<vmem>>
      %dma_wait3A_138 = arith.constant 0 : i32
      %dma_wait3A_139 = tpu.memref_slice %arg8[%add3A_32, %dma_wait3A_138] : memref<10240x128xf32, #tpu.memory_space<vmem_shared>> -> memref<64x128xf32, #tpu.memory_space<vmem_shared>>
      %dma_wait3A_140 = arith.constant 0 : i32
      %dma_wait3A_141 = tpu.memref_slice %arg8[%add3A_32, %dma_wait3A_140] : memref<10240x128xf32, #tpu.memory_space<vmem_shared>> -> memref<64x128xf32, #tpu.memory_space<vmem_shared>>
      %dma_wait3A_142 = arith.constant 0 : i32
      %dma_wait3A_143 = arith.constant 0 : i32
      %dma_wait3A_144 = tpu.memref_slice %arg7[%run_scoped3A_33, %dma_wait3A_142, %dma_wait3A_143] : memref<3x64x128xf32, #tpu.memory_space<vmem>> -> memref<1x64x128xf32, #tpu.memory_space<vmem>>
      %dma_wait3A_145 = tpu.memref_squeeze %dma_wait3A_144 : memref<1x64x128xf32, #tpu.memory_space<vmem>> -> memref<64x128xf32, #tpu.memory_space<vmem>>
      tpu.wait_dma2 semaphore(%run_scoped3A_121 : memref<!tpu.dma_semaphore, #tpu.memory_space<semaphore_mem>>) src(%dma_wait3A_145 : memref<64x128xf32, #tpu.memory_space<vmem>>) dst(%dma_wait3A_141 : memref<64x128xf32, #tpu.memory_space<vmem_shared>>)
      tpu.yield
    }) : () -> ()
    %mul3A_34 = arith.constant 640 : i32
    %mul3A_35 = arith.muli %arg1, %mul3A_34 : i32
    %add3A_36 = arith.constant 384 : i32
    %add3A_37 = arith.addi %mul3A_35, %add3A_36 : i32
    %run_scoped3A_38 = arith.constant 0 : i32
    "tpu.region"() ({
      %run_scoped3A_121 = tpu.sem_alloc : memref<!tpu.dma_semaphore, #tpu.memory_space<semaphore_mem>>
      %dma_start3A_122 = arith.constant 0 : i32
      %dma_start3A_123 = arith.constant 0 : i32
      %dma_start3A_124 = tpu.memref_slice %arg7[%run_scoped3A_38, %dma_start3A_122, %dma_start3A_123] : memref<3x64x128xf32, #tpu.memory_space<vmem>> -> memref<1x64x128xf32, #tpu.memory_space<vmem>>
      %dma_start3A_125 = tpu.memref_squeeze %dma_start3A_124 : memref<1x64x128xf32, #tpu.memory_space<vmem>> -> memref<64x128xf32, #tpu.memory_space<vmem>>
      %dma_start3A_126 = arith.constant 0 : i32
      %dma_start3A_127 = tpu.memref_slice %arg8[%add3A_37, %dma_start3A_126] : memref<10240x128xf32, #tpu.memory_space<vmem_shared>> -> memref<64x128xf32, #tpu.memory_space<vmem_shared>>
      %dma_start3A_128 = arith.constant 0 : i32
      %dma_start3A_129 = tpu.memref_slice %arg8[%add3A_37, %dma_start3A_128] : memref<10240x128xf32, #tpu.memory_space<vmem_shared>> -> memref<64x128xf32, #tpu.memory_space<vmem_shared>>
      %dma_start3A_130 = arith.constant 0 : i32
      %dma_start3A_131 = arith.constant 0 : i32
      %dma_start3A_132 = tpu.memref_slice %arg7[%run_scoped3A_38, %dma_start3A_130, %dma_start3A_131] : memref<3x64x128xf32, #tpu.memory_space<vmem>> -> memref<1x64x128xf32, #tpu.memory_space<vmem>>
      %dma_start3A_133 = tpu.memref_squeeze %dma_start3A_132 : memref<1x64x128xf32, #tpu.memory_space<vmem>> -> memref<64x128xf32, #tpu.memory_space<vmem>>
      tpu.enqueue_dma source(%dma_start3A_133 : memref<64x128xf32, #tpu.memory_space<vmem>>) target(%dma_start3A_129 : memref<64x128xf32, #tpu.memory_space<vmem_shared>>) target_semaphore(%run_scoped3A_121 : memref<!tpu.dma_semaphore, #tpu.memory_space<semaphore_mem>>)
      %dma_wait3A_134 = arith.constant 0 : i32
      %dma_wait3A_135 = arith.constant 0 : i32
      %dma_wait3A_136 = tpu.memref_slice %arg7[%run_scoped3A_38, %dma_wait3A_134, %dma_wait3A_135] : memref<3x64x128xf32, #tpu.memory_space<vmem>> -> memref<1x64x128xf32, #tpu.memory_space<vmem>>
      %dma_wait3A_137 = tpu.memref_squeeze %dma_wait3A_136 : memref<1x64x128xf32, #tpu.memory_space<vmem>> -> memref<64x128xf32, #tpu.memory_space<vmem>>
      %dma_wait3A_138 = arith.constant 0 : i32
      %dma_wait3A_139 = tpu.memref_slice %arg8[%add3A_37, %dma_wait3A_138] : memref<10240x128xf32, #tpu.memory_space<vmem_shared>> -> memref<64x128xf32, #tpu.memory_space<vmem_shared>>
      %dma_wait3A_140 = arith.constant 0 : i32
      %dma_wait3A_141 = tpu.memref_slice %arg8[%add3A_37, %dma_wait3A_140] : memref<10240x128xf32, #tpu.memory_space<vmem_shared>> -> memref<64x128xf32, #tpu.memory_space<vmem_shared>>
      %dma_wait3A_142 = arith.constant 0 : i32
      %dma_wait3A_143 = arith.constant 0 : i32
      %dma_wait3A_144 = tpu.memref_slice %arg7[%run_scoped3A_38, %dma_wait3A_142, %dma_wait3A_143] : memref<3x64x128xf32, #tpu.memory_space<vmem>> -> memref<1x64x128xf32, #tpu.memory_space<vmem>>
      %dma_wait3A_145 = tpu.memref_squeeze %dma_wait3A_144 : memref<1x64x128xf32, #tpu.memory_space<vmem>> -> memref<64x128xf32, #tpu.memory_space<vmem>>
      tpu.wait_dma2 semaphore(%run_scoped3A_121 : memref<!tpu.dma_semaphore, #tpu.memory_space<semaphore_mem>>) src(%dma_wait3A_145 : memref<64x128xf32, #tpu.memory_space<vmem>>) dst(%dma_wait3A_141 : memref<64x128xf32, #tpu.memory_space<vmem_shared>>)
      tpu.yield
    }) : () -> ()
    %mul3A_39 = arith.constant 640 : i32
    %mul3A_40 = arith.muli %arg1, %mul3A_39 : i32
    %add3A_41 = arith.constant 448 : i32
    %add3A_42 = arith.addi %mul3A_40, %add3A_41 : i32
    %run_scoped3A_43 = arith.constant 0 : i32
    "tpu.region"() ({
      %run_scoped3A_121 = tpu.sem_alloc : memref<!tpu.dma_semaphore, #tpu.memory_space<semaphore_mem>>
      %dma_start3A_122 = arith.constant 0 : i32
      %dma_start3A_123 = arith.constant 0 : i32
      %dma_start3A_124 = tpu.memref_slice %arg7[%run_scoped3A_43, %dma_start3A_122, %dma_start3A_123] : memref<3x64x128xf32, #tpu.memory_space<vmem>> -> memref<1x64x128xf32, #tpu.memory_space<vmem>>
      %dma_start3A_125 = tpu.memref_squeeze %dma_start3A_124 : memref<1x64x128xf32, #tpu.memory_space<vmem>> -> memref<64x128xf32, #tpu.memory_space<vmem>>
      %dma_start3A_126 = arith.constant 0 : i32
      %dma_start3A_127 = tpu.memref_slice %arg8[%add3A_42, %dma_start3A_126] : memref<10240x128xf32, #tpu.memory_space<vmem_shared>> -> memref<64x128xf32, #tpu.memory_space<vmem_shared>>
      %dma_start3A_128 = arith.constant 0 : i32
      %dma_start3A_129 = tpu.memref_slice %arg8[%add3A_42, %dma_start3A_128] : memref<10240x128xf32, #tpu.memory_space<vmem_shared>> -> memref<64x128xf32, #tpu.memory_space<vmem_shared>>
      %dma_start3A_130 = arith.constant 0 : i32
      %dma_start3A_131 = arith.constant 0 : i32
      %dma_start3A_132 = tpu.memref_slice %arg7[%run_scoped3A_43, %dma_start3A_130, %dma_start3A_131] : memref<3x64x128xf32, #tpu.memory_space<vmem>> -> memref<1x64x128xf32, #tpu.memory_space<vmem>>
      %dma_start3A_133 = tpu.memref_squeeze %dma_start3A_132 : memref<1x64x128xf32, #tpu.memory_space<vmem>> -> memref<64x128xf32, #tpu.memory_space<vmem>>
      tpu.enqueue_dma source(%dma_start3A_133 : memref<64x128xf32, #tpu.memory_space<vmem>>) target(%dma_start3A_129 : memref<64x128xf32, #tpu.memory_space<vmem_shared>>) target_semaphore(%run_scoped3A_121 : memref<!tpu.dma_semaphore, #tpu.memory_space<semaphore_mem>>)
      %dma_wait3A_134 = arith.constant 0 : i32
      %dma_wait3A_135 = arith.constant 0 : i32
      %dma_wait3A_136 = tpu.memref_slice %arg7[%run_scoped3A_43, %dma_wait3A_134, %dma_wait3A_135] : memref<3x64x128xf32, #tpu.memory_space<vmem>> -> memref<1x64x128xf32, #tpu.memory_space<vmem>>
      %dma_wait3A_137 = tpu.memref_squeeze %dma_wait3A_136 : memref<1x64x128xf32, #tpu.memory_space<vmem>> -> memref<64x128xf32, #tpu.memory_space<vmem>>
      %dma_wait3A_138 = arith.constant 0 : i32
      %dma_wait3A_139 = tpu.memref_slice %arg8[%add3A_42, %dma_wait3A_138] : memref<10240x128xf32, #tpu.memory_space<vmem_shared>> -> memref<64x128xf32, #tpu.memory_space<vmem_shared>>
      %dma_wait3A_140 = arith.constant 0 : i32
      %dma_wait3A_141 = tpu.memref_slice %arg8[%add3A_42, %dma_wait3A_140] : memref<10240x128xf32, #tpu.memory_space<vmem_shared>> -> memref<64x128xf32, #tpu.memory_space<vmem_shared>>
      %dma_wait3A_142 = arith.constant 0 : i32
      %dma_wait3A_143 = arith.constant 0 : i32
      %dma_wait3A_144 = tpu.memref_slice %arg7[%run_scoped3A_43, %dma_wait3A_142, %dma_wait3A_143] : memref<3x64x128xf32, #tpu.memory_space<vmem>> -> memref<1x64x128xf32, #tpu.memory_space<vmem>>
      %dma_wait3A_145 = tpu.memref_squeeze %dma_wait3A_144 : memref<1x64x128xf32, #tpu.memory_space<vmem>> -> memref<64x128xf32, #tpu.memory_space<vmem>>
      tpu.wait_dma2 semaphore(%run_scoped3A_121 : memref<!tpu.dma_semaphore, #tpu.memory_space<semaphore_mem>>) src(%dma_wait3A_145 : memref<64x128xf32, #tpu.memory_space<vmem>>) dst(%dma_wait3A_141 : memref<64x128xf32, #tpu.memory_space<vmem_shared>>)
      tpu.yield
    }) : () -> ()
    %mul3A_44 = arith.constant 640 : i32
    %mul3A_45 = arith.muli %arg1, %mul3A_44 : i32
    %add3A_46 = arith.constant 512 : i32
    %add3A_47 = arith.addi %mul3A_45, %add3A_46 : i32
    %run_scoped3A_48 = arith.constant 0 : i32
    "tpu.region"() ({
      %run_scoped3A_121 = tpu.sem_alloc : memref<!tpu.dma_semaphore, #tpu.memory_space<semaphore_mem>>
      %dma_start3A_122 = arith.constant 0 : i32
      %dma_start3A_123 = arith.constant 0 : i32
      %dma_start3A_124 = tpu.memref_slice %arg7[%run_scoped3A_48, %dma_start3A_122, %dma_start3A_123] : memref<3x64x128xf32, #tpu.memory_space<vmem>> -> memref<1x64x128xf32, #tpu.memory_space<vmem>>
      %dma_start3A_125 = tpu.memref_squeeze %dma_start3A_124 : memref<1x64x128xf32, #tpu.memory_space<vmem>> -> memref<64x128xf32, #tpu.memory_space<vmem>>
      %dma_start3A_126 = arith.constant 0 : i32
      %dma_start3A_127 = tpu.memref_slice %arg8[%add3A_47, %dma_start3A_126] : memref<10240x128xf32, #tpu.memory_space<vmem_shared>> -> memref<64x128xf32, #tpu.memory_space<vmem_shared>>
      %dma_start3A_128 = arith.constant 0 : i32
      %dma_start3A_129 = tpu.memref_slice %arg8[%add3A_47, %dma_start3A_128] : memref<10240x128xf32, #tpu.memory_space<vmem_shared>> -> memref<64x128xf32, #tpu.memory_space<vmem_shared>>
      %dma_start3A_130 = arith.constant 0 : i32
      %dma_start3A_131 = arith.constant 0 : i32
      %dma_start3A_132 = tpu.memref_slice %arg7[%run_scoped3A_48, %dma_start3A_130, %dma_start3A_131] : memref<3x64x128xf32, #tpu.memory_space<vmem>> -> memref<1x64x128xf32, #tpu.memory_space<vmem>>
      %dma_start3A_133 = tpu.memref_squeeze %dma_start3A_132 : memref<1x64x128xf32, #tpu.memory_space<vmem>> -> memref<64x128xf32, #tpu.memory_space<vmem>>
      tpu.enqueue_dma source(%dma_start3A_133 : memref<64x128xf32, #tpu.memory_space<vmem>>) target(%dma_start3A_129 : memref<64x128xf32, #tpu.memory_space<vmem_shared>>) target_semaphore(%run_scoped3A_121 : memref<!tpu.dma_semaphore, #tpu.memory_space<semaphore_mem>>)
      %dma_wait3A_134 = arith.constant 0 : i32
      %dma_wait3A_135 = arith.constant 0 : i32
      %dma_wait3A_136 = tpu.memref_slice %arg7[%run_scoped3A_48, %dma_wait3A_134, %dma_wait3A_135] : memref<3x64x128xf32, #tpu.memory_space<vmem>> -> memref<1x64x128xf32, #tpu.memory_space<vmem>>
      %dma_wait3A_137 = tpu.memref_squeeze %dma_wait3A_136 : memref<1x64x128xf32, #tpu.memory_space<vmem>> -> memref<64x128xf32, #tpu.memory_space<vmem>>
      %dma_wait3A_138 = arith.constant 0 : i32
      %dma_wait3A_139 = tpu.memref_slice %arg8[%add3A_47, %dma_wait3A_138] : memref<10240x128xf32, #tpu.memory_space<vmem_shared>> -> memref<64x128xf32, #tpu.memory_space<vmem_shared>>
      %dma_wait3A_140 = arith.constant 0 : i32
      %dma_wait3A_141 = tpu.memref_slice %arg8[%add3A_47, %dma_wait3A_140] : memref<10240x128xf32, #tpu.memory_space<vmem_shared>> -> memref<64x128xf32, #tpu.memory_space<vmem_shared>>
      %dma_wait3A_142 = arith.constant 0 : i32
      %dma_wait3A_143 = arith.constant 0 : i32
      %dma_wait3A_144 = tpu.memref_slice %arg7[%run_scoped3A_48, %dma_wait3A_142, %dma_wait3A_143] : memref<3x64x128xf32, #tpu.memory_space<vmem>> -> memref<1x64x128xf32, #tpu.memory_space<vmem>>
      %dma_wait3A_145 = tpu.memref_squeeze %dma_wait3A_144 : memref<1x64x128xf32, #tpu.memory_space<vmem>> -> memref<64x128xf32, #tpu.memory_space<vmem>>
      tpu.wait_dma2 semaphore(%run_scoped3A_121 : memref<!tpu.dma_semaphore, #tpu.memory_space<semaphore_mem>>) src(%dma_wait3A_145 : memref<64x128xf32, #tpu.memory_space<vmem>>) dst(%dma_wait3A_141 : memref<64x128xf32, #tpu.memory_space<vmem_shared>>)
      tpu.yield
    }) : () -> ()
    %mul3A_49 = arith.constant 640 : i32
    %mul3A_50 = arith.muli %arg1, %mul3A_49 : i32
    %add3A_51 = arith.constant 576 : i32
    %add3A_52 = arith.addi %mul3A_50, %add3A_51 : i32
    %run_scoped3A_53 = arith.constant 0 : i32
    "tpu.region"() ({
      %run_scoped3A_121 = tpu.sem_alloc : memref<!tpu.dma_semaphore, #tpu.memory_space<semaphore_mem>>
      %dma_start3A_122 = arith.constant 0 : i32
      %dma_start3A_123 = arith.constant 0 : i32
      %dma_start3A_124 = tpu.memref_slice %arg7[%run_scoped3A_53, %dma_start3A_122, %dma_start3A_123] : memref<3x64x128xf32, #tpu.memory_space<vmem>> -> memref<1x64x128xf32, #tpu.memory_space<vmem>>
      %dma_start3A_125 = tpu.memref_squeeze %dma_start3A_124 : memref<1x64x128xf32, #tpu.memory_space<vmem>> -> memref<64x128xf32, #tpu.memory_space<vmem>>
      %dma_start3A_126 = arith.constant 0 : i32
      %dma_start3A_127 = tpu.memref_slice %arg8[%add3A_52, %dma_start3A_126] : memref<10240x128xf32, #tpu.memory_space<vmem_shared>> -> memref<64x128xf32, #tpu.memory_space<vmem_shared>>
      %dma_start3A_128 = arith.constant 0 : i32
      %dma_start3A_129 = tpu.memref_slice %arg8[%add3A_52, %dma_start3A_128] : memref<10240x128xf32, #tpu.memory_space<vmem_shared>> -> memref<64x128xf32, #tpu.memory_space<vmem_shared>>
      %dma_start3A_130 = arith.constant 0 : i32
      %dma_start3A_131 = arith.constant 0 : i32
      %dma_start3A_132 = tpu.memref_slice %arg7[%run_scoped3A_53, %dma_start3A_130, %dma_start3A_131] : memref<3x64x128xf32, #tpu.memory_space<vmem>> -> memref<1x64x128xf32, #tpu.memory_space<vmem>>
      %dma_start3A_133 = tpu.memref_squeeze %dma_start3A_132 : memref<1x64x128xf32, #tpu.memory_space<vmem>> -> memref<64x128xf32, #tpu.memory_space<vmem>>
      tpu.enqueue_dma source(%dma_start3A_133 : memref<64x128xf32, #tpu.memory_space<vmem>>) target(%dma_start3A_129 : memref<64x128xf32, #tpu.memory_space<vmem_shared>>) target_semaphore(%run_scoped3A_121 : memref<!tpu.dma_semaphore, #tpu.memory_space<semaphore_mem>>)
      %dma_wait3A_134 = arith.constant 0 : i32
      %dma_wait3A_135 = arith.constant 0 : i32
      %dma_wait3A_136 = tpu.memref_slice %arg7[%run_scoped3A_53, %dma_wait3A_134, %dma_wait3A_135] : memref<3x64x128xf32, #tpu.memory_space<vmem>> -> memref<1x64x128xf32, #tpu.memory_space<vmem>>
      %dma_wait3A_137 = tpu.memref_squeeze %dma_wait3A_136 : memref<1x64x128xf32, #tpu.memory_space<vmem>> -> memref<64x128xf32, #tpu.memory_space<vmem>>
      %dma_wait3A_138 = arith.constant 0 : i32
      %dma_wait3A_139 = tpu.memref_slice %arg8[%add3A_52, %dma_wait3A_138] : memref<10240x128xf32, #tpu.memory_space<vmem_shared>> -> memref<64x128xf32, #tpu.memory_space<vmem_shared>>
      %dma_wait3A_140 = arith.constant 0 : i32
      %dma_wait3A_141 = tpu.memref_slice %arg8[%add3A_52, %dma_wait3A_140] : memref<10240x128xf32, #tpu.memory_space<vmem_shared>> -> memref<64x128xf32, #tpu.memory_space<vmem_shared>>
      %dma_wait3A_142 = arith.constant 0 : i32
      %dma_wait3A_143 = arith.constant 0 : i32
      %dma_wait3A_144 = tpu.memref_slice %arg7[%run_scoped3A_53, %dma_wait3A_142, %dma_wait3A_143] : memref<3x64x128xf32, #tpu.memory_space<vmem>> -> memref<1x64x128xf32, #tpu.memory_space<vmem>>
      %dma_wait3A_145 = tpu.memref_squeeze %dma_wait3A_144 : memref<1x64x128xf32, #tpu.memory_space<vmem>> -> memref<64x128xf32, #tpu.memory_space<vmem>>
      tpu.wait_dma2 semaphore(%run_scoped3A_121 : memref<!tpu.dma_semaphore, #tpu.memory_space<semaphore_mem>>) src(%dma_wait3A_145 : memref<64x128xf32, #tpu.memory_space<vmem>>) dst(%dma_wait3A_141 : memref<64x128xf32, #tpu.memory_space<vmem_shared>>)
      tpu.yield
    }) : () -> ()
    %scan3A_54 = arith.constant 0 : i32
    %scan3A_55 = arith.constant 0 : i32
    %scan3A_56 = arith.constant 160 : i32
    %scan3A_57 = arith.addi %scan3A_55, %scan3A_56 : i32
    %scan3A_58 = arith.constant 1 : i32
    %scan3A_59 = scf.for %scan3A_121 = %scan3A_55 to %scan3A_57 step %scan3A_58 iter_args(%scan3A_122 = %scan3A_54) -> (i32)  : i32 {
      %scan3A_123 = arith.constant 0 : i32
      %scan3A_124 = arith.constant 0 : i32
      %scan3A_125 = arith.constant 4 : i32
      %scan3A_126 = arith.addi %scan3A_124, %scan3A_125 : i32
      %scan3A_127 = arith.constant 1 : i32
      %scan3A_128 = scf.for %scan3A_130 = %scan3A_124 to %scan3A_126 step %scan3A_127 iter_args(%scan3A_131 = %scan3A_123) -> (i32)  : i32 {
        %mul3A_132 = arith.constant 16 : i32
        %mul3A_133 = arith.muli %scan3A_130, %mul3A_132 : i32
        %get3A = arith.index_cast %scan3A_121 : i32 to index
        %get3A_134 = arith.index_cast %mul3A_133 : i32 to index
        %get3A_135 = tpu.vector_load %arg5[%get3A, %get3A_134] {strides = array<i32>} : memref<160x64xi32, #tpu.memory_space<vmem>>, vector<1x16xi32>,
        %get3A_136 = vector.shape_cast %get3A_135 : vector<1x16xi32> to vector<16xi32>
        %shift_right_logical3A = arith.constant 14 : i32
        %shift_right_logical3A_137 = vector.broadcast %shift_right_logical3A : i32 to vector<16xi32>
        %shift_right_logical3A_138 = arith.shrui %get3A_136, %shift_right_logical3A_137 : vector<16xi32>
        %mul3A_139 = arith.constant 16 : i32
        %mul3A_140 = arith.muli %scan3A_130, %mul3A_139 : i32
        %swap3A = arith.index_cast %scan3A_121 : i32 to index
        %swap3A_141 = arith.index_cast %mul3A_140 : i32 to index
        %swap3A_142 = tpu.vector_load %arg6[%swap3A, %swap3A_141] {strides = array<i32>} : memref<160x64xi32, #tpu.memory_space<vmem>>, vector<1x16xi32>,
        %swap3A_143 = vector.shape_cast %swap3A_142 : vector<1x16xi32> to vector<16xi32>
        %swap3A_144 = vector.shape_cast %shift_right_logical3A_138 : vector<16xi32> to vector<1x16xi32>
        tpu.vector_store %arg6[%swap3A, %swap3A_141], %swap3A_144 {strides = array<i32>} : memref<160x64xi32, #tpu.memory_space<vmem>>, vector<1x16xi32>,
        %and3A = arith.constant 16383 : i32
        %and3A_145 = vector.broadcast %and3A : i32 to vector<16xi32>
        %and3A_146 = arith.andi %get3A_136, %and3A_145 : vector<16xi32>
        %mul3A_147 = arith.constant 16 : i32
        %mul3A_148 = arith.muli %scan3A_130, %mul3A_147 : i32
        %swap3A_149 = arith.index_cast %scan3A_121 : i32 to index
        %swap3A_150 = arith.index_cast %mul3A_148 : i32 to index
        %swap3A_151 = tpu.vector_load %arg5[%swap3A_149, %swap3A_150] {strides = array<i32>} : memref<160x64xi32, #tpu.memory_space<vmem>>, vector<1x16xi32>,
        %swap3A_152 = vector.shape_cast %swap3A_151 : vector<1x16xi32> to vector<16xi32>
        %swap3A_153 = vector.shape_cast %and3A_146 : vector<16xi32> to vector<1x16xi32>
        tpu.vector_store %arg5[%swap3A_149, %swap3A_150], %swap3A_153 {strides = array<i32>} : memref<160x64xi32, #tpu.memory_space<vmem>>, vector<1x16xi32>,
        %scan3A_154 = arith.constant 0 : i32
        scf.yield %scan3A_154 : i32
      }
      %scan3A_129 = arith.constant 4 : i32
      scf.yield %scan3A_128 : i32
    }
    %scan3A_60 = arith.constant 160 : i32
    %barrier3A = arith.constant 0 : index
    tpu.barrier barrier_id(%barrier3A)
    %dma_start3A = arith.constant 0 : i32
    %dma_start3A_61 = arith.constant 0 : i32
    %dma_start3A_62 = arith.constant 0 : i32
    %dma_start3A_63 = arith.constant 0 : i32
    %dma_start3A_64 = tpu.memref_slice %arg7[%dma_start3A_61, %dma_start3A_62, %dma_start3A_63] : memref<3x64x128xf32, #tpu.memory_space<vmem>> -> memref<1x64x128xf32, #tpu.memory_space<vmem>>
    %dma_start3A_65 = tpu.memref_squeeze %dma_start3A_64 : memref<1x64x128xf32, #tpu.memory_space<vmem>> -> memref<64x128xf32, #tpu.memory_space<vmem>>
    %dma_start3A_66 = arith.constant 0 : i32
    %dma_start3A_67 = tpu.memref_slice %arg5[%dma_start3A, %dma_start3A_66] : memref<160x64xi32, #tpu.memory_space<vmem>> -> memref<1x64xi32, #tpu.memory_space<vmem>>
    %dma_start3A_68 = tpu.memref_squeeze %dma_start3A_67 : memref<1x64xi32, #tpu.memory_space<vmem>> -> memref<64xi32, #tpu.memory_space<vmem>>
    %dma_start3A_69 = arith.constant 0 : i32
    %dma_start3A_70 = arith.constant 0 : i32
    %dma_start3A_71 = tpu.memref_slice %arg2[%dma_start3A_69, %dma_start3A_70] : memref<10240x128xf32, #tpu.memory_space<hbm>> -> memref<10240x128xf32, #tpu.memory_space<hbm>>
    tpu.enqueue_indirect_dma source(%dma_start3A_71 : memref<10240x128xf32, #tpu.memory_space<hbm>>) target(%dma_start3A_65 : memref<64x128xf32, #tpu.memory_space<vmem>>) offsets(%dma_start3A_68 : memref<64xi32, #tpu.memory_space<vmem>>) semaphore(%arg9 : memref<!tpu.dma_semaphore, #tpu.memory_space<semaphore_mem>>)
    %dma_start3A_72 = arith.constant 1 : i32
    %dma_start3A_73 = arith.constant 1 : i32
    %dma_start3A_74 = arith.constant 0 : i32
    %dma_start3A_75 = arith.constant 0 : i32
    %dma_start3A_76 = tpu.memref_slice %arg7[%dma_start3A_73, %dma_start3A_74, %dma_start3A_75] : memref<3x64x128xf32, #tpu.memory_space<vmem>> -> memref<1x64x128xf32, #tpu.memory_space<vmem>>
    %dma_start3A_77 = tpu.memref_squeeze %dma_start3A_76 : memref<1x64x128xf32, #tpu.memory_space<vmem>> -> memref<64x128xf32, #tpu.memory_space<vmem>>
    %dma_start3A_78 = arith.constant 0 : i32
    %dma_start3A_79 = tpu.memref_slice %arg5[%dma_start3A_72, %dma_start3A_78] : memref<160x64xi32, #tpu.memory_space<vmem>> -> memref<1x64xi32, #tpu.memory_space<vmem>>
    %dma_start3A_80 = tpu.memref_squeeze %dma_start3A_79 : memref<1x64xi32, #tpu.memory_space<vmem>> -> memref<64xi32, #tpu.memory_space<vmem>>
    %dma_start3A_81 = arith.constant 0 : i32
    %dma_start3A_82 = arith.constant 0 : i32
    %dma_start3A_83 = tpu.memref_slice %arg2[%dma_start3A_81, %dma_start3A_82] : memref<10240x128xf32, #tpu.memory_space<hbm>> -> memref<10240x128xf32, #tpu.memory_space<hbm>>
    tpu.enqueue_indirect_dma source(%dma_start3A_83 : memref<10240x128xf32, #tpu.memory_space<hbm>>) target(%dma_start3A_77 : memref<64x128xf32, #tpu.memory_space<vmem>>) offsets(%dma_start3A_80 : memref<64xi32, #tpu.memory_space<vmem>>) semaphore(%arg10 : memref<!tpu.dma_semaphore, #tpu.memory_space<semaphore_mem>>)
    %dma_start3A_84 = arith.constant 2 : i32
    %dma_start3A_85 = arith.constant 2 : i32
    %dma_start3A_86 = arith.constant 0 : i32
    %dma_start3A_87 = arith.constant 0 : i32
    %dma_start3A_88 = tpu.memref_slice %arg7[%dma_start3A_85, %dma_start3A_86, %dma_start3A_87] : memref<3x64x128xf32, #tpu.memory_space<vmem>> -> memref<1x64x128xf32, #tpu.memory_space<vmem>>
    %dma_start3A_89 = tpu.memref_squeeze %dma_start3A_88 : memref<1x64x128xf32, #tpu.memory_space<vmem>> -> memref<64x128xf32, #tpu.memory_space<vmem>>
    %dma_start3A_90 = arith.constant 0 : i32
    %dma_start3A_91 = tpu.memref_slice %arg5[%dma_start3A_84, %dma_start3A_90] : memref<160x64xi32, #tpu.memory_space<vmem>> -> memref<1x64xi32, #tpu.memory_space<vmem>>
    %dma_start3A_92 = tpu.memref_squeeze %dma_start3A_91 : memref<1x64xi32, #tpu.memory_space<vmem>> -> memref<64xi32, #tpu.memory_space<vmem>>
    %dma_start3A_93 = arith.constant 0 : i32
    %dma_start3A_94 = arith.constant 0 : i32
    %dma_start3A_95 = tpu.memref_slice %arg2[%dma_start3A_93, %dma_start3A_94] : memref<10240x128xf32, #tpu.memory_space<hbm>> -> memref<10240x128xf32, #tpu.memory_space<hbm>>
    tpu.enqueue_indirect_dma source(%dma_start3A_95 : memref<10240x128xf32, #tpu.memory_space<hbm>>) target(%dma_start3A_89 : memref<64x128xf32, #tpu.memory_space<vmem>>) offsets(%dma_start3A_92 : memref<64xi32, #tpu.memory_space<vmem>>) semaphore(%arg11 : memref<!tpu.dma_semaphore, #tpu.memory_space<semaphore_mem>>)
    %scan3A_96 = arith.constant 0 : i32
    %scan3A_97 = arith.constant 0 : i32
    %scan3A_98 = arith.constant 53 : i32
    %scan3A_99 = arith.addi %scan3A_97, %scan3A_98 : i32
    %scan3A_100 = arith.constant 1 : i32
    %scan3A_101 = scf.for %scan3A_121 = %scan3A_97 to %scan3A_99 step %scan3A_100 iter_args(%scan3A_122 = %scan3A_96) -> (i32)  : i32 {
      %mul3A_123 = arith.constant 3 : i32
      %mul3A_124 = arith.muli %mul3A_123, %scan3A_121 : i32
      %add3A_125 = arith.constant 0 : i32
      %add3A_126 = arith.addi %mul3A_124, %add3A_125 : i32
      %dma_wait3A_127 = arith.constant 0 : i32
      %dma_wait3A_128 = arith.constant 0 : i32
      %dma_wait3A_129 = arith.constant 0 : i32
      %dma_wait3A_130 = tpu.memref_slice %arg7[%dma_wait3A_127, %dma_wait3A_128, %dma_wait3A_129] : memref<3x64x128xf32, #tpu.memory_space<vmem>> -> memref<1x64x128xf32, #tpu.memory_space<vmem>>
      %dma_wait3A_131 = tpu.memref_squeeze %dma_wait3A_130 : memref<1x64x128xf32, #tpu.memory_space<vmem>> -> memref<64x128xf32, #tpu.memory_space<vmem>>
      %dma_wait3A_132 = arith.constant 0 : i32
      %dma_wait3A_133 = tpu.memref_slice %arg5[%add3A_126, %dma_wait3A_132] : memref<160x64xi32, #tpu.memory_space<vmem>> -> memref<1x64xi32, #tpu.memory_space<vmem>>
      %dma_wait3A_134 = tpu.memref_squeeze %dma_wait3A_133 : memref<1x64xi32, #tpu.memory_space<vmem>> -> memref<64xi32, #tpu.memory_space<vmem>>
      %dma_wait3A_135 = arith.constant 0 : i32
      %dma_wait3A_136 = arith.constant 0 : i32
      %dma_wait3A_137 = tpu.memref_slice %arg2[%dma_wait3A_135, %dma_wait3A_136] : memref<10240x128xf32, #tpu.memory_space<hbm>> -> memref<10240x128xf32, #tpu.memory_space<hbm>>
      tpu.wait_indirect_dma semaphore(%arg9 : memref<!tpu.dma_semaphore, #tpu.memory_space<semaphore_mem>>) src(%dma_wait3A_137 : memref<10240x128xf32, #tpu.memory_space<hbm>>) dst(%dma_wait3A_131 : memref<64x128xf32, #tpu.memory_space<vmem>>)
      %run_scoped3A_138 = arith.constant 0 : i32
      "tpu.region"() ({
        %run_scoped3A_190 = tpu.sem_alloc : memref<!tpu.dma_semaphore, #tpu.memory_space<semaphore_mem>>
        %dma_start3A_191 = arith.constant 0 : i32
        %dma_start3A_192 = arith.constant 0 : i32
        %dma_start3A_193 = tpu.memref_slice %arg7[%run_scoped3A_138, %dma_start3A_191, %dma_start3A_192] : memref<3x64x128xf32, #tpu.memory_space<vmem>> -> memref<1x64x128xf32, #tpu.memory_space<vmem>>
        %dma_start3A_194 = tpu.memref_squeeze %dma_start3A_193 : memref<1x64x128xf32, #tpu.memory_space<vmem>> -> memref<64x128xf32, #tpu.memory_space<vmem>>
        %dma_start3A_195 = arith.constant 0 : i32
        %dma_start3A_196 = tpu.memref_slice %arg6[%add3A_126, %dma_start3A_195] : memref<160x64xi32, #tpu.memory_space<vmem>> -> memref<1x64xi32, #tpu.memory_space<vmem>>
        %dma_start3A_197 = tpu.memref_squeeze %dma_start3A_196 : memref<1x64xi32, #tpu.memory_space<vmem>> -> memref<64xi32, #tpu.memory_space<vmem>>
        %dma_start3A_198 = arith.constant 0 : i32
        %dma_start3A_199 = arith.constant 0 : i32
        %dma_start3A_200 = tpu.memref_slice %arg8[%dma_start3A_198, %dma_start3A_199] : memref<10240x128xf32, #tpu.memory_space<vmem_shared>> -> memref<10240x128xf32, #tpu.memory_space<vmem_shared>>
        tpu.enqueue_indirect_dma source(%dma_start3A_194 : memref<64x128xf32, #tpu.memory_space<vmem>>) target(%dma_start3A_200 : memref<10240x128xf32, #tpu.memory_space<vmem_shared>>) offsets(%dma_start3A_197 : memref<64xi32, #tpu.memory_space<vmem>>) semaphore(%run_scoped3A_190 : memref<!tpu.dma_semaphore, #tpu.memory_space<semaphore_mem>>) {add = true}
        %dma_wait3A_201 = arith.constant 0 : i32
        %dma_wait3A_202 = arith.constant 0 : i32
        %dma_wait3A_203 = tpu.memref_slice %arg7[%run_scoped3A_138, %dma_wait3A_201, %dma_wait3A_202] : memref<3x64x128xf32, #tpu.memory_space<vmem>> -> memref<1x64x128xf32, #tpu.memory_space<vmem>>
        %dma_wait3A_204 = tpu.memref_squeeze %dma_wait3A_203 : memref<1x64x128xf32, #tpu.memory_space<vmem>> -> memref<64x128xf32, #tpu.memory_space<vmem>>
        %dma_wait3A_205 = arith.constant 0 : i32
        %dma_wait3A_206 = tpu.memref_slice %arg6[%add3A_126, %dma_wait3A_205] : memref<160x64xi32, #tpu.memory_space<vmem>> -> memref<1x64xi32, #tpu.memory_space<vmem>>
        %dma_wait3A_207 = tpu.memref_squeeze %dma_wait3A_206 : memref<1x64xi32, #tpu.memory_space<vmem>> -> memref<64xi32, #tpu.memory_space<vmem>>
        %dma_wait3A_208 = arith.constant 0 : i32
        %dma_wait3A_209 = arith.constant 0 : i32
        %dma_wait3A_210 = tpu.memref_slice %arg8[%dma_wait3A_208, %dma_wait3A_209] : memref<10240x128xf32, #tpu.memory_space<vmem_shared>> -> memref<10240x128xf32, #tpu.memory_space<vmem_shared>>
        tpu.wait_indirect_dma semaphore(%run_scoped3A_190 : memref<!tpu.dma_semaphore, #tpu.memory_space<semaphore_mem>>) src(%dma_wait3A_204 : memref<64x128xf32, #tpu.memory_space<vmem>>) dst(%dma_wait3A_210 : memref<10240x128xf32, #tpu.memory_space<vmem_shared>>)
        tpu.yield
      }) : () -> ()
      %add3A_139 = arith.constant 3 : i32
      %add3A_140 = arith.addi %add3A_126, %add3A_139 : i32
      %lt3A = arith.constant 160 : i32
      %lt3A_141 = arith.cmpi slt, %add3A_140, %lt3A : i32
      %convert_element_type3A = arith.extui %lt3A_141 : i1 to i32
      %cond3A = arith.constant 0 : i32
      %cond3A_142 = arith.cmpi ne, %convert_element_type3A, %cond3A : i32
      scf.if %cond3A_142 {
        %add3A_190 = arith.constant 3 : i32
        %add3A_191 = arith.addi %add3A_126, %add3A_190 : i32
        %dma_start3A_192 = arith.constant 0 : i32
        %dma_start3A_193 = arith.constant 0 : i32
        %dma_start3A_194 = arith.constant 0 : i32
        %dma_start3A_195 = tpu.memref_slice %arg7[%dma_start3A_192, %dma_start3A_193, %dma_start3A_194] : memref<3x64x128xf32, #tpu.memory_space<vmem>> -> memref<1x64x128xf32, #tpu.memory_space<vmem>>
        %dma_start3A_196 = tpu.memref_squeeze %dma_start3A_195 : memref<1x64x128xf32, #tpu.memory_space<vmem>> -> memref<64x128xf32, #tpu.memory_space<vmem>>
        %dma_start3A_197 = arith.constant 0 : i32
        %dma_start3A_198 = tpu.memref_slice %arg5[%add3A_191, %dma_start3A_197] : memref<160x64xi32, #tpu.memory_space<vmem>> -> memref<1x64xi32, #tpu.memory_space<vmem>>
        %dma_start3A_199 = tpu.memref_squeeze %dma_start3A_198 : memref<1x64xi32, #tpu.memory_space<vmem>> -> memref<64xi32, #tpu.memory_space<vmem>>
        %dma_start3A_200 = arith.constant 0 : i32
        %dma_start3A_201 = arith.constant 0 : i32
        %dma_start3A_202 = tpu.memref_slice %arg2[%dma_start3A_200, %dma_start3A_201] : memref<10240x128xf32, #tpu.memory_space<hbm>> -> memref<10240x128xf32, #tpu.memory_space<hbm>>
        tpu.enqueue_indirect_dma source(%dma_start3A_202 : memref<10240x128xf32, #tpu.memory_space<hbm>>) target(%dma_start3A_196 : memref<64x128xf32, #tpu.memory_space<vmem>>) offsets(%dma_start3A_199 : memref<64xi32, #tpu.memory_space<vmem>>) semaphore(%arg9 : memref<!tpu.dma_semaphore, #tpu.memory_space<semaphore_mem>>)
      } else {
      }
      %mul3A_143 = arith.constant 3 : i32
      %mul3A_144 = arith.muli %mul3A_143, %scan3A_121 : i32
      %add3A_145 = arith.constant 1 : i32
      %add3A_146 = arith.addi %mul3A_144, %add3A_145 : i32
      %dma_wait3A_147 = arith.constant 1 : i32
      %dma_wait3A_148 = arith.constant 0 : i32
      %dma_wait3A_149 = arith.constant 0 : i32
      %dma_wait3A_150 = tpu.memref_slice %arg7[%dma_wait3A_147, %dma_wait3A_148, %dma_wait3A_149] : memref<3x64x128xf32, #tpu.memory_space<vmem>> -> memref<1x64x128xf32, #tpu.memory_space<vmem>>
      %dma_wait3A_151 = tpu.memref_squeeze %dma_wait3A_150 : memref<1x64x128xf32, #tpu.memory_space<vmem>> -> memref<64x128xf32, #tpu.memory_space<vmem>>
      %dma_wait3A_152 = arith.constant 0 : i32
      %dma_wait3A_153 = tpu.memref_slice %arg5[%add3A_146, %dma_wait3A_152] : memref<160x64xi32, #tpu.memory_space<vmem>> -> memref<1x64xi32, #tpu.memory_space<vmem>>
      %dma_wait3A_154 = tpu.memref_squeeze %dma_wait3A_153 : memref<1x64xi32, #tpu.memory_space<vmem>> -> memref<64xi32, #tpu.memory_space<vmem>>
      %dma_wait3A_155 = arith.constant 0 : i32
      %dma_wait3A_156 = arith.constant 0 : i32
      %dma_wait3A_157 = tpu.memref_slice %arg2[%dma_wait3A_155, %dma_wait3A_156] : memref<10240x128xf32, #tpu.memory_space<hbm>> -> memref<10240x128xf32, #tpu.memory_space<hbm>>
      tpu.wait_indirect_dma semaphore(%arg10 : memref<!tpu.dma_semaphore, #tpu.memory_space<semaphore_mem>>) src(%dma_wait3A_157 : memref<10240x128xf32, #tpu.memory_space<hbm>>) dst(%dma_wait3A_151 : memref<64x128xf32, #tpu.memory_space<vmem>>)
      %run_scoped3A_158 = arith.constant 1 : i32
      "tpu.region"() ({
        %run_scoped3A_190 = tpu.sem_alloc : memref<!tpu.dma_semaphore, #tpu.memory_space<semaphore_mem>>
        %dma_start3A_191 = arith.constant 0 : i32
        %dma_start3A_192 = arith.constant 0 : i32
        %dma_start3A_193 = tpu.memref_slice %arg7[%run_scoped3A_158, %dma_start3A_191, %dma_start3A_192] : memref<3x64x128xf32, #tpu.memory_space<vmem>> -> memref<1x64x128xf32, #tpu.memory_space<vmem>>
        %dma_start3A_194 = tpu.memref_squeeze %dma_start3A_193 : memref<1x64x128xf32, #tpu.memory_space<vmem>> -> memref<64x128xf32, #tpu.memory_space<vmem>>
        %dma_start3A_195 = arith.constant 0 : i32
        %dma_start3A_196 = tpu.memref_slice %arg6[%add3A_146, %dma_start3A_195] : memref<160x64xi32, #tpu.memory_space<vmem>> -> memref<1x64xi32, #tpu.memory_space<vmem>>
        %dma_start3A_197 = tpu.memref_squeeze %dma_start3A_196 : memref<1x64xi32, #tpu.memory_space<vmem>> -> memref<64xi32, #tpu.memory_space<vmem>>
        %dma_start3A_198 = arith.constant 0 : i32
        %dma_start3A_199 = arith.constant 0 : i32
        %dma_start3A_200 = tpu.memref_slice %arg8[%dma_start3A_198, %dma_start3A_199] : memref<10240x128xf32, #tpu.memory_space<vmem_shared>> -> memref<10240x128xf32, #tpu.memory_space<vmem_shared>>
        tpu.enqueue_indirect_dma source(%dma_start3A_194 : memref<64x128xf32, #tpu.memory_space<vmem>>) target(%dma_start3A_200 : memref<10240x128xf32, #tpu.memory_space<vmem_shared>>) offsets(%dma_start3A_197 : memref<64xi32, #tpu.memory_space<vmem>>) semaphore(%run_scoped3A_190 : memref<!tpu.dma_semaphore, #tpu.memory_space<semaphore_mem>>) {add = true}
        %dma_wait3A_201 = arith.constant 0 : i32
        %dma_wait3A_202 = arith.constant 0 : i32
        %dma_wait3A_203 = tpu.memref_slice %arg7[%run_scoped3A_158, %dma_wait3A_201, %dma_wait3A_202] : memref<3x64x128xf32, #tpu.memory_space<vmem>> -> memref<1x64x128xf32, #tpu.memory_space<vmem>>
        %dma_wait3A_204 = tpu.memref_squeeze %dma_wait3A_203 : memref<1x64x128xf32, #tpu.memory_space<vmem>> -> memref<64x128xf32, #tpu.memory_space<vmem>>
        %dma_wait3A_205 = arith.constant 0 : i32
        %dma_wait3A_206 = tpu.memref_slice %arg6[%add3A_146, %dma_wait3A_205] : memref<160x64xi32, #tpu.memory_space<vmem>> -> memref<1x64xi32, #tpu.memory_space<vmem>>
        %dma_wait3A_207 = tpu.memref_squeeze %dma_wait3A_206 : memref<1x64xi32, #tpu.memory_space<vmem>> -> memref<64xi32, #tpu.memory_space<vmem>>
        %dma_wait3A_208 = arith.constant 0 : i32
        %dma_wait3A_209 = arith.constant 0 : i32
        %dma_wait3A_210 = tpu.memref_slice %arg8[%dma_wait3A_208, %dma_wait3A_209] : memref<10240x128xf32, #tpu.memory_space<vmem_shared>> -> memref<10240x128xf32, #tpu.memory_space<vmem_shared>>
        tpu.wait_indirect_dma semaphore(%run_scoped3A_190 : memref<!tpu.dma_semaphore, #tpu.memory_space<semaphore_mem>>) src(%dma_wait3A_204 : memref<64x128xf32, #tpu.memory_space<vmem>>) dst(%dma_wait3A_210 : memref<10240x128xf32, #tpu.memory_space<vmem_shared>>)
        tpu.yield
      }) : () -> ()
      %add3A_159 = arith.constant 3 : i32
      %add3A_160 = arith.addi %add3A_146, %add3A_159 : i32
      %lt3A_161 = arith.constant 160 : i32
      %lt3A_162 = arith.cmpi slt, %add3A_160, %lt3A_161 : i32
      %convert_element_type3A_163 = arith.extui %lt3A_162 : i1 to i32
      %cond3A_164 = arith.constant 0 : i32
      %cond3A_165 = arith.cmpi ne, %convert_element_type3A_163, %cond3A_164 : i32
      scf.if %cond3A_165 {
        %add3A_190 = arith.constant 3 : i32
        %add3A_191 = arith.addi %add3A_146, %add3A_190 : i32
        %dma_start3A_192 = arith.constant 1 : i32
        %dma_start3A_193 = arith.constant 0 : i32
        %dma_start3A_194 = arith.constant 0 : i32
        %dma_start3A_195 = tpu.memref_slice %arg7[%dma_start3A_192, %dma_start3A_193, %dma_start3A_194] : memref<3x64x128xf32, #tpu.memory_space<vmem>> -> memref<1x64x128xf32, #tpu.memory_space<vmem>>
        %dma_start3A_196 = tpu.memref_squeeze %dma_start3A_195 : memref<1x64x128xf32, #tpu.memory_space<vmem>> -> memref<64x128xf32, #tpu.memory_space<vmem>>
        %dma_start3A_197 = arith.constant 0 : i32
        %dma_start3A_198 = tpu.memref_slice %arg5[%add3A_191, %dma_start3A_197] : memref<160x64xi32, #tpu.memory_space<vmem>> -> memref<1x64xi32, #tpu.memory_space<vmem>>
        %dma_start3A_199 = tpu.memref_squeeze %dma_start3A_198 : memref<1x64xi32, #tpu.memory_space<vmem>> -> memref<64xi32, #tpu.memory_space<vmem>>
        %dma_start3A_200 = arith.constant 0 : i32
        %dma_start3A_201 = arith.constant 0 : i32
        %dma_start3A_202 = tpu.memref_slice %arg2[%dma_start3A_200, %dma_start3A_201] : memref<10240x128xf32, #tpu.memory_space<hbm>> -> memref<10240x128xf32, #tpu.memory_space<hbm>>
        tpu.enqueue_indirect_dma source(%dma_start3A_202 : memref<10240x128xf32, #tpu.memory_space<hbm>>) target(%dma_start3A_196 : memref<64x128xf32, #tpu.memory_space<vmem>>) offsets(%dma_start3A_199 : memref<64xi32, #tpu.memory_space<vmem>>) semaphore(%arg10 : memref<!tpu.dma_semaphore, #tpu.memory_space<semaphore_mem>>)
      } else {
      }
      %mul3A_166 = arith.constant 3 : i32
      %mul3A_167 = arith.muli %mul3A_166, %scan3A_121 : i32
      %add3A_168 = arith.constant 2 : i32
      %add3A_169 = arith.addi %mul3A_167, %add3A_168 : i32
      %dma_wait3A_170 = arith.constant 2 : i32
      %dma_wait3A_171 = arith.constant 0 : i32
      %dma_wait3A_172 = arith.constant 0 : i32
      %dma_wait3A_173 = tpu.memref_slice %arg7[%dma_wait3A_170, %dma_wait3A_171, %dma_wait3A_172] : memref<3x64x128xf32, #tpu.memory_space<vmem>> -> memref<1x64x128xf32, #tpu.memory_space<vmem>>
      %dma_wait3A_174 = tpu.memref_squeeze %dma_wait3A_173 : memref<1x64x128xf32, #tpu.memory_space<vmem>> -> memref<64x128xf32, #tpu.memory_space<vmem>>
      %dma_wait3A_175 = arith.constant 0 : i32
      %dma_wait3A_176 = tpu.memref_slice %arg5[%add3A_169, %dma_wait3A_175] : memref<160x64xi32, #tpu.memory_space<vmem>> -> memref<1x64xi32, #tpu.memory_space<vmem>>
      %dma_wait3A_177 = tpu.memref_squeeze %dma_wait3A_176 : memref<1x64xi32, #tpu.memory_space<vmem>> -> memref<64xi32, #tpu.memory_space<vmem>>
      %dma_wait3A_178 = arith.constant 0 : i32
      %dma_wait3A_179 = arith.constant 0 : i32
      %dma_wait3A_180 = tpu.memref_slice %arg2[%dma_wait3A_178, %dma_wait3A_179] : memref<10240x128xf32, #tpu.memory_space<hbm>> -> memref<10240x128xf32, #tpu.memory_space<hbm>>
      tpu.wait_indirect_dma semaphore(%arg11 : memref<!tpu.dma_semaphore, #tpu.memory_space<semaphore_mem>>) src(%dma_wait3A_180 : memref<10240x128xf32, #tpu.memory_space<hbm>>) dst(%dma_wait3A_174 : memref<64x128xf32, #tpu.memory_space<vmem>>)
      %run_scoped3A_181 = arith.constant 2 : i32
      "tpu.region"() ({
        %run_scoped3A_190 = tpu.sem_alloc : memref<!tpu.dma_semaphore, #tpu.memory_space<semaphore_mem>>
        %dma_start3A_191 = arith.constant 0 : i32
        %dma_start3A_192 = arith.constant 0 : i32
        %dma_start3A_193 = tpu.memref_slice %arg7[%run_scoped3A_181, %dma_start3A_191, %dma_start3A_192] : memref<3x64x128xf32, #tpu.memory_space<vmem>> -> memref<1x64x128xf32, #tpu.memory_space<vmem>>
        %dma_start3A_194 = tpu.memref_squeeze %dma_start3A_193 : memref<1x64x128xf32, #tpu.memory_space<vmem>> -> memref<64x128xf32, #tpu.memory_space<vmem>>
        %dma_start3A_195 = arith.constant 0 : i32
        %dma_start3A_196 = tpu.memref_slice %arg6[%add3A_169, %dma_start3A_195] : memref<160x64xi32, #tpu.memory_space<vmem>> -> memref<1x64xi32, #tpu.memory_space<vmem>>
        %dma_start3A_197 = tpu.memref_squeeze %dma_start3A_196 : memref<1x64xi32, #tpu.memory_space<vmem>> -> memref<64xi32, #tpu.memory_space<vmem>>
        %dma_start3A_198 = arith.constant 0 : i32
        %dma_start3A_199 = arith.constant 0 : i32
        %dma_start3A_200 = tpu.memref_slice %arg8[%dma_start3A_198, %dma_start3A_199] : memref<10240x128xf32, #tpu.memory_space<vmem_shared>> -> memref<10240x128xf32, #tpu.memory_space<vmem_shared>>
        tpu.enqueue_indirect_dma source(%dma_start3A_194 : memref<64x128xf32, #tpu.memory_space<vmem>>) target(%dma_start3A_200 : memref<10240x128xf32, #tpu.memory_space<vmem_shared>>) offsets(%dma_start3A_197 : memref<64xi32, #tpu.memory_space<vmem>>) semaphore(%run_scoped3A_190 : memref<!tpu.dma_semaphore, #tpu.memory_space<semaphore_mem>>) {add = true}
        %dma_wait3A_201 = arith.constant 0 : i32
        %dma_wait3A_202 = arith.constant 0 : i32
        %dma_wait3A_203 = tpu.memref_slice %arg7[%run_scoped3A_181, %dma_wait3A_201, %dma_wait3A_202] : memref<3x64x128xf32, #tpu.memory_space<vmem>> -> memref<1x64x128xf32, #tpu.memory_space<vmem>>
        %dma_wait3A_204 = tpu.memref_squeeze %dma_wait3A_203 : memref<1x64x128xf32, #tpu.memory_space<vmem>> -> memref<64x128xf32, #tpu.memory_space<vmem>>
        %dma_wait3A_205 = arith.constant 0 : i32
        %dma_wait3A_206 = tpu.memref_slice %arg6[%add3A_169, %dma_wait3A_205] : memref<160x64xi32, #tpu.memory_space<vmem>> -> memref<1x64xi32, #tpu.memory_space<vmem>>
        %dma_wait3A_207 = tpu.memref_squeeze %dma_wait3A_206 : memref<1x64xi32, #tpu.memory_space<vmem>> -> memref<64xi32, #tpu.memory_space<vmem>>
        %dma_wait3A_208 = arith.constant 0 : i32
        %dma_wait3A_209 = arith.constant 0 : i32
        %dma_wait3A_210 = tpu.memref_slice %arg8[%dma_wait3A_208, %dma_wait3A_209] : memref<10240x128xf32, #tpu.memory_space<vmem_shared>> -> memref<10240x128xf32, #tpu.memory_space<vmem_shared>>
        tpu.wait_indirect_dma semaphore(%run_scoped3A_190 : memref<!tpu.dma_semaphore, #tpu.memory_space<semaphore_mem>>) src(%dma_wait3A_204 : memref<64x128xf32, #tpu.memory_space<vmem>>) dst(%dma_wait3A_210 : memref<10240x128xf32, #tpu.memory_space<vmem_shared>>)
        tpu.yield
      }) : () -> ()
      %add3A_182 = arith.constant 3 : i32
      %add3A_183 = arith.addi %add3A_169, %add3A_182 : i32
      %lt3A_184 = arith.constant 160 : i32
      %lt3A_185 = arith.cmpi slt, %add3A_183, %lt3A_184 : i32
      %convert_element_type3A_186 = arith.extui %lt3A_185 : i1 to i32
      %cond3A_187 = arith.constant 0 : i32
      %cond3A_188 = arith.cmpi ne, %convert_element_type3A_186, %cond3A_187 : i32
      scf.if %cond3A_188 {
        %add3A_190 = arith.constant 3 : i32
        %add3A_191 = arith.addi %add3A_169, %add3A_190 : i32
        %dma_start3A_192 = arith.constant 2 : i32
        %dma_start3A_193 = arith.constant 0 : i32
        %dma_start3A_194 = arith.constant 0 : i32
        %dma_start3A_195 = tpu.memref_slice %arg7[%dma_start3A_192, %dma_start3A_193, %dma_start3A_194] : memref<3x64x128xf32, #tpu.memory_space<vmem>> -> memref<1x64x128xf32, #tpu.memory_space<vmem>>
        %dma_start3A_196 = tpu.memref_squeeze %dma_start3A_195 : memref<1x64x128xf32, #tpu.memory_space<vmem>> -> memref<64x128xf32, #tpu.memory_space<vmem>>
        %dma_start3A_197 = arith.constant 0 : i32
        %dma_start3A_198 = tpu.memref_slice %arg5[%add3A_191, %dma_start3A_197] : memref<160x64xi32, #tpu.memory_space<vmem>> -> memref<1x64xi32, #tpu.memory_space<vmem>>
        %dma_start3A_199 = tpu.memref_squeeze %dma_start3A_198 : memref<1x64xi32, #tpu.memory_space<vmem>> -> memref<64xi32, #tpu.memory_space<vmem>>
        %dma_start3A_200 = arith.constant 0 : i32
        %dma_start3A_201 = arith.constant 0 : i32
        %dma_start3A_202 = tpu.memref_slice %arg2[%dma_start3A_200, %dma_start3A_201] : memref<10240x128xf32, #tpu.memory_space<hbm>> -> memref<10240x128xf32, #tpu.memory_space<hbm>>
        tpu.enqueue_indirect_dma source(%dma_start3A_202 : memref<10240x128xf32, #tpu.memory_space<hbm>>) target(%dma_start3A_196 : memref<64x128xf32, #tpu.memory_space<vmem>>) offsets(%dma_start3A_199 : memref<64xi32, #tpu.memory_space<vmem>>) semaphore(%arg11 : memref<!tpu.dma_semaphore, #tpu.memory_space<semaphore_mem>>)
      } else {
      }
      %scan3A_189 = arith.constant 0 : i32
      scf.yield %scan3A_189 : i32
    }
    %scan3A_102 = arith.constant 53 : i32
    %dma_wait3A = arith.constant 159 : i32
    %dma_wait3A_103 = arith.constant 0 : i32
    %dma_wait3A_104 = arith.constant 0 : i32
    %dma_wait3A_105 = arith.constant 0 : i32
    %dma_wait3A_106 = tpu.memref_slice %arg7[%dma_wait3A_103, %dma_wait3A_104, %dma_wait3A_105] : memref<3x64x128xf32, #tpu.memory_space<vmem>> -> memref<1x64x128xf32, #tpu.memory_space<vmem>>
    %dma_wait3A_107 = tpu.memref_squeeze %dma_wait3A_106 : memref<1x64x128xf32, #tpu.memory_space<vmem>> -> memref<64x128xf32, #tpu.memory_space<vmem>>
    %dma_wait3A_108 = arith.constant 0 : i32
    %dma_wait3A_109 = tpu.memref_slice %arg5[%dma_wait3A, %dma_wait3A_108] : memref<160x64xi32, #tpu.memory_space<vmem>> -> memref<1x64xi32, #tpu.memory_space<vmem>>
    %dma_wait3A_110 = tpu.memref_squeeze %dma_wait3A_109 : memref<1x64xi32, #tpu.memory_space<vmem>> -> memref<64xi32, #tpu.memory_space<vmem>>
    %dma_wait3A_111 = arith.constant 0 : i32
    %dma_wait3A_112 = arith.constant 0 : i32
    %dma_wait3A_113 = tpu.memref_slice %arg2[%dma_wait3A_111, %dma_wait3A_112] : memref<10240x128xf32, #tpu.memory_space<hbm>> -> memref<10240x128xf32, #tpu.memory_space<hbm>>
    tpu.wait_indirect_dma semaphore(%arg9 : memref<!tpu.dma_semaphore, #tpu.memory_space<semaphore_mem>>) src(%dma_wait3A_113 : memref<10240x128xf32, #tpu.memory_space<hbm>>) dst(%dma_wait3A_107 : memref<64x128xf32, #tpu.memory_space<vmem>>)
    %run_scoped3A_114 = arith.constant 0 : i32
    %run_scoped3A_115 = arith.constant 159 : i32
    "tpu.region"() ({
      %run_scoped3A_121 = tpu.sem_alloc : memref<!tpu.dma_semaphore, #tpu.memory_space<semaphore_mem>>
      %dma_start3A_122 = arith.constant 0 : i32
      %dma_start3A_123 = arith.constant 0 : i32
      %dma_start3A_124 = tpu.memref_slice %arg7[%run_scoped3A_114, %dma_start3A_122, %dma_start3A_123] : memref<3x64x128xf32, #tpu.memory_space<vmem>> -> memref<1x64x128xf32, #tpu.memory_space<vmem>>
      %dma_start3A_125 = tpu.memref_squeeze %dma_start3A_124 : memref<1x64x128xf32, #tpu.memory_space<vmem>> -> memref<64x128xf32, #tpu.memory_space<vmem>>
      %dma_start3A_126 = arith.constant 0 : i32
      %dma_start3A_127 = tpu.memref_slice %arg6[%run_scoped3A_115, %dma_start3A_126] : memref<160x64xi32, #tpu.memory_space<vmem>> -> memref<1x64xi32, #tpu.memory_space<vmem>>
      %dma_start3A_128 = tpu.memref_squeeze %dma_start3A_127 : memref<1x64xi32, #tpu.memory_space<vmem>> -> memref<64xi32, #tpu.memory_space<vmem>>
      %dma_start3A_129 = arith.constant 0 : i32
      %dma_start3A_130 = arith.constant 0 : i32
      %dma_start3A_131 = tpu.memref_slice %arg8[%dma_start3A_129, %dma_start3A_130] : memref<10240x128xf32, #tpu.memory_space<vmem_shared>> -> memref<10240x128xf32, #tpu.memory_space<vmem_shared>>
      tpu.enqueue_indirect_dma source(%dma_start3A_125 : memref<64x128xf32, #tpu.memory_space<vmem>>) target(%dma_start3A_131 : memref<10240x128xf32, #tpu.memory_space<vmem_shared>>) offsets(%dma_start3A_128 : memref<64xi32, #tpu.memory_space<vmem>>) semaphore(%run_scoped3A_121 : memref<!tpu.dma_semaphore, #tpu.memory_space<semaphore_mem>>) {add = true}
      %dma_wait3A_132 = arith.constant 0 : i32
      %dma_wait3A_133 = arith.constant 0 : i32
      %dma_wait3A_134 = tpu.memref_slice %arg7[%run_scoped3A_114, %dma_wait3A_132, %dma_wait3A_133] : memref<3x64x128xf32, #tpu.memory_space<vmem>> -> memref<1x64x128xf32, #tpu.memory_space<vmem>>
      %dma_wait3A_135 = tpu.memref_squeeze %dma_wait3A_134 : memref<1x64x128xf32, #tpu.memory_space<vmem>> -> memref<64x128xf32, #tpu.memory_space<vmem>>
      %dma_wait3A_136 = arith.constant 0 : i32
      %dma_wait3A_137 = tpu.memref_slice %arg6[%run_scoped3A_115, %dma_wait3A_136] : memref<160x64xi32, #tpu.memory_space<vmem>> -> memref<1x64xi32, #tpu.memory_space<vmem>>
      %dma_wait3A_138 = tpu.memref_squeeze %dma_wait3A_137 : memref<1x64xi32, #tpu.memory_space<vmem>> -> memref<64xi32, #tpu.memory_space<vmem>>
      %dma_wait3A_139 = arith.constant 0 : i32
      %dma_wait3A_140 = arith.constant 0 : i32
      %dma_wait3A_141 = tpu.memref_slice %arg8[%dma_wait3A_139, %dma_wait3A_140] : memref<10240x128xf32, #tpu.memory_space<vmem_shared>> -> memref<10240x128xf32, #tpu.memory_space<vmem_shared>>
      tpu.wait_indirect_dma semaphore(%run_scoped3A_121 : memref<!tpu.dma_semaphore, #tpu.memory_space<semaphore_mem>>) src(%dma_wait3A_135 : memref<64x128xf32, #tpu.memory_space<vmem>>) dst(%dma_wait3A_141 : memref<10240x128xf32, #tpu.memory_space<vmem_shared>>)
      tpu.yield
    }) : () -> ()
    %barrier3A_116 = arith.constant 0 : index
    tpu.barrier barrier_id(%barrier3A_116)
    %mul3A_117 = arith.constant 640 : i32
    %mul3A_118 = arith.muli %arg1, %mul3A_117 : i32
    %mul3A_119 = arith.constant 640 : i32
    %mul3A_120 = arith.muli %arg1, %mul3A_119 : i32
    "tpu.region"() ({
      %run_scoped3A_121 = tpu.sem_alloc : memref<!tpu.dma_semaphore, #tpu.memory_space<semaphore_mem>>
      %dma_start3A_122 = arith.constant 0 : i32
      %dma_start3A_123 = tpu.memref_slice %arg4[%arg0, %mul3A_120, %dma_start3A_122] : memref<2x10240x128xf32, #tpu.memory_space<hbm>> -> memref<1x640x128xf32, #tpu.memory_space<hbm>>
      %dma_start3A_124 = tpu.memref_squeeze %dma_start3A_123 : memref<1x640x128xf32, #tpu.memory_space<hbm>> -> memref<640x128xf32, #tpu.memory_space<hbm>>
      %dma_start3A_125 = arith.constant 0 : i32
      %dma_start3A_126 = tpu.memref_slice %arg8[%mul3A_118, %dma_start3A_125] : memref<10240x128xf32, #tpu.memory_space<vmem_shared>> -> memref<640x128xf32, #tpu.memory_space<vmem_shared>>
      tpu.enqueue_dma source(%dma_start3A_126 : memref<640x128xf32, #tpu.memory_space<vmem_shared>>) target(%dma_start3A_124 : memref<640x128xf32, #tpu.memory_space<hbm>>) target_semaphore(%run_scoped3A_121 : memref<!tpu.dma_semaphore, #tpu.memory_space<semaphore_mem>>)
      %dma_wait3A_127 = arith.constant 0 : i32
      %dma_wait3A_128 = tpu.memref_slice %arg4[%arg0, %mul3A_120, %dma_wait3A_127] : memref<2x10240x128xf32, #tpu.memory_space<hbm>> -> memref<1x640x128xf32, #tpu.memory_space<hbm>>
      %dma_wait3A_129 = tpu.memref_squeeze %dma_wait3A_128 : memref<1x640x128xf32, #tpu.memory_space<hbm>> -> memref<640x128xf32, #tpu.memory_space<hbm>>
      %dma_wait3A_130 = arith.constant 0 : i32
      %dma_wait3A_131 = tpu.memref_slice %arg8[%mul3A_118, %dma_wait3A_130] : memref<10240x128xf32, #tpu.memory_space<vmem_shared>> -> memref<640x128xf32, #tpu.memory_space<vmem_shared>>
      tpu.wait_dma2 semaphore(%run_scoped3A_121 : memref<!tpu.dma_semaphore, #tpu.memory_space<semaphore_mem>>) src(%dma_wait3A_131 : memref<640x128xf32, #tpu.memory_space<vmem_shared>>) dst(%dma_wait3A_129 : memref<640x128xf32, #tpu.memory_space<hbm>>)
      tpu.yield
    }) : () -> ()
    return
  }
}

#map = affine_map<(d0, d1) -> (0, 0, 0, 0)>
#map1 = affine_map<(d0, d1) -> (0, 0, 0)>
module attributes {stable_mosaic.version = 14 : i64} {
  func.func @_deg_kernel(%arg0: i32, %arg1: i32, %arg2: memref<2x16x160x64xi32, #tpu.memory_space<hbm>>, %arg3: memref<2x10240x16xf32, #tpu.memory_space<hbm>>, %arg4: memref<160x64xi32, #tpu.memory_space<vmem>>, %arg5: memref<160x64xi32, #tpu.memory_space<vmem>>, %arg6: memref<64x16xf32, #tpu.memory_space<vmem>>, %arg7: memref<64x16xf32, #tpu.memory_space<vmem>>, %arg8: memref<10240x16xf32, #tpu.memory_space<vmem_shared>>, %arg9: memref<!tpu.dma_semaphore, #tpu.memory_space<semaphore_mem>>, %arg10: memref<!tpu.dma_semaphore, #tpu.memory_space<semaphore_mem>>) attributes {dimension_semantics = [#tpu.dimension_semantics<core_parallel>, #tpu.dimension_semantics<subcore_parallel>], iteration_bounds = array<i64: 2, 16>, scalar_prefetch = 0 : i64, scratch_operands = 7 : i64, tpu.core_type = #tpu.core_type<sc_vector_subcore>, window_params = [{transform_indices = #map}, {transform_indices = #map1}]} {
    "tpu.region"() ({
      %run_scoped3A = tpu.sem_alloc : memref<!tpu.dma_semaphore, #tpu.memory_space<semaphore_mem>>
      %dma_start3A = arith.constant 0 : i32
      %dma_start3A_110 = arith.constant 0 : i32
      %dma_start3A_111 = tpu.memref_slice %arg2[%arg0, %arg1, %dma_start3A, %dma_start3A_110] : memref<2x16x160x64xi32, #tpu.memory_space<hbm>> -> memref<1x1x160x64xi32, #tpu.memory_space<hbm>>
      %dma_start3A_112 = tpu.memref_squeeze %dma_start3A_111 : memref<1x1x160x64xi32, #tpu.memory_space<hbm>> -> memref<160x64xi32, #tpu.memory_space<hbm>>
      %dma_start3A_113 = arith.constant 0 : i32
      %dma_start3A_114 = arith.constant 0 : i32
      %dma_start3A_115 = tpu.memref_slice %arg2[%arg0, %arg1, %dma_start3A_113, %dma_start3A_114] : memref<2x16x160x64xi32, #tpu.memory_space<hbm>> -> memref<1x1x160x64xi32, #tpu.memory_space<hbm>>
      %dma_start3A_116 = tpu.memref_squeeze %dma_start3A_115 : memref<1x1x160x64xi32, #tpu.memory_space<hbm>> -> memref<160x64xi32, #tpu.memory_space<hbm>>
      tpu.enqueue_dma source(%dma_start3A_116 : memref<160x64xi32, #tpu.memory_space<hbm>>) target(%arg4 : memref<160x64xi32, #tpu.memory_space<vmem>>) target_semaphore(%run_scoped3A : memref<!tpu.dma_semaphore, #tpu.memory_space<semaphore_mem>>)
      %dma_wait3A_117 = arith.constant 0 : i32
      %dma_wait3A_118 = arith.constant 0 : i32
      %dma_wait3A_119 = tpu.memref_slice %arg2[%arg0, %arg1, %dma_wait3A_117, %dma_wait3A_118] : memref<2x16x160x64xi32, #tpu.memory_space<hbm>> -> memref<1x1x160x64xi32, #tpu.memory_space<hbm>>
      %dma_wait3A_120 = tpu.memref_squeeze %dma_wait3A_119 : memref<1x1x160x64xi32, #tpu.memory_space<hbm>> -> memref<160x64xi32, #tpu.memory_space<hbm>>
      %dma_wait3A_121 = arith.constant 0 : i32
      %dma_wait3A_122 = arith.constant 0 : i32
      %dma_wait3A_123 = tpu.memref_slice %arg2[%arg0, %arg1, %dma_wait3A_121, %dma_wait3A_122] : memref<2x16x160x64xi32, #tpu.memory_space<hbm>> -> memref<1x1x160x64xi32, #tpu.memory_space<hbm>>
      %dma_wait3A_124 = tpu.memref_squeeze %dma_wait3A_123 : memref<1x1x160x64xi32, #tpu.memory_space<hbm>> -> memref<160x64xi32, #tpu.memory_space<hbm>>
      tpu.wait_dma2 semaphore(%run_scoped3A : memref<!tpu.dma_semaphore, #tpu.memory_space<semaphore_mem>>) src(%dma_wait3A_124 : memref<160x64xi32, #tpu.memory_space<hbm>>) dst(%arg4 : memref<160x64xi32, #tpu.memory_space<vmem>>)
      tpu.yield
    }) : () -> ()
    %broadcast_in_dim3A = arith.constant 0.000000e+00 : f32
    %broadcast_in_dim3A_0 = vector.broadcast %broadcast_in_dim3A : f32 to vector<16xf32>
    %scan3A = arith.constant 0 : i32
    %scan3A_1 = arith.constant 0 : i32
    %scan3A_2 = arith.constant 64 : i32
    %scan3A_3 = arith.addi %scan3A_1, %scan3A_2 : i32
    %scan3A_4 = arith.constant 1 : i32
    %scan3A_5 = scf.for %scan3A_110 = %scan3A_1 to %scan3A_3 step %scan3A_4 iter_args(%scan3A_111 = %scan3A) -> (i32)  : i32 {
      %swap3A = arith.index_cast %scan3A_110 : i32 to index
      %swap3A_112 = arith.constant 0 : index
      %swap3A_113 = tpu.vector_load %arg6[%swap3A, %swap3A_112] {strides = array<i32>} : memref<64x16xf32, #tpu.memory_space<vmem>>, vector<1x16xf32>,
      %swap3A_114 = vector.shape_cast %swap3A_113 : vector<1x16xf32> to vector<16xf32>
      %swap3A_115 = vector.shape_cast %broadcast_in_dim3A_0 : vector<16xf32> to vector<1x16xf32>
      tpu.vector_store %arg6[%swap3A, %swap3A_112], %swap3A_115 {strides = array<i32>} : memref<64x16xf32, #tpu.memory_space<vmem>>, vector<1x16xf32>,
      %scan3A_116 = arith.constant 0 : i32
      scf.yield %scan3A_116 : i32
    }
    %scan3A_6 = arith.constant 64 : i32
    %mul3A = arith.constant 640 : i32
    %mul3A_7 = arith.muli %arg1, %mul3A : i32
    %add3A = arith.constant 0 : i32
    %add3A_8 = arith.addi %mul3A_7, %add3A : i32
    "tpu.region"() ({
      %run_scoped3A = tpu.sem_alloc : memref<!tpu.dma_semaphore, #tpu.memory_space<semaphore_mem>>
      %dma_start3A = arith.constant 0 : i32
      %dma_start3A_110 = tpu.memref_slice %arg8[%add3A_8, %dma_start3A] : memref<10240x16xf32, #tpu.memory_space<vmem_shared>> -> memref<64x16xf32, #tpu.memory_space<vmem_shared>>
      %dma_start3A_111 = arith.constant 0 : i32
      %dma_start3A_112 = tpu.memref_slice %arg8[%add3A_8, %dma_start3A_111] : memref<10240x16xf32, #tpu.memory_space<vmem_shared>> -> memref<64x16xf32, #tpu.memory_space<vmem_shared>>
      tpu.enqueue_dma source(%arg6 : memref<64x16xf32, #tpu.memory_space<vmem>>) target(%dma_start3A_112 : memref<64x16xf32, #tpu.memory_space<vmem_shared>>) target_semaphore(%run_scoped3A : memref<!tpu.dma_semaphore, #tpu.memory_space<semaphore_mem>>)
      %dma_wait3A_113 = arith.constant 0 : i32
      %dma_wait3A_114 = tpu.memref_slice %arg8[%add3A_8, %dma_wait3A_113] : memref<10240x16xf32, #tpu.memory_space<vmem_shared>> -> memref<64x16xf32, #tpu.memory_space<vmem_shared>>
      %dma_wait3A_115 = arith.constant 0 : i32
      %dma_wait3A_116 = tpu.memref_slice %arg8[%add3A_8, %dma_wait3A_115] : memref<10240x16xf32, #tpu.memory_space<vmem_shared>> -> memref<64x16xf32, #tpu.memory_space<vmem_shared>>
      tpu.wait_dma2 semaphore(%run_scoped3A : memref<!tpu.dma_semaphore, #tpu.memory_space<semaphore_mem>>) src(%arg6 : memref<64x16xf32, #tpu.memory_space<vmem>>) dst(%dma_wait3A_116 : memref<64x16xf32, #tpu.memory_space<vmem_shared>>)
      tpu.yield
    }) : () -> ()
    %mul3A_9 = arith.constant 640 : i32
    %mul3A_10 = arith.muli %arg1, %mul3A_9 : i32
    %add3A_11 = arith.constant 64 : i32
    %add3A_12 = arith.addi %mul3A_10, %add3A_11 : i32
    "tpu.region"() ({
      %run_scoped3A = tpu.sem_alloc : memref<!tpu.dma_semaphore, #tpu.memory_space<semaphore_mem>>
      %dma_start3A = arith.constant 0 : i32
      %dma_start3A_110 = tpu.memref_slice %arg8[%add3A_12, %dma_start3A] : memref<10240x16xf32, #tpu.memory_space<vmem_shared>> -> memref<64x16xf32, #tpu.memory_space<vmem_shared>>
      %dma_start3A_111 = arith.constant 0 : i32
      %dma_start3A_112 = tpu.memref_slice %arg8[%add3A_12, %dma_start3A_111] : memref<10240x16xf32, #tpu.memory_space<vmem_shared>> -> memref<64x16xf32, #tpu.memory_space<vmem_shared>>
      tpu.enqueue_dma source(%arg6 : memref<64x16xf32, #tpu.memory_space<vmem>>) target(%dma_start3A_112 : memref<64x16xf32, #tpu.memory_space<vmem_shared>>) target_semaphore(%run_scoped3A : memref<!tpu.dma_semaphore, #tpu.memory_space<semaphore_mem>>)
      %dma_wait3A_113 = arith.constant 0 : i32
      %dma_wait3A_114 = tpu.memref_slice %arg8[%add3A_12, %dma_wait3A_113] : memref<10240x16xf32, #tpu.memory_space<vmem_shared>> -> memref<64x16xf32, #tpu.memory_space<vmem_shared>>
      %dma_wait3A_115 = arith.constant 0 : i32
      %dma_wait3A_116 = tpu.memref_slice %arg8[%add3A_12, %dma_wait3A_115] : memref<10240x16xf32, #tpu.memory_space<vmem_shared>> -> memref<64x16xf32, #tpu.memory_space<vmem_shared>>
      tpu.wait_dma2 semaphore(%run_scoped3A : memref<!tpu.dma_semaphore, #tpu.memory_space<semaphore_mem>>) src(%arg6 : memref<64x16xf32, #tpu.memory_space<vmem>>) dst(%dma_wait3A_116 : memref<64x16xf32, #tpu.memory_space<vmem_shared>>)
      tpu.yield
    }) : () -> ()
    %mul3A_13 = arith.constant 640 : i32
    %mul3A_14 = arith.muli %arg1, %mul3A_13 : i32
    %add3A_15 = arith.constant 128 : i32
    %add3A_16 = arith.addi %mul3A_14, %add3A_15 : i32
    "tpu.region"() ({
      %run_scoped3A = tpu.sem_alloc : memref<!tpu.dma_semaphore, #tpu.memory_space<semaphore_mem>>
      %dma_start3A = arith.constant 0 : i32
      %dma_start3A_110 = tpu.memref_slice %arg8[%add3A_16, %dma_start3A] : memref<10240x16xf32, #tpu.memory_space<vmem_shared>> -> memref<64x16xf32, #tpu.memory_space<vmem_shared>>
      %dma_start3A_111 = arith.constant 0 : i32
      %dma_start3A_112 = tpu.memref_slice %arg8[%add3A_16, %dma_start3A_111] : memref<10240x16xf32, #tpu.memory_space<vmem_shared>> -> memref<64x16xf32, #tpu.memory_space<vmem_shared>>
      tpu.enqueue_dma source(%arg6 : memref<64x16xf32, #tpu.memory_space<vmem>>) target(%dma_start3A_112 : memref<64x16xf32, #tpu.memory_space<vmem_shared>>) target_semaphore(%run_scoped3A : memref<!tpu.dma_semaphore, #tpu.memory_space<semaphore_mem>>)
      %dma_wait3A_113 = arith.constant 0 : i32
      %dma_wait3A_114 = tpu.memref_slice %arg8[%add3A_16, %dma_wait3A_113] : memref<10240x16xf32, #tpu.memory_space<vmem_shared>> -> memref<64x16xf32, #tpu.memory_space<vmem_shared>>
      %dma_wait3A_115 = arith.constant 0 : i32
      %dma_wait3A_116 = tpu.memref_slice %arg8[%add3A_16, %dma_wait3A_115] : memref<10240x16xf32, #tpu.memory_space<vmem_shared>> -> memref<64x16xf32, #tpu.memory_space<vmem_shared>>
      tpu.wait_dma2 semaphore(%run_scoped3A : memref<!tpu.dma_semaphore, #tpu.memory_space<semaphore_mem>>) src(%arg6 : memref<64x16xf32, #tpu.memory_space<vmem>>) dst(%dma_wait3A_116 : memref<64x16xf32, #tpu.memory_space<vmem_shared>>)
      tpu.yield
    }) : () -> ()
    %mul3A_17 = arith.constant 640 : i32
    %mul3A_18 = arith.muli %arg1, %mul3A_17 : i32
    %add3A_19 = arith.constant 192 : i32
    %add3A_20 = arith.addi %mul3A_18, %add3A_19 : i32
    "tpu.region"() ({
      %run_scoped3A = tpu.sem_alloc : memref<!tpu.dma_semaphore, #tpu.memory_space<semaphore_mem>>
      %dma_start3A = arith.constant 0 : i32
      %dma_start3A_110 = tpu.memref_slice %arg8[%add3A_20, %dma_start3A] : memref<10240x16xf32, #tpu.memory_space<vmem_shared>> -> memref<64x16xf32, #tpu.memory_space<vmem_shared>>
      %dma_start3A_111 = arith.constant 0 : i32
      %dma_start3A_112 = tpu.memref_slice %arg8[%add3A_20, %dma_start3A_111] : memref<10240x16xf32, #tpu.memory_space<vmem_shared>> -> memref<64x16xf32, #tpu.memory_space<vmem_shared>>
      tpu.enqueue_dma source(%arg6 : memref<64x16xf32, #tpu.memory_space<vmem>>) target(%dma_start3A_112 : memref<64x16xf32, #tpu.memory_space<vmem_shared>>) target_semaphore(%run_scoped3A : memref<!tpu.dma_semaphore, #tpu.memory_space<semaphore_mem>>)
      %dma_wait3A_113 = arith.constant 0 : i32
      %dma_wait3A_114 = tpu.memref_slice %arg8[%add3A_20, %dma_wait3A_113] : memref<10240x16xf32, #tpu.memory_space<vmem_shared>> -> memref<64x16xf32, #tpu.memory_space<vmem_shared>>
      %dma_wait3A_115 = arith.constant 0 : i32
      %dma_wait3A_116 = tpu.memref_slice %arg8[%add3A_20, %dma_wait3A_115] : memref<10240x16xf32, #tpu.memory_space<vmem_shared>> -> memref<64x16xf32, #tpu.memory_space<vmem_shared>>
      tpu.wait_dma2 semaphore(%run_scoped3A : memref<!tpu.dma_semaphore, #tpu.memory_space<semaphore_mem>>) src(%arg6 : memref<64x16xf32, #tpu.memory_space<vmem>>) dst(%dma_wait3A_116 : memref<64x16xf32, #tpu.memory_space<vmem_shared>>)
      tpu.yield
    }) : () -> ()
    %mul3A_21 = arith.constant 640 : i32
    %mul3A_22 = arith.muli %arg1, %mul3A_21 : i32
    %add3A_23 = arith.constant 256 : i32
    %add3A_24 = arith.addi %mul3A_22, %add3A_23 : i32
    "tpu.region"() ({
      %run_scoped3A = tpu.sem_alloc : memref<!tpu.dma_semaphore, #tpu.memory_space<semaphore_mem>>
      %dma_start3A = arith.constant 0 : i32
      %dma_start3A_110 = tpu.memref_slice %arg8[%add3A_24, %dma_start3A] : memref<10240x16xf32, #tpu.memory_space<vmem_shared>> -> memref<64x16xf32, #tpu.memory_space<vmem_shared>>
      %dma_start3A_111 = arith.constant 0 : i32
      %dma_start3A_112 = tpu.memref_slice %arg8[%add3A_24, %dma_start3A_111] : memref<10240x16xf32, #tpu.memory_space<vmem_shared>> -> memref<64x16xf32, #tpu.memory_space<vmem_shared>>
      tpu.enqueue_dma source(%arg6 : memref<64x16xf32, #tpu.memory_space<vmem>>) target(%dma_start3A_112 : memref<64x16xf32, #tpu.memory_space<vmem_shared>>) target_semaphore(%run_scoped3A : memref<!tpu.dma_semaphore, #tpu.memory_space<semaphore_mem>>)
      %dma_wait3A_113 = arith.constant 0 : i32
      %dma_wait3A_114 = tpu.memref_slice %arg8[%add3A_24, %dma_wait3A_113] : memref<10240x16xf32, #tpu.memory_space<vmem_shared>> -> memref<64x16xf32, #tpu.memory_space<vmem_shared>>
      %dma_wait3A_115 = arith.constant 0 : i32
      %dma_wait3A_116 = tpu.memref_slice %arg8[%add3A_24, %dma_wait3A_115] : memref<10240x16xf32, #tpu.memory_space<vmem_shared>> -> memref<64x16xf32, #tpu.memory_space<vmem_shared>>
      tpu.wait_dma2 semaphore(%run_scoped3A : memref<!tpu.dma_semaphore, #tpu.memory_space<semaphore_mem>>) src(%arg6 : memref<64x16xf32, #tpu.memory_space<vmem>>) dst(%dma_wait3A_116 : memref<64x16xf32, #tpu.memory_space<vmem_shared>>)
      tpu.yield
    }) : () -> ()
    %mul3A_25 = arith.constant 640 : i32
    %mul3A_26 = arith.muli %arg1, %mul3A_25 : i32
    %add3A_27 = arith.constant 320 : i32
    %add3A_28 = arith.addi %mul3A_26, %add3A_27 : i32
    "tpu.region"() ({
      %run_scoped3A = tpu.sem_alloc : memref<!tpu.dma_semaphore, #tpu.memory_space<semaphore_mem>>
      %dma_start3A = arith.constant 0 : i32
      %dma_start3A_110 = tpu.memref_slice %arg8[%add3A_28, %dma_start3A] : memref<10240x16xf32, #tpu.memory_space<vmem_shared>> -> memref<64x16xf32, #tpu.memory_space<vmem_shared>>
      %dma_start3A_111 = arith.constant 0 : i32
      %dma_start3A_112 = tpu.memref_slice %arg8[%add3A_28, %dma_start3A_111] : memref<10240x16xf32, #tpu.memory_space<vmem_shared>> -> memref<64x16xf32, #tpu.memory_space<vmem_shared>>
      tpu.enqueue_dma source(%arg6 : memref<64x16xf32, #tpu.memory_space<vmem>>) target(%dma_start3A_112 : memref<64x16xf32, #tpu.memory_space<vmem_shared>>) target_semaphore(%run_scoped3A : memref<!tpu.dma_semaphore, #tpu.memory_space<semaphore_mem>>)
      %dma_wait3A_113 = arith.constant 0 : i32
      %dma_wait3A_114 = tpu.memref_slice %arg8[%add3A_28, %dma_wait3A_113] : memref<10240x16xf32, #tpu.memory_space<vmem_shared>> -> memref<64x16xf32, #tpu.memory_space<vmem_shared>>
      %dma_wait3A_115 = arith.constant 0 : i32
      %dma_wait3A_116 = tpu.memref_slice %arg8[%add3A_28, %dma_wait3A_115] : memref<10240x16xf32, #tpu.memory_space<vmem_shared>> -> memref<64x16xf32, #tpu.memory_space<vmem_shared>>
      tpu.wait_dma2 semaphore(%run_scoped3A : memref<!tpu.dma_semaphore, #tpu.memory_space<semaphore_mem>>) src(%arg6 : memref<64x16xf32, #tpu.memory_space<vmem>>) dst(%dma_wait3A_116 : memref<64x16xf32, #tpu.memory_space<vmem_shared>>)
      tpu.yield
    }) : () -> ()
    %mul3A_29 = arith.constant 640 : i32
    %mul3A_30 = arith.muli %arg1, %mul3A_29 : i32
    %add3A_31 = arith.constant 384 : i32
    %add3A_32 = arith.addi %mul3A_30, %add3A_31 : i32
    "tpu.region"() ({
      %run_scoped3A = tpu.sem_alloc : memref<!tpu.dma_semaphore, #tpu.memory_space<semaphore_mem>>
      %dma_start3A = arith.constant 0 : i32
      %dma_start3A_110 = tpu.memref_slice %arg8[%add3A_32, %dma_start3A] : memref<10240x16xf32, #tpu.memory_space<vmem_shared>> -> memref<64x16xf32, #tpu.memory_space<vmem_shared>>
      %dma_start3A_111 = arith.constant 0 : i32
      %dma_start3A_112 = tpu.memref_slice %arg8[%add3A_32, %dma_start3A_111] : memref<10240x16xf32, #tpu.memory_space<vmem_shared>> -> memref<64x16xf32, #tpu.memory_space<vmem_shared>>
      tpu.enqueue_dma source(%arg6 : memref<64x16xf32, #tpu.memory_space<vmem>>) target(%dma_start3A_112 : memref<64x16xf32, #tpu.memory_space<vmem_shared>>) target_semaphore(%run_scoped3A : memref<!tpu.dma_semaphore, #tpu.memory_space<semaphore_mem>>)
      %dma_wait3A_113 = arith.constant 0 : i32
      %dma_wait3A_114 = tpu.memref_slice %arg8[%add3A_32, %dma_wait3A_113] : memref<10240x16xf32, #tpu.memory_space<vmem_shared>> -> memref<64x16xf32, #tpu.memory_space<vmem_shared>>
      %dma_wait3A_115 = arith.constant 0 : i32
      %dma_wait3A_116 = tpu.memref_slice %arg8[%add3A_32, %dma_wait3A_115] : memref<10240x16xf32, #tpu.memory_space<vmem_shared>> -> memref<64x16xf32, #tpu.memory_space<vmem_shared>>
      tpu.wait_dma2 semaphore(%run_scoped3A : memref<!tpu.dma_semaphore, #tpu.memory_space<semaphore_mem>>) src(%arg6 : memref<64x16xf32, #tpu.memory_space<vmem>>) dst(%dma_wait3A_116 : memref<64x16xf32, #tpu.memory_space<vmem_shared>>)
      tpu.yield
    }) : () -> ()
    %mul3A_33 = arith.constant 640 : i32
    %mul3A_34 = arith.muli %arg1, %mul3A_33 : i32
    %add3A_35 = arith.constant 448 : i32
    %add3A_36 = arith.addi %mul3A_34, %add3A_35 : i32
    "tpu.region"() ({
      %run_scoped3A = tpu.sem_alloc : memref<!tpu.dma_semaphore, #tpu.memory_space<semaphore_mem>>
      %dma_start3A = arith.constant 0 : i32
      %dma_start3A_110 = tpu.memref_slice %arg8[%add3A_36, %dma_start3A] : memref<10240x16xf32, #tpu.memory_space<vmem_shared>> -> memref<64x16xf32, #tpu.memory_space<vmem_shared>>
      %dma_start3A_111 = arith.constant 0 : i32
      %dma_start3A_112 = tpu.memref_slice %arg8[%add3A_36, %dma_start3A_111] : memref<10240x16xf32, #tpu.memory_space<vmem_shared>> -> memref<64x16xf32, #tpu.memory_space<vmem_shared>>
      tpu.enqueue_dma source(%arg6 : memref<64x16xf32, #tpu.memory_space<vmem>>) target(%dma_start3A_112 : memref<64x16xf32, #tpu.memory_space<vmem_shared>>) target_semaphore(%run_scoped3A : memref<!tpu.dma_semaphore, #tpu.memory_space<semaphore_mem>>)
      %dma_wait3A_113 = arith.constant 0 : i32
      %dma_wait3A_114 = tpu.memref_slice %arg8[%add3A_36, %dma_wait3A_113] : memref<10240x16xf32, #tpu.memory_space<vmem_shared>> -> memref<64x16xf32, #tpu.memory_space<vmem_shared>>
      %dma_wait3A_115 = arith.constant 0 : i32
      %dma_wait3A_116 = tpu.memref_slice %arg8[%add3A_36, %dma_wait3A_115] : memref<10240x16xf32, #tpu.memory_space<vmem_shared>> -> memref<64x16xf32, #tpu.memory_space<vmem_shared>>
      tpu.wait_dma2 semaphore(%run_scoped3A : memref<!tpu.dma_semaphore, #tpu.memory_space<semaphore_mem>>) src(%arg6 : memref<64x16xf32, #tpu.memory_space<vmem>>) dst(%dma_wait3A_116 : memref<64x16xf32, #tpu.memory_space<vmem_shared>>)
      tpu.yield
    }) : () -> ()
    %mul3A_37 = arith.constant 640 : i32
    %mul3A_38 = arith.muli %arg1, %mul3A_37 : i32
    %add3A_39 = arith.constant 512 : i32
    %add3A_40 = arith.addi %mul3A_38, %add3A_39 : i32
    "tpu.region"() ({
      %run_scoped3A = tpu.sem_alloc : memref<!tpu.dma_semaphore, #tpu.memory_space<semaphore_mem>>
      %dma_start3A = arith.constant 0 : i32
      %dma_start3A_110 = tpu.memref_slice %arg8[%add3A_40, %dma_start3A] : memref<10240x16xf32, #tpu.memory_space<vmem_shared>> -> memref<64x16xf32, #tpu.memory_space<vmem_shared>>
      %dma_start3A_111 = arith.constant 0 : i32
      %dma_start3A_112 = tpu.memref_slice %arg8[%add3A_40, %dma_start3A_111] : memref<10240x16xf32, #tpu.memory_space<vmem_shared>> -> memref<64x16xf32, #tpu.memory_space<vmem_shared>>
      tpu.enqueue_dma source(%arg6 : memref<64x16xf32, #tpu.memory_space<vmem>>) target(%dma_start3A_112 : memref<64x16xf32, #tpu.memory_space<vmem_shared>>) target_semaphore(%run_scoped3A : memref<!tpu.dma_semaphore, #tpu.memory_space<semaphore_mem>>)
      %dma_wait3A_113 = arith.constant 0 : i32
      %dma_wait3A_114 = tpu.memref_slice %arg8[%add3A_40, %dma_wait3A_113] : memref<10240x16xf32, #tpu.memory_space<vmem_shared>> -> memref<64x16xf32, #tpu.memory_space<vmem_shared>>
      %dma_wait3A_115 = arith.constant 0 : i32
      %dma_wait3A_116 = tpu.memref_slice %arg8[%add3A_40, %dma_wait3A_115] : memref<10240x16xf32, #tpu.memory_space<vmem_shared>> -> memref<64x16xf32, #tpu.memory_space<vmem_shared>>
      tpu.wait_dma2 semaphore(%run_scoped3A : memref<!tpu.dma_semaphore, #tpu.memory_space<semaphore_mem>>) src(%arg6 : memref<64x16xf32, #tpu.memory_space<vmem>>) dst(%dma_wait3A_116 : memref<64x16xf32, #tpu.memory_space<vmem_shared>>)
      tpu.yield
    }) : () -> ()
    %mul3A_41 = arith.constant 640 : i32
    %mul3A_42 = arith.muli %arg1, %mul3A_41 : i32
    %add3A_43 = arith.constant 576 : i32
    %add3A_44 = arith.addi %mul3A_42, %add3A_43 : i32
    "tpu.region"() ({
      %run_scoped3A = tpu.sem_alloc : memref<!tpu.dma_semaphore, #tpu.memory_space<semaphore_mem>>
      %dma_start3A = arith.constant 0 : i32
      %dma_start3A_110 = tpu.memref_slice %arg8[%add3A_44, %dma_start3A] : memref<10240x16xf32, #tpu.memory_space<vmem_shared>> -> memref<64x16xf32, #tpu.memory_space<vmem_shared>>
      %dma_start3A_111 = arith.constant 0 : i32
      %dma_start3A_112 = tpu.memref_slice %arg8[%add3A_44, %dma_start3A_111] : memref<10240x16xf32, #tpu.memory_space<vmem_shared>> -> memref<64x16xf32, #tpu.memory_space<vmem_shared>>
      tpu.enqueue_dma source(%arg6 : memref<64x16xf32, #tpu.memory_space<vmem>>) target(%dma_start3A_112 : memref<64x16xf32, #tpu.memory_space<vmem_shared>>) target_semaphore(%run_scoped3A : memref<!tpu.dma_semaphore, #tpu.memory_space<semaphore_mem>>)
      %dma_wait3A_113 = arith.constant 0 : i32
      %dma_wait3A_114 = tpu.memref_slice %arg8[%add3A_44, %dma_wait3A_113] : memref<10240x16xf32, #tpu.memory_space<vmem_shared>> -> memref<64x16xf32, #tpu.memory_space<vmem_shared>>
      %dma_wait3A_115 = arith.constant 0 : i32
      %dma_wait3A_116 = tpu.memref_slice %arg8[%add3A_44, %dma_wait3A_115] : memref<10240x16xf32, #tpu.memory_space<vmem_shared>> -> memref<64x16xf32, #tpu.memory_space<vmem_shared>>
      tpu.wait_dma2 semaphore(%run_scoped3A : memref<!tpu.dma_semaphore, #tpu.memory_space<semaphore_mem>>) src(%arg6 : memref<64x16xf32, #tpu.memory_space<vmem>>) dst(%dma_wait3A_116 : memref<64x16xf32, #tpu.memory_space<vmem_shared>>)
      tpu.yield
    }) : () -> ()
    %iota3A = tpu.iota {dimensions = array<i32: 0>} : vector<16xi32>
    %lt3A = arith.constant 8 : i32
    %lt3A_45 = vector.broadcast %lt3A : i32 to vector<16xi32>
    %lt3A_46 = arith.cmpi slt, %iota3A, %lt3A_45 : vector<16xi32>
    %jit3A = arith.constant 1.000000e+00 : f32
    %jit3A_47 = arith.constant 0.000000e+00 : f32
    %broadcast_in_dim3A_48 = vector.broadcast %jit3A : f32 to vector<16xf32>
    %broadcast_in_dim3A_49 = vector.broadcast %jit3A_47 : f32 to vector<16xf32>
    %select_n3A = arith.select %lt3A_46, %broadcast_in_dim3A_48, %broadcast_in_dim3A_49 : vector<16xi1>, vector<16xf32>
    %ge3A = arith.constant 8 : i32
    %ge3A_50 = vector.broadcast %ge3A : i32 to vector<16xi32>
    %ge3A_51 = arith.cmpi sge, %iota3A, %ge3A_50 : vector<16xi32>
    %jit3A_52 = arith.constant 1.000000e+00 : f32
    %jit3A_53 = arith.constant 0.000000e+00 : f32
    %broadcast_in_dim3A_54 = vector.broadcast %jit3A_52 : f32 to vector<16xf32>
    %broadcast_in_dim3A_55 = vector.broadcast %jit3A_53 : f32 to vector<16xf32>
    %select_n3A_56 = arith.select %ge3A_51, %broadcast_in_dim3A_54, %broadcast_in_dim3A_55 : vector<16xi1>, vector<16xf32>
    %scan3A_57 = arith.constant 0 : i32
    %scan3A_58 = arith.constant 0 : i32
    %scan3A_59 = arith.constant 64 : i32
    %scan3A_60 = arith.addi %scan3A_58, %scan3A_59 : i32
    %scan3A_61 = arith.constant 1 : i32
    %scan3A_62 = scf.for %scan3A_110 = %scan3A_58 to %scan3A_60 step %scan3A_61 iter_args(%scan3A_111 = %scan3A_57) -> (i32)  : i32 {
      %swap3A = arith.index_cast %scan3A_110 : i32 to index
      %swap3A_112 = arith.constant 0 : index
      %swap3A_113 = tpu.vector_load %arg6[%swap3A, %swap3A_112] {strides = array<i32>} : memref<64x16xf32, #tpu.memory_space<vmem>>, vector<1x16xf32>,
      %swap3A_114 = vector.shape_cast %swap3A_113 : vector<1x16xf32> to vector<16xf32>
      %swap3A_115 = vector.shape_cast %select_n3A : vector<16xf32> to vector<1x16xf32>
      tpu.vector_store %arg6[%swap3A, %swap3A_112], %swap3A_115 {strides = array<i32>} : memref<64x16xf32, #tpu.memory_space<vmem>>, vector<1x16xf32>,
      %swap3A_116 = arith.index_cast %scan3A_110 : i32 to index
      %swap3A_117 = arith.constant 0 : index
      %swap3A_118 = tpu.vector_load %arg7[%swap3A_116, %swap3A_117] {strides = array<i32>} : memref<64x16xf32, #tpu.memory_space<vmem>>, vector<1x16xf32>,
      %swap3A_119 = vector.shape_cast %swap3A_118 : vector<1x16xf32> to vector<16xf32>
      %swap3A_120 = vector.shape_cast %select_n3A_56 : vector<16xf32> to vector<1x16xf32>
      tpu.vector_store %arg7[%swap3A_116, %swap3A_117], %swap3A_120 {strides = array<i32>} : memref<64x16xf32, #tpu.memory_space<vmem>>, vector<1x16xf32>,
      %scan3A_121 = arith.constant 0 : i32
      scf.yield %scan3A_121 : i32
    }
    %scan3A_63 = arith.constant 64 : i32
    %scan3A_64 = arith.constant 0 : i32
    %scan3A_65 = arith.constant 0 : i32
    %scan3A_66 = arith.constant 160 : i32
    %scan3A_67 = arith.addi %scan3A_65, %scan3A_66 : i32
    %scan3A_68 = arith.constant 1 : i32
    %scan3A_69 = scf.for %scan3A_110 = %scan3A_65 to %scan3A_67 step %scan3A_68 iter_args(%scan3A_111 = %scan3A_64) -> (i32)  : i32 {
      %scan3A_112 = arith.constant 0 : i32
      %scan3A_113 = arith.constant 0 : i32
      %scan3A_114 = arith.constant 4 : i32
      %scan3A_115 = arith.addi %scan3A_113, %scan3A_114 : i32
      %scan3A_116 = arith.constant 1 : i32
      %scan3A_117 = scf.for %scan3A_119 = %scan3A_113 to %scan3A_115 step %scan3A_116 iter_args(%scan3A_120 = %scan3A_112) -> (i32)  : i32 {
        %mul3A_121 = arith.constant 16 : i32
        %mul3A_122 = arith.muli %scan3A_119, %mul3A_121 : i32
        %get3A = arith.index_cast %scan3A_110 : i32 to index
        %get3A_123 = arith.index_cast %mul3A_122 : i32 to index
        %get3A_124 = tpu.vector_load %arg4[%get3A, %get3A_123] {strides = array<i32>} : memref<160x64xi32, #tpu.memory_space<vmem>>, vector<1x16xi32>,
        %get3A_125 = vector.shape_cast %get3A_124 : vector<1x16xi32> to vector<16xi32>
        %shift_right_logical3A = arith.constant 14 : i32
        %shift_right_logical3A_126 = vector.broadcast %shift_right_logical3A : i32 to vector<16xi32>
        %shift_right_logical3A_127 = arith.shrui %get3A_125, %shift_right_logical3A_126 : vector<16xi32>
        %mul3A_128 = arith.constant 16 : i32
        %mul3A_129 = arith.muli %scan3A_119, %mul3A_128 : i32
        %swap3A = arith.index_cast %scan3A_110 : i32 to index
        %swap3A_130 = arith.index_cast %mul3A_129 : i32 to index
        %swap3A_131 = tpu.vector_load %arg5[%swap3A, %swap3A_130] {strides = array<i32>} : memref<160x64xi32, #tpu.memory_space<vmem>>, vector<1x16xi32>,
        %swap3A_132 = vector.shape_cast %swap3A_131 : vector<1x16xi32> to vector<16xi32>
        %swap3A_133 = vector.shape_cast %shift_right_logical3A_127 : vector<16xi32> to vector<1x16xi32>
        tpu.vector_store %arg5[%swap3A, %swap3A_130], %swap3A_133 {strides = array<i32>} : memref<160x64xi32, #tpu.memory_space<vmem>>, vector<1x16xi32>,
        %and3A = arith.constant 16383 : i32
        %and3A_134 = vector.broadcast %and3A : i32 to vector<16xi32>
        %and3A_135 = arith.andi %get3A_125, %and3A_134 : vector<16xi32>
        %mul3A_136 = arith.constant 16 : i32
        %mul3A_137 = arith.muli %scan3A_119, %mul3A_136 : i32
        %swap3A_138 = arith.index_cast %scan3A_110 : i32 to index
        %swap3A_139 = arith.index_cast %mul3A_137 : i32 to index
        %swap3A_140 = tpu.vector_load %arg4[%swap3A_138, %swap3A_139] {strides = array<i32>} : memref<160x64xi32, #tpu.memory_space<vmem>>, vector<1x16xi32>,
        %swap3A_141 = vector.shape_cast %swap3A_140 : vector<1x16xi32> to vector<16xi32>
        %swap3A_142 = vector.shape_cast %and3A_135 : vector<16xi32> to vector<1x16xi32>
        tpu.vector_store %arg4[%swap3A_138, %swap3A_139], %swap3A_142 {strides = array<i32>} : memref<160x64xi32, #tpu.memory_space<vmem>>, vector<1x16xi32>,
        %scan3A_143 = arith.constant 0 : i32
        scf.yield %scan3A_143 : i32
      }
      %scan3A_118 = arith.constant 4 : i32
      scf.yield %scan3A_117 : i32
    }
    %scan3A_70 = arith.constant 160 : i32
    %barrier3A = arith.constant 0 : index
    tpu.barrier barrier_id(%barrier3A)
    %scan3A_71 = arith.constant 0 : i32
    %scan3A_72 = arith.constant 0 : i32
    %scan3A_73 = arith.constant 160 : i32
    %scan3A_74 = arith.addi %scan3A_72, %scan3A_73 : i32
    %scan3A_75 = arith.constant 1 : i32
    %scan3A_76 = scf.for %scan3A_110 = %scan3A_72 to %scan3A_74 step %scan3A_75 iter_args(%scan3A_111 = %scan3A_71) -> (i32)  : i32 {
      %ge3A_112 = arith.constant 2 : i32
      %ge3A_113 = arith.cmpi sge, %scan3A_110, %ge3A_112 : i32
      %convert_element_type3A = arith.extui %ge3A_113 : i1 to i32
      %cond3A = arith.constant 0 : i32
      %cond3A_114 = arith.cmpi ne, %convert_element_type3A, %cond3A : i32
      scf.if %cond3A_114 {
        %sub3A = arith.constant 2 : i32
        %sub3A_127 = arith.subi %scan3A_110, %sub3A : i32
        %dma_wait3A_128 = arith.constant 0 : i32
        %dma_wait3A_129 = tpu.memref_slice %arg4[%sub3A_127, %dma_wait3A_128] : memref<160x64xi32, #tpu.memory_space<vmem>> -> memref<1x64xi32, #tpu.memory_space<vmem>>
        %dma_wait3A_130 = tpu.memref_squeeze %dma_wait3A_129 : memref<1x64xi32, #tpu.memory_space<vmem>> -> memref<64xi32, #tpu.memory_space<vmem>>
        %dma_wait3A_131 = arith.constant 0 : i32
        %dma_wait3A_132 = arith.constant 0 : i32
        %dma_wait3A_133 = tpu.memref_slice %arg8[%dma_wait3A_131, %dma_wait3A_132] : memref<10240x16xf32, #tpu.memory_space<vmem_shared>> -> memref<10240x16xf32, #tpu.memory_space<vmem_shared>>
        tpu.wait_indirect_dma semaphore(%arg9 : memref<!tpu.dma_semaphore, #tpu.memory_space<semaphore_mem>>) src(%arg6 : memref<64x16xf32, #tpu.memory_space<vmem>>) dst(%dma_wait3A_133 : memref<10240x16xf32, #tpu.memory_space<vmem_shared>>)
        %sub3A_134 = arith.constant 2 : i32
        %sub3A_135 = arith.subi %scan3A_110, %sub3A_134 : i32
        %dma_wait3A_136 = arith.constant 0 : i32
        %dma_wait3A_137 = tpu.memref_slice %arg5[%sub3A_135, %dma_wait3A_136] : memref<160x64xi32, #tpu.memory_space<vmem>> -> memref<1x64xi32, #tpu.memory_space<vmem>>
        %dma_wait3A_138 = tpu.memref_squeeze %dma_wait3A_137 : memref<1x64xi32, #tpu.memory_space<vmem>> -> memref<64xi32, #tpu.memory_space<vmem>>
        %dma_wait3A_139 = arith.constant 0 : i32
        %dma_wait3A_140 = arith.constant 0 : i32
        %dma_wait3A_141 = tpu.memref_slice %arg8[%dma_wait3A_139, %dma_wait3A_140] : memref<10240x16xf32, #tpu.memory_space<vmem_shared>> -> memref<10240x16xf32, #tpu.memory_space<vmem_shared>>
        tpu.wait_indirect_dma semaphore(%arg10 : memref<!tpu.dma_semaphore, #tpu.memory_space<semaphore_mem>>) src(%arg7 : memref<64x16xf32, #tpu.memory_space<vmem>>) dst(%dma_wait3A_141 : memref<10240x16xf32, #tpu.memory_space<vmem_shared>>)
      } else {
      }
      %dma_start3A = arith.constant 0 : i32
      %dma_start3A_115 = tpu.memref_slice %arg4[%scan3A_110, %dma_start3A] : memref<160x64xi32, #tpu.memory_space<vmem>> -> memref<1x64xi32, #tpu.memory_space<vmem>>
      %dma_start3A_116 = tpu.memref_squeeze %dma_start3A_115 : memref<1x64xi32, #tpu.memory_space<vmem>> -> memref<64xi32, #tpu.memory_space<vmem>>
      %dma_start3A_117 = arith.constant 0 : i32
      %dma_start3A_118 = arith.constant 0 : i32
      %dma_start3A_119 = tpu.memref_slice %arg8[%dma_start3A_117, %dma_start3A_118] : memref<10240x16xf32, #tpu.memory_space<vmem_shared>> -> memref<10240x16xf32, #tpu.memory_space<vmem_shared>>
      tpu.enqueue_indirect_dma source(%arg6 : memref<64x16xf32, #tpu.memory_space<vmem>>) target(%dma_start3A_119 : memref<10240x16xf32, #tpu.memory_space<vmem_shared>>) offsets(%dma_start3A_116 : memref<64xi32, #tpu.memory_space<vmem>>) semaphore(%arg9 : memref<!tpu.dma_semaphore, #tpu.memory_space<semaphore_mem>>) {add = true}
      %dma_start3A_120 = arith.constant 0 : i32
      %dma_start3A_121 = tpu.memref_slice %arg5[%scan3A_110, %dma_start3A_120] : memref<160x64xi32, #tpu.memory_space<vmem>> -> memref<1x64xi32, #tpu.memory_space<vmem>>
      %dma_start3A_122 = tpu.memref_squeeze %dma_start3A_121 : memref<1x64xi32, #tpu.memory_space<vmem>> -> memref<64xi32, #tpu.memory_space<vmem>>
      %dma_start3A_123 = arith.constant 0 : i32
      %dma_start3A_124 = arith.constant 0 : i32
      %dma_start3A_125 = tpu.memref_slice %arg8[%dma_start3A_123, %dma_start3A_124] : memref<10240x16xf32, #tpu.memory_space<vmem_shared>> -> memref<10240x16xf32, #tpu.memory_space<vmem_shared>>
      tpu.enqueue_indirect_dma source(%arg7 : memref<64x16xf32, #tpu.memory_space<vmem>>) target(%dma_start3A_125 : memref<10240x16xf32, #tpu.memory_space<vmem_shared>>) offsets(%dma_start3A_122 : memref<64xi32, #tpu.memory_space<vmem>>) semaphore(%arg10 : memref<!tpu.dma_semaphore, #tpu.memory_space<semaphore_mem>>) {add = true}
      %scan3A_126 = arith.constant 0 : i32
      scf.yield %scan3A_126 : i32
    }
    %scan3A_77 = arith.constant 160 : i32
    %dma_wait3A = arith.constant 158 : i32
    %dma_wait3A_78 = arith.constant 0 : i32
    %dma_wait3A_79 = tpu.memref_slice %arg4[%dma_wait3A, %dma_wait3A_78] : memref<160x64xi32, #tpu.memory_space<vmem>> -> memref<1x64xi32, #tpu.memory_space<vmem>>
    %dma_wait3A_80 = tpu.memref_squeeze %dma_wait3A_79 : memref<1x64xi32, #tpu.memory_space<vmem>> -> memref<64xi32, #tpu.memory_space<vmem>>
    %dma_wait3A_81 = arith.constant 0 : i32
    %dma_wait3A_82 = arith.constant 0 : i32
    %dma_wait3A_83 = tpu.memref_slice %arg8[%dma_wait3A_81, %dma_wait3A_82] : memref<10240x16xf32, #tpu.memory_space<vmem_shared>> -> memref<10240x16xf32, #tpu.memory_space<vmem_shared>>
    tpu.wait_indirect_dma semaphore(%arg9 : memref<!tpu.dma_semaphore, #tpu.memory_space<semaphore_mem>>) src(%arg6 : memref<64x16xf32, #tpu.memory_space<vmem>>) dst(%dma_wait3A_83 : memref<10240x16xf32, #tpu.memory_space<vmem_shared>>)
    %dma_wait3A_84 = arith.constant 158 : i32
    %dma_wait3A_85 = arith.constant 0 : i32
    %dma_wait3A_86 = tpu.memref_slice %arg5[%dma_wait3A_84, %dma_wait3A_85] : memref<160x64xi32, #tpu.memory_space<vmem>> -> memref<1x64xi32, #tpu.memory_space<vmem>>
    %dma_wait3A_87 = tpu.memref_squeeze %dma_wait3A_86 : memref<1x64xi32, #tpu.memory_space<vmem>> -> memref<64xi32, #tpu.memory_space<vmem>>
    %dma_wait3A_88 = arith.constant 0 : i32
    %dma_wait3A_89 = arith.constant 0 : i32
    %dma_wait3A_90 = tpu.memref_slice %arg8[%dma_wait3A_88, %dma_wait3A_89] : memref<10240x16xf32, #tpu.memory_space<vmem_shared>> -> memref<10240x16xf32, #tpu.memory_space<vmem_shared>>
    tpu.wait_indirect_dma semaphore(%arg10 : memref<!tpu.dma_semaphore, #tpu.memory_space<semaphore_mem>>) src(%arg7 : memref<64x16xf32, #tpu.memory_space<vmem>>) dst(%dma_wait3A_90 : memref<10240x16xf32, #tpu.memory_space<vmem_shared>>)
    %dma_wait3A_91 = arith.constant 159 : i32
    %dma_wait3A_92 = arith.constant 0 : i32
    %dma_wait3A_93 = tpu.memref_slice %arg4[%dma_wait3A_91, %dma_wait3A_92] : memref<160x64xi32, #tpu.memory_space<vmem>> -> memref<1x64xi32, #tpu.memory_space<vmem>>
    %dma_wait3A_94 = tpu.memref_squeeze %dma_wait3A_93 : memref<1x64xi32, #tpu.memory_space<vmem>> -> memref<64xi32, #tpu.memory_space<vmem>>
    %dma_wait3A_95 = arith.constant 0 : i32
    %dma_wait3A_96 = arith.constant 0 : i32
    %dma_wait3A_97 = tpu.memref_slice %arg8[%dma_wait3A_95, %dma_wait3A_96] : memref<10240x16xf32, #tpu.memory_space<vmem_shared>> -> memref<10240x16xf32, #tpu.memory_space<vmem_shared>>
    tpu.wait_indirect_dma semaphore(%arg9 : memref<!tpu.dma_semaphore, #tpu.memory_space<semaphore_mem>>) src(%arg6 : memref<64x16xf32, #tpu.memory_space<vmem>>) dst(%dma_wait3A_97 : memref<10240x16xf32, #tpu.memory_space<vmem_shared>>)
    %dma_wait3A_98 = arith.constant 159 : i32
    %dma_wait3A_99 = arith.constant 0 : i32
    %dma_wait3A_100 = tpu.memref_slice %arg5[%dma_wait3A_98, %dma_wait3A_99] : memref<160x64xi32, #tpu.memory_space<vmem>> -> memref<1x64xi32, #tpu.memory_space<vmem>>
    %dma_wait3A_101 = tpu.memref_squeeze %dma_wait3A_100 : memref<1x64xi32, #tpu.memory_space<vmem>> -> memref<64xi32, #tpu.memory_space<vmem>>
    %dma_wait3A_102 = arith.constant 0 : i32
    %dma_wait3A_103 = arith.constant 0 : i32
    %dma_wait3A_104 = tpu.memref_slice %arg8[%dma_wait3A_102, %dma_wait3A_103] : memref<10240x16xf32, #tpu.memory_space<vmem_shared>> -> memref<10240x16xf32, #tpu.memory_space<vmem_shared>>
    tpu.wait_indirect_dma semaphore(%arg10 : memref<!tpu.dma_semaphore, #tpu.memory_space<semaphore_mem>>) src(%arg7 : memref<64x16xf32, #tpu.memory_space<vmem>>) dst(%dma_wait3A_104 : memref<10240x16xf32, #tpu.memory_space<vmem_shared>>)
    %barrier3A_105 = arith.constant 0 : index
    tpu.barrier barrier_id(%barrier3A_105)
    %mul3A_106 = arith.constant 640 : i32
    %mul3A_107 = arith.muli %arg1, %mul3A_106 : i32
    %mul3A_108 = arith.constant 640 : i32
    %mul3A_109 = arith.muli %arg1, %mul3A_108 : i32
    "tpu.region"() ({
      %run_scoped3A = tpu.sem_alloc : memref<!tpu.dma_semaphore, #tpu.memory_space<semaphore_mem>>
      %dma_start3A = arith.constant 0 : i32
      %dma_start3A_110 = tpu.memref_slice %arg3[%arg0, %mul3A_109, %dma_start3A] : memref<2x10240x16xf32, #tpu.memory_space<hbm>> -> memref<1x640x16xf32, #tpu.memory_space<hbm>>
      %dma_start3A_111 = tpu.memref_squeeze %dma_start3A_110 : memref<1x640x16xf32, #tpu.memory_space<hbm>> -> memref<640x16xf32, #tpu.memory_space<hbm>>
      %dma_start3A_112 = arith.constant 0 : i32
      %dma_start3A_113 = tpu.memref_slice %arg8[%mul3A_107, %dma_start3A_112] : memref<10240x16xf32, #tpu.memory_space<vmem_shared>> -> memref<640x16xf32, #tpu.memory_space<vmem_shared>>
      tpu.enqueue_dma source(%dma_start3A_113 : memref<640x16xf32, #tpu.memory_space<vmem_shared>>) target(%dma_start3A_111 : memref<640x16xf32, #tpu.memory_space<hbm>>) target_semaphore(%run_scoped3A : memref<!tpu.dma_semaphore, #tpu.memory_space<semaphore_mem>>)
      %dma_wait3A_114 = arith.constant 0 : i32
      %dma_wait3A_115 = tpu.memref_slice %arg3[%arg0, %mul3A_109, %dma_wait3A_114] : memref<2x10240x16xf32, #tpu.memory_space<hbm>> -> memref<1x640x16xf32, #tpu.memory_space<hbm>>
      %dma_wait3A_116 = tpu.memref_squeeze %dma_wait3A_115 : memref<1x640x16xf32, #tpu.memory_space<hbm>> -> memref<640x16xf32, #tpu.memory_space<hbm>>
      %dma_wait3A_117 = arith.constant 0 : i32
      %dma_wait3A_118 = tpu.memref_slice %arg8[%mul3A_107, %dma_wait3A_117] : memref<10240x16xf32, #tpu.memory_space<vmem_shared>> -> memref<640x16xf32, #tpu.memory_space<vmem_shared>>
      tpu.wait_dma2 semaphore(%run_scoped3A : memref<!tpu.dma_semaphore, #tpu.memory_space<semaphore_mem>>) src(%dma_wait3A_118 : memref<640x16xf32, #tpu.memory_space<vmem_shared>>) dst(%dma_wait3A_116 : memref<640x16xf32, #tpu.memory_space<hbm>>)
      tpu.yield
    }) : () -> ()
    return
  }
}

#map = affine_map<(d0, d1) -> (0, 0)>
#map1 = affine_map<(d0, d1) -> (0, 0, 0, 0)>
#map2 = affine_map<(d0, d1) -> (0, 0, 0)>
module attributes {stable_mosaic.version = 14 : i64} {
  func.func @_agg_kernel(%arg0: i32, %arg1: i32, %arg2: memref<10240x128xf32, #tpu.memory_space<hbm>>, %arg3: memref<2x16x160x64xi32, #tpu.memory_space<hbm>>, %arg4: memref<2x10240x128xf32, #tpu.memory_space<hbm>>, %arg5: memref<160x64xi32, #tpu.memory_space<vmem>>, %arg6: memref<160x64xi32, #tpu.memory_space<vmem>>, %arg7: memref<3x64x128xf32, #tpu.memory_space<vmem>>, %arg8: memref<10240x128xf32, #tpu.memory_space<vmem_shared>>, %arg9: memref<!tpu.dma_semaphore, #tpu.memory_space<semaphore_mem>>, %arg10: memref<!tpu.dma_semaphore, #tpu.memory_space<semaphore_mem>>, %arg11: memref<!tpu.dma_semaphore, #tpu.memory_space<semaphore_mem>>) attributes {dimension_semantics = [#tpu.dimension_semantics<core_parallel>, #tpu.dimension_semantics<subcore_parallel>], iteration_bounds = array<i64: 2, 16>, scalar_prefetch = 0 : i64, scratch_operands = 7 : i64, tpu.core_type = #tpu.core_type<sc_vector_subcore>, window_params = [{transform_indices = #map}, {transform_indices = #map1}, {transform_indices = #map2}]} {
    "tpu.region"() ({
      %run_scoped3A_121 = tpu.sem_alloc : memref<!tpu.dma_semaphore, #tpu.memory_space<semaphore_mem>>
      %dma_start3A_122 = arith.constant 0 : i32
      %dma_start3A_123 = arith.constant 0 : i32
      %dma_start3A_124 = tpu.memref_slice %arg3[%arg0, %arg1, %dma_start3A_122, %dma_start3A_123] : memref<2x16x160x64xi32, #tpu.memory_space<hbm>> -> memref<1x1x160x64xi32, #tpu.memory_space<hbm>>
      %dma_start3A_125 = tpu.memref_squeeze %dma_start3A_124 : memref<1x1x160x64xi32, #tpu.memory_space<hbm>> -> memref<160x64xi32, #tpu.memory_space<hbm>>
      %dma_start3A_126 = arith.constant 0 : i32
      %dma_start3A_127 = arith.constant 0 : i32
      %dma_start3A_128 = tpu.memref_slice %arg3[%arg0, %arg1, %dma_start3A_126, %dma_start3A_127] : memref<2x16x160x64xi32, #tpu.memory_space<hbm>> -> memref<1x1x160x64xi32, #tpu.memory_space<hbm>>
      %dma_start3A_129 = tpu.memref_squeeze %dma_start3A_128 : memref<1x1x160x64xi32, #tpu.memory_space<hbm>> -> memref<160x64xi32, #tpu.memory_space<hbm>>
      tpu.enqueue_dma source(%dma_start3A_129 : memref<160x64xi32, #tpu.memory_space<hbm>>) target(%arg5 : memref<160x64xi32, #tpu.memory_space<vmem>>) target_semaphore(%run_scoped3A_121 : memref<!tpu.dma_semaphore, #tpu.memory_space<semaphore_mem>>)
      %dma_wait3A_130 = arith.constant 0 : i32
      %dma_wait3A_131 = arith.constant 0 : i32
      %dma_wait3A_132 = tpu.memref_slice %arg3[%arg0, %arg1, %dma_wait3A_130, %dma_wait3A_131] : memref<2x16x160x64xi32, #tpu.memory_space<hbm>> -> memref<1x1x160x64xi32, #tpu.memory_space<hbm>>
      %dma_wait3A_133 = tpu.memref_squeeze %dma_wait3A_132 : memref<1x1x160x64xi32, #tpu.memory_space<hbm>> -> memref<160x64xi32, #tpu.memory_space<hbm>>
      %dma_wait3A_134 = arith.constant 0 : i32
      %dma_wait3A_135 = arith.constant 0 : i32
      %dma_wait3A_136 = tpu.memref_slice %arg3[%arg0, %arg1, %dma_wait3A_134, %dma_wait3A_135] : memref<2x16x160x64xi32, #tpu.memory_space<hbm>> -> memref<1x1x160x64xi32, #tpu.memory_space<hbm>>
      %dma_wait3A_137 = tpu.memref_squeeze %dma_wait3A_136 : memref<1x1x160x64xi32, #tpu.memory_space<hbm>> -> memref<160x64xi32, #tpu.memory_space<hbm>>
      tpu.wait_dma2 semaphore(%run_scoped3A_121 : memref<!tpu.dma_semaphore, #tpu.memory_space<semaphore_mem>>) src(%dma_wait3A_137 : memref<160x64xi32, #tpu.memory_space<hbm>>) dst(%arg5 : memref<160x64xi32, #tpu.memory_space<vmem>>)
      tpu.yield
    }) : () -> ()
    %broadcast_in_dim3A = arith.constant 0.000000e+00 : f32
    %broadcast_in_dim3A_0 = vector.broadcast %broadcast_in_dim3A : f32 to vector<16xf32>
    %scan3A = arith.constant 0 : i32
    %scan3A_1 = arith.constant 0 : i32
    %scan3A_2 = arith.constant 64 : i32
    %scan3A_3 = arith.addi %scan3A_1, %scan3A_2 : i32
    %scan3A_4 = arith.constant 1 : i32
    %scan3A_5 = scf.for %scan3A_121 = %scan3A_1 to %scan3A_3 step %scan3A_4 iter_args(%scan3A_122 = %scan3A) -> (i32)  : i32 {
      %scan3A_123 = arith.constant 0 : i32
      %scan3A_124 = arith.constant 0 : i32
      %scan3A_125 = arith.constant 8 : i32
      %scan3A_126 = arith.addi %scan3A_124, %scan3A_125 : i32
      %scan3A_127 = arith.constant 1 : i32
      %scan3A_128 = scf.for %scan3A_130 = %scan3A_124 to %scan3A_126 step %scan3A_127 iter_args(%scan3A_131 = %scan3A_123) -> (i32)  : i32 {
        %mul3A_132 = arith.constant 16 : i32
        %mul3A_133 = arith.muli %scan3A_130, %mul3A_132 : i32
        %swap3A = arith.constant 0 : i32
        %swap3A_134 = arith.index_cast %swap3A : i32 to index
        %swap3A_135 = arith.index_cast %scan3A_121 : i32 to index
        %swap3A_136 = arith.index_cast %mul3A_133 : i32 to index
        %swap3A_137 = tpu.vector_load %arg7[%swap3A_134, %swap3A_135, %swap3A_136] {strides = array<i32>} : memref<3x64x128xf32, #tpu.memory_space<vmem>>, vector<1x1x16xf32>,
        %swap3A_138 = vector.shape_cast %swap3A_137 : vector<1x1x16xf32> to vector<16xf32>
        %swap3A_139 = vector.shape_cast %broadcast_in_dim3A_0 : vector<16xf32> to vector<1x1x16xf32>
        tpu.vector_store %arg7[%swap3A_134, %swap3A_135, %swap3A_136], %swap3A_139 {strides = array<i32>} : memref<3x64x128xf32, #tpu.memory_space<vmem>>, vector<1x1x16xf32>,
        %scan3A_140 = arith.constant 0 : i32
        scf.yield %scan3A_140 : i32
      }
      %scan3A_129 = arith.constant 8 : i32
      scf.yield %scan3A_128 : i32
    }
    %scan3A_6 = arith.constant 64 : i32
    %mul3A = arith.constant 640 : i32
    %mul3A_7 = arith.muli %arg1, %mul3A : i32
    %add3A = arith.constant 0 : i32
    %add3A_8 = arith.addi %mul3A_7, %add3A : i32
    %run_scoped3A = arith.constant 0 : i32
    "tpu.region"() ({
      %run_scoped3A_121 = tpu.sem_alloc : memref<!tpu.dma_semaphore, #tpu.memory_space<semaphore_mem>>
      %dma_start3A_122 = arith.constant 0 : i32
      %dma_start3A_123 = arith.constant 0 : i32
      %dma_start3A_124 = tpu.memref_slice %arg7[%run_scoped3A, %dma_start3A_122, %dma_start3A_123] : memref<3x64x128xf32, #tpu.memory_space<vmem>> -> memref<1x64x128xf32, #tpu.memory_space<vmem>>
      %dma_start3A_125 = tpu.memref_squeeze %dma_start3A_124 : memref<1x64x128xf32, #tpu.memory_space<vmem>> -> memref<64x128xf32, #tpu.memory_space<vmem>>
      %dma_start3A_126 = arith.constant 0 : i32
      %dma_start3A_127 = tpu.memref_slice %arg8[%add3A_8, %dma_start3A_126] : memref<10240x128xf32, #tpu.memory_space<vmem_shared>> -> memref<64x128xf32, #tpu.memory_space<vmem_shared>>
      %dma_start3A_128 = arith.constant 0 : i32
      %dma_start3A_129 = tpu.memref_slice %arg8[%add3A_8, %dma_start3A_128] : memref<10240x128xf32, #tpu.memory_space<vmem_shared>> -> memref<64x128xf32, #tpu.memory_space<vmem_shared>>
      %dma_start3A_130 = arith.constant 0 : i32
      %dma_start3A_131 = arith.constant 0 : i32
      %dma_start3A_132 = tpu.memref_slice %arg7[%run_scoped3A, %dma_start3A_130, %dma_start3A_131] : memref<3x64x128xf32, #tpu.memory_space<vmem>> -> memref<1x64x128xf32, #tpu.memory_space<vmem>>
      %dma_start3A_133 = tpu.memref_squeeze %dma_start3A_132 : memref<1x64x128xf32, #tpu.memory_space<vmem>> -> memref<64x128xf32, #tpu.memory_space<vmem>>
      tpu.enqueue_dma source(%dma_start3A_133 : memref<64x128xf32, #tpu.memory_space<vmem>>) target(%dma_start3A_129 : memref<64x128xf32, #tpu.memory_space<vmem_shared>>) target_semaphore(%run_scoped3A_121 : memref<!tpu.dma_semaphore, #tpu.memory_space<semaphore_mem>>)
      %dma_wait3A_134 = arith.constant 0 : i32
      %dma_wait3A_135 = arith.constant 0 : i32
      %dma_wait3A_136 = tpu.memref_slice %arg7[%run_scoped3A, %dma_wait3A_134, %dma_wait3A_135] : memref<3x64x128xf32, #tpu.memory_space<vmem>> -> memref<1x64x128xf32, #tpu.memory_space<vmem>>
      %dma_wait3A_137 = tpu.memref_squeeze %dma_wait3A_136 : memref<1x64x128xf32, #tpu.memory_space<vmem>> -> memref<64x128xf32, #tpu.memory_space<vmem>>
      %dma_wait3A_138 = arith.constant 0 : i32
      %dma_wait3A_139 = tpu.memref_slice %arg8[%add3A_8, %dma_wait3A_138] : memref<10240x128xf32, #tpu.memory_space<vmem_shared>> -> memref<64x128xf32, #tpu.memory_space<vmem_shared>>
      %dma_wait3A_140 = arith.constant 0 : i32
      %dma_wait3A_141 = tpu.memref_slice %arg8[%add3A_8, %dma_wait3A_140] : memref<10240x128xf32, #tpu.memory_space<vmem_shared>> -> memref<64x128xf32, #tpu.memory_space<vmem_shared>>
      %dma_wait3A_142 = arith.constant 0 : i32
      %dma_wait3A_143 = arith.constant 0 : i32
      %dma_wait3A_144 = tpu.memref_slice %arg7[%run_scoped3A, %dma_wait3A_142, %dma_wait3A_143] : memref<3x64x128xf32, #tpu.memory_space<vmem>> -> memref<1x64x128xf32, #tpu.memory_space<vmem>>
      %dma_wait3A_145 = tpu.memref_squeeze %dma_wait3A_144 : memref<1x64x128xf32, #tpu.memory_space<vmem>> -> memref<64x128xf32, #tpu.memory_space<vmem>>
      tpu.wait_dma2 semaphore(%run_scoped3A_121 : memref<!tpu.dma_semaphore, #tpu.memory_space<semaphore_mem>>) src(%dma_wait3A_145 : memref<64x128xf32, #tpu.memory_space<vmem>>) dst(%dma_wait3A_141 : memref<64x128xf32, #tpu.memory_space<vmem_shared>>)
      tpu.yield
    }) : () -> ()
    %mul3A_9 = arith.constant 640 : i32
    %mul3A_10 = arith.muli %arg1, %mul3A_9 : i32
    %add3A_11 = arith.constant 64 : i32
    %add3A_12 = arith.addi %mul3A_10, %add3A_11 : i32
    %run_scoped3A_13 = arith.constant 0 : i32
    "tpu.region"() ({
      %run_scoped3A_121 = tpu.sem_alloc : memref<!tpu.dma_semaphore, #tpu.memory_space<semaphore_mem>>
      %dma_start3A_122 = arith.constant 0 : i32
      %dma_start3A_123 = arith.constant 0 : i32
      %dma_start3A_124 = tpu.memref_slice %arg7[%run_scoped3A_13, %dma_start3A_122, %dma_start3A_123] : memref<3x64x128xf32, #tpu.memory_space<vmem>> -> memref<1x64x128xf32, #tpu.memory_space<vmem>>
      %dma_start3A_125 = tpu.memref_squeeze %dma_start3A_124 : memref<1x64x128xf32, #tpu.memory_space<vmem>> -> memref<64x128xf32, #tpu.memory_space<vmem>>
      %dma_start3A_126 = arith.constant 0 : i32
      %dma_start3A_127 = tpu.memref_slice %arg8[%add3A_12, %dma_start3A_126] : memref<10240x128xf32, #tpu.memory_space<vmem_shared>> -> memref<64x128xf32, #tpu.memory_space<vmem_shared>>
      %dma_start3A_128 = arith.constant 0 : i32
      %dma_start3A_129 = tpu.memref_slice %arg8[%add3A_12, %dma_start3A_128] : memref<10240x128xf32, #tpu.memory_space<vmem_shared>> -> memref<64x128xf32, #tpu.memory_space<vmem_shared>>
      %dma_start3A_130 = arith.constant 0 : i32
      %dma_start3A_131 = arith.constant 0 : i32
      %dma_start3A_132 = tpu.memref_slice %arg7[%run_scoped3A_13, %dma_start3A_130, %dma_start3A_131] : memref<3x64x128xf32, #tpu.memory_space<vmem>> -> memref<1x64x128xf32, #tpu.memory_space<vmem>>
      %dma_start3A_133 = tpu.memref_squeeze %dma_start3A_132 : memref<1x64x128xf32, #tpu.memory_space<vmem>> -> memref<64x128xf32, #tpu.memory_space<vmem>>
      tpu.enqueue_dma source(%dma_start3A_133 : memref<64x128xf32, #tpu.memory_space<vmem>>) target(%dma_start3A_129 : memref<64x128xf32, #tpu.memory_space<vmem_shared>>) target_semaphore(%run_scoped3A_121 : memref<!tpu.dma_semaphore, #tpu.memory_space<semaphore_mem>>)
      %dma_wait3A_134 = arith.constant 0 : i32
      %dma_wait3A_135 = arith.constant 0 : i32
      %dma_wait3A_136 = tpu.memref_slice %arg7[%run_scoped3A_13, %dma_wait3A_134, %dma_wait3A_135] : memref<3x64x128xf32, #tpu.memory_space<vmem>> -> memref<1x64x128xf32, #tpu.memory_space<vmem>>
      %dma_wait3A_137 = tpu.memref_squeeze %dma_wait3A_136 : memref<1x64x128xf32, #tpu.memory_space<vmem>> -> memref<64x128xf32, #tpu.memory_space<vmem>>
      %dma_wait3A_138 = arith.constant 0 : i32
      %dma_wait3A_139 = tpu.memref_slice %arg8[%add3A_12, %dma_wait3A_138] : memref<10240x128xf32, #tpu.memory_space<vmem_shared>> -> memref<64x128xf32, #tpu.memory_space<vmem_shared>>
      %dma_wait3A_140 = arith.constant 0 : i32
      %dma_wait3A_141 = tpu.memref_slice %arg8[%add3A_12, %dma_wait3A_140] : memref<10240x128xf32, #tpu.memory_space<vmem_shared>> -> memref<64x128xf32, #tpu.memory_space<vmem_shared>>
      %dma_wait3A_142 = arith.constant 0 : i32
      %dma_wait3A_143 = arith.constant 0 : i32
      %dma_wait3A_144 = tpu.memref_slice %arg7[%run_scoped3A_13, %dma_wait3A_142, %dma_wait3A_143] : memref<3x64x128xf32, #tpu.memory_space<vmem>> -> memref<1x64x128xf32, #tpu.memory_space<vmem>>
      %dma_wait3A_145 = tpu.memref_squeeze %dma_wait3A_144 : memref<1x64x128xf32, #tpu.memory_space<vmem>> -> memref<64x128xf32, #tpu.memory_space<vmem>>
      tpu.wait_dma2 semaphore(%run_scoped3A_121 : memref<!tpu.dma_semaphore, #tpu.memory_space<semaphore_mem>>) src(%dma_wait3A_145 : memref<64x128xf32, #tpu.memory_space<vmem>>) dst(%dma_wait3A_141 : memref<64x128xf32, #tpu.memory_space<vmem_shared>>)
      tpu.yield
    }) : () -> ()
    %mul3A_14 = arith.constant 640 : i32
    %mul3A_15 = arith.muli %arg1, %mul3A_14 : i32
    %add3A_16 = arith.constant 128 : i32
    %add3A_17 = arith.addi %mul3A_15, %add3A_16 : i32
    %run_scoped3A_18 = arith.constant 0 : i32
    "tpu.region"() ({
      %run_scoped3A_121 = tpu.sem_alloc : memref<!tpu.dma_semaphore, #tpu.memory_space<semaphore_mem>>
      %dma_start3A_122 = arith.constant 0 : i32
      %dma_start3A_123 = arith.constant 0 : i32
      %dma_start3A_124 = tpu.memref_slice %arg7[%run_scoped3A_18, %dma_start3A_122, %dma_start3A_123] : memref<3x64x128xf32, #tpu.memory_space<vmem>> -> memref<1x64x128xf32, #tpu.memory_space<vmem>>
      %dma_start3A_125 = tpu.memref_squeeze %dma_start3A_124 : memref<1x64x128xf32, #tpu.memory_space<vmem>> -> memref<64x128xf32, #tpu.memory_space<vmem>>
      %dma_start3A_126 = arith.constant 0 : i32
      %dma_start3A_127 = tpu.memref_slice %arg8[%add3A_17, %dma_start3A_126] : memref<10240x128xf32, #tpu.memory_space<vmem_shared>> -> memref<64x128xf32, #tpu.memory_space<vmem_shared>>
      %dma_start3A_128 = arith.constant 0 : i32
      %dma_start3A_129 = tpu.memref_slice %arg8[%add3A_17, %dma_start3A_128] : memref<10240x128xf32, #tpu.memory_space<vmem_shared>> -> memref<64x128xf32, #tpu.memory_space<vmem_shared>>
      %dma_start3A_130 = arith.constant 0 : i32
      %dma_start3A_131 = arith.constant 0 : i32
      %dma_start3A_132 = tpu.memref_slice %arg7[%run_scoped3A_18, %dma_start3A_130, %dma_start3A_131] : memref<3x64x128xf32, #tpu.memory_space<vmem>> -> memref<1x64x128xf32, #tpu.memory_space<vmem>>
      %dma_start3A_133 = tpu.memref_squeeze %dma_start3A_132 : memref<1x64x128xf32, #tpu.memory_space<vmem>> -> memref<64x128xf32, #tpu.memory_space<vmem>>
      tpu.enqueue_dma source(%dma_start3A_133 : memref<64x128xf32, #tpu.memory_space<vmem>>) target(%dma_start3A_129 : memref<64x128xf32, #tpu.memory_space<vmem_shared>>) target_semaphore(%run_scoped3A_121 : memref<!tpu.dma_semaphore, #tpu.memory_space<semaphore_mem>>)
      %dma_wait3A_134 = arith.constant 0 : i32
      %dma_wait3A_135 = arith.constant 0 : i32
      %dma_wait3A_136 = tpu.memref_slice %arg7[%run_scoped3A_18, %dma_wait3A_134, %dma_wait3A_135] : memref<3x64x128xf32, #tpu.memory_space<vmem>> -> memref<1x64x128xf32, #tpu.memory_space<vmem>>
      %dma_wait3A_137 = tpu.memref_squeeze %dma_wait3A_136 : memref<1x64x128xf32, #tpu.memory_space<vmem>> -> memref<64x128xf32, #tpu.memory_space<vmem>>
      %dma_wait3A_138 = arith.constant 0 : i32
      %dma_wait3A_139 = tpu.memref_slice %arg8[%add3A_17, %dma_wait3A_138] : memref<10240x128xf32, #tpu.memory_space<vmem_shared>> -> memref<64x128xf32, #tpu.memory_space<vmem_shared>>
      %dma_wait3A_140 = arith.constant 0 : i32
      %dma_wait3A_141 = tpu.memref_slice %arg8[%add3A_17, %dma_wait3A_140] : memref<10240x128xf32, #tpu.memory_space<vmem_shared>> -> memref<64x128xf32, #tpu.memory_space<vmem_shared>>
      %dma_wait3A_142 = arith.constant 0 : i32
      %dma_wait3A_143 = arith.constant 0 : i32
      %dma_wait3A_144 = tpu.memref_slice %arg7[%run_scoped3A_18, %dma_wait3A_142, %dma_wait3A_143] : memref<3x64x128xf32, #tpu.memory_space<vmem>> -> memref<1x64x128xf32, #tpu.memory_space<vmem>>
      %dma_wait3A_145 = tpu.memref_squeeze %dma_wait3A_144 : memref<1x64x128xf32, #tpu.memory_space<vmem>> -> memref<64x128xf32, #tpu.memory_space<vmem>>
      tpu.wait_dma2 semaphore(%run_scoped3A_121 : memref<!tpu.dma_semaphore, #tpu.memory_space<semaphore_mem>>) src(%dma_wait3A_145 : memref<64x128xf32, #tpu.memory_space<vmem>>) dst(%dma_wait3A_141 : memref<64x128xf32, #tpu.memory_space<vmem_shared>>)
      tpu.yield
    }) : () -> ()
    %mul3A_19 = arith.constant 640 : i32
    %mul3A_20 = arith.muli %arg1, %mul3A_19 : i32
    %add3A_21 = arith.constant 192 : i32
    %add3A_22 = arith.addi %mul3A_20, %add3A_21 : i32
    %run_scoped3A_23 = arith.constant 0 : i32
    "tpu.region"() ({
      %run_scoped3A_121 = tpu.sem_alloc : memref<!tpu.dma_semaphore, #tpu.memory_space<semaphore_mem>>
      %dma_start3A_122 = arith.constant 0 : i32
      %dma_start3A_123 = arith.constant 0 : i32
      %dma_start3A_124 = tpu.memref_slice %arg7[%run_scoped3A_23, %dma_start3A_122, %dma_start3A_123] : memref<3x64x128xf32, #tpu.memory_space<vmem>> -> memref<1x64x128xf32, #tpu.memory_space<vmem>>
      %dma_start3A_125 = tpu.memref_squeeze %dma_start3A_124 : memref<1x64x128xf32, #tpu.memory_space<vmem>> -> memref<64x128xf32, #tpu.memory_space<vmem>>
      %dma_start3A_126 = arith.constant 0 : i32
      %dma_start3A_127 = tpu.memref_slice %arg8[%add3A_22, %dma_start3A_126] : memref<10240x128xf32, #tpu.memory_space<vmem_shared>> -> memref<64x128xf32, #tpu.memory_space<vmem_shared>>
      %dma_start3A_128 = arith.constant 0 : i32
      %dma_start3A_129 = tpu.memref_slice %arg8[%add3A_22, %dma_start3A_128] : memref<10240x128xf32, #tpu.memory_space<vmem_shared>> -> memref<64x128xf32, #tpu.memory_space<vmem_shared>>
      %dma_start3A_130 = arith.constant 0 : i32
      %dma_start3A_131 = arith.constant 0 : i32
      %dma_start3A_132 = tpu.memref_slice %arg7[%run_scoped3A_23, %dma_start3A_130, %dma_start3A_131] : memref<3x64x128xf32, #tpu.memory_space<vmem>> -> memref<1x64x128xf32, #tpu.memory_space<vmem>>
      %dma_start3A_133 = tpu.memref_squeeze %dma_start3A_132 : memref<1x64x128xf32, #tpu.memory_space<vmem>> -> memref<64x128xf32, #tpu.memory_space<vmem>>
      tpu.enqueue_dma source(%dma_start3A_133 : memref<64x128xf32, #tpu.memory_space<vmem>>) target(%dma_start3A_129 : memref<64x128xf32, #tpu.memory_space<vmem_shared>>) target_semaphore(%run_scoped3A_121 : memref<!tpu.dma_semaphore, #tpu.memory_space<semaphore_mem>>)
      %dma_wait3A_134 = arith.constant 0 : i32
      %dma_wait3A_135 = arith.constant 0 : i32
      %dma_wait3A_136 = tpu.memref_slice %arg7[%run_scoped3A_23, %dma_wait3A_134, %dma_wait3A_135] : memref<3x64x128xf32, #tpu.memory_space<vmem>> -> memref<1x64x128xf32, #tpu.memory_space<vmem>>
      %dma_wait3A_137 = tpu.memref_squeeze %dma_wait3A_136 : memref<1x64x128xf32, #tpu.memory_space<vmem>> -> memref<64x128xf32, #tpu.memory_space<vmem>>
      %dma_wait3A_138 = arith.constant 0 : i32
      %dma_wait3A_139 = tpu.memref_slice %arg8[%add3A_22, %dma_wait3A_138] : memref<10240x128xf32, #tpu.memory_space<vmem_shared>> -> memref<64x128xf32, #tpu.memory_space<vmem_shared>>
      %dma_wait3A_140 = arith.constant 0 : i32
      %dma_wait3A_141 = tpu.memref_slice %arg8[%add3A_22, %dma_wait3A_140] : memref<10240x128xf32, #tpu.memory_space<vmem_shared>> -> memref<64x128xf32, #tpu.memory_space<vmem_shared>>
      %dma_wait3A_142 = arith.constant 0 : i32
      %dma_wait3A_143 = arith.constant 0 : i32
      %dma_wait3A_144 = tpu.memref_slice %arg7[%run_scoped3A_23, %dma_wait3A_142, %dma_wait3A_143] : memref<3x64x128xf32, #tpu.memory_space<vmem>> -> memref<1x64x128xf32, #tpu.memory_space<vmem>>
      %dma_wait3A_145 = tpu.memref_squeeze %dma_wait3A_144 : memref<1x64x128xf32, #tpu.memory_space<vmem>> -> memref<64x128xf32, #tpu.memory_space<vmem>>
      tpu.wait_dma2 semaphore(%run_scoped3A_121 : memref<!tpu.dma_semaphore, #tpu.memory_space<semaphore_mem>>) src(%dma_wait3A_145 : memref<64x128xf32, #tpu.memory_space<vmem>>) dst(%dma_wait3A_141 : memref<64x128xf32, #tpu.memory_space<vmem_shared>>)
      tpu.yield
    }) : () -> ()
    %mul3A_24 = arith.constant 640 : i32
    %mul3A_25 = arith.muli %arg1, %mul3A_24 : i32
    %add3A_26 = arith.constant 256 : i32
    %add3A_27 = arith.addi %mul3A_25, %add3A_26 : i32
    %run_scoped3A_28 = arith.constant 0 : i32
    "tpu.region"() ({
      %run_scoped3A_121 = tpu.sem_alloc : memref<!tpu.dma_semaphore, #tpu.memory_space<semaphore_mem>>
      %dma_start3A_122 = arith.constant 0 : i32
      %dma_start3A_123 = arith.constant 0 : i32
      %dma_start3A_124 = tpu.memref_slice %arg7[%run_scoped3A_28, %dma_start3A_122, %dma_start3A_123] : memref<3x64x128xf32, #tpu.memory_space<vmem>> -> memref<1x64x128xf32, #tpu.memory_space<vmem>>
      %dma_start3A_125 = tpu.memref_squeeze %dma_start3A_124 : memref<1x64x128xf32, #tpu.memory_space<vmem>> -> memref<64x128xf32, #tpu.memory_space<vmem>>
      %dma_start3A_126 = arith.constant 0 : i32
      %dma_start3A_127 = tpu.memref_slice %arg8[%add3A_27, %dma_start3A_126] : memref<10240x128xf32, #tpu.memory_space<vmem_shared>> -> memref<64x128xf32, #tpu.memory_space<vmem_shared>>
      %dma_start3A_128 = arith.constant 0 : i32
      %dma_start3A_129 = tpu.memref_slice %arg8[%add3A_27, %dma_start3A_128] : memref<10240x128xf32, #tpu.memory_space<vmem_shared>> -> memref<64x128xf32, #tpu.memory_space<vmem_shared>>
      %dma_start3A_130 = arith.constant 0 : i32
      %dma_start3A_131 = arith.constant 0 : i32
      %dma_start3A_132 = tpu.memref_slice %arg7[%run_scoped3A_28, %dma_start3A_130, %dma_start3A_131] : memref<3x64x128xf32, #tpu.memory_space<vmem>> -> memref<1x64x128xf32, #tpu.memory_space<vmem>>
      %dma_start3A_133 = tpu.memref_squeeze %dma_start3A_132 : memref<1x64x128xf32, #tpu.memory_space<vmem>> -> memref<64x128xf32, #tpu.memory_space<vmem>>
      tpu.enqueue_dma source(%dma_start3A_133 : memref<64x128xf32, #tpu.memory_space<vmem>>) target(%dma_start3A_129 : memref<64x128xf32, #tpu.memory_space<vmem_shared>>) target_semaphore(%run_scoped3A_121 : memref<!tpu.dma_semaphore, #tpu.memory_space<semaphore_mem>>)
      %dma_wait3A_134 = arith.constant 0 : i32
      %dma_wait3A_135 = arith.constant 0 : i32
      %dma_wait3A_136 = tpu.memref_slice %arg7[%run_scoped3A_28, %dma_wait3A_134, %dma_wait3A_135] : memref<3x64x128xf32, #tpu.memory_space<vmem>> -> memref<1x64x128xf32, #tpu.memory_space<vmem>>
      %dma_wait3A_137 = tpu.memref_squeeze %dma_wait3A_136 : memref<1x64x128xf32, #tpu.memory_space<vmem>> -> memref<64x128xf32, #tpu.memory_space<vmem>>
      %dma_wait3A_138 = arith.constant 0 : i32
      %dma_wait3A_139 = tpu.memref_slice %arg8[%add3A_27, %dma_wait3A_138] : memref<10240x128xf32, #tpu.memory_space<vmem_shared>> -> memref<64x128xf32, #tpu.memory_space<vmem_shared>>
      %dma_wait3A_140 = arith.constant 0 : i32
      %dma_wait3A_141 = tpu.memref_slice %arg8[%add3A_27, %dma_wait3A_140] : memref<10240x128xf32, #tpu.memory_space<vmem_shared>> -> memref<64x128xf32, #tpu.memory_space<vmem_shared>>
      %dma_wait3A_142 = arith.constant 0 : i32
      %dma_wait3A_143 = arith.constant 0 : i32
      %dma_wait3A_144 = tpu.memref_slice %arg7[%run_scoped3A_28, %dma_wait3A_142, %dma_wait3A_143] : memref<3x64x128xf32, #tpu.memory_space<vmem>> -> memref<1x64x128xf32, #tpu.memory_space<vmem>>
      %dma_wait3A_145 = tpu.memref_squeeze %dma_wait3A_144 : memref<1x64x128xf32, #tpu.memory_space<vmem>> -> memref<64x128xf32, #tpu.memory_space<vmem>>
      tpu.wait_dma2 semaphore(%run_scoped3A_121 : memref<!tpu.dma_semaphore, #tpu.memory_space<semaphore_mem>>) src(%dma_wait3A_145 : memref<64x128xf32, #tpu.memory_space<vmem>>) dst(%dma_wait3A_141 : memref<64x128xf32, #tpu.memory_space<vmem_shared>>)
      tpu.yield
    }) : () -> ()
    %mul3A_29 = arith.constant 640 : i32
    %mul3A_30 = arith.muli %arg1, %mul3A_29 : i32
    %add3A_31 = arith.constant 320 : i32
    %add3A_32 = arith.addi %mul3A_30, %add3A_31 : i32
    %run_scoped3A_33 = arith.constant 0 : i32
    "tpu.region"() ({
      %run_scoped3A_121 = tpu.sem_alloc : memref<!tpu.dma_semaphore, #tpu.memory_space<semaphore_mem>>
      %dma_start3A_122 = arith.constant 0 : i32
      %dma_start3A_123 = arith.constant 0 : i32
      %dma_start3A_124 = tpu.memref_slice %arg7[%run_scoped3A_33, %dma_start3A_122, %dma_start3A_123] : memref<3x64x128xf32, #tpu.memory_space<vmem>> -> memref<1x64x128xf32, #tpu.memory_space<vmem>>
      %dma_start3A_125 = tpu.memref_squeeze %dma_start3A_124 : memref<1x64x128xf32, #tpu.memory_space<vmem>> -> memref<64x128xf32, #tpu.memory_space<vmem>>
      %dma_start3A_126 = arith.constant 0 : i32
      %dma_start3A_127 = tpu.memref_slice %arg8[%add3A_32, %dma_start3A_126] : memref<10240x128xf32, #tpu.memory_space<vmem_shared>> -> memref<64x128xf32, #tpu.memory_space<vmem_shared>>
      %dma_start3A_128 = arith.constant 0 : i32
      %dma_start3A_129 = tpu.memref_slice %arg8[%add3A_32, %dma_start3A_128] : memref<10240x128xf32, #tpu.memory_space<vmem_shared>> -> memref<64x128xf32, #tpu.memory_space<vmem_shared>>
      %dma_start3A_130 = arith.constant 0 : i32
      %dma_start3A_131 = arith.constant 0 : i32
      %dma_start3A_132 = tpu.memref_slice %arg7[%run_scoped3A_33, %dma_start3A_130, %dma_start3A_131] : memref<3x64x128xf32, #tpu.memory_space<vmem>> -> memref<1x64x128xf32, #tpu.memory_space<vmem>>
      %dma_start3A_133 = tpu.memref_squeeze %dma_start3A_132 : memref<1x64x128xf32, #tpu.memory_space<vmem>> -> memref<64x128xf32, #tpu.memory_space<vmem>>
      tpu.enqueue_dma source(%dma_start3A_133 : memref<64x128xf32, #tpu.memory_space<vmem>>) target(%dma_start3A_129 : memref<64x128xf32, #tpu.memory_space<vmem_shared>>) target_semaphore(%run_scoped3A_121 : memref<!tpu.dma_semaphore, #tpu.memory_space<semaphore_mem>>)
      %dma_wait3A_134 = arith.constant 0 : i32
      %dma_wait3A_135 = arith.constant 0 : i32
      %dma_wait3A_136 = tpu.memref_slice %arg7[%run_scoped3A_33, %dma_wait3A_134, %dma_wait3A_135] : memref<3x64x128xf32, #tpu.memory_space<vmem>> -> memref<1x64x128xf32, #tpu.memory_space<vmem>>
      %dma_wait3A_137 = tpu.memref_squeeze %dma_wait3A_136 : memref<1x64x128xf32, #tpu.memory_space<vmem>> -> memref<64x128xf32, #tpu.memory_space<vmem>>
      %dma_wait3A_138 = arith.constant 0 : i32
      %dma_wait3A_139 = tpu.memref_slice %arg8[%add3A_32, %dma_wait3A_138] : memref<10240x128xf32, #tpu.memory_space<vmem_shared>> -> memref<64x128xf32, #tpu.memory_space<vmem_shared>>
      %dma_wait3A_140 = arith.constant 0 : i32
      %dma_wait3A_141 = tpu.memref_slice %arg8[%add3A_32, %dma_wait3A_140] : memref<10240x128xf32, #tpu.memory_space<vmem_shared>> -> memref<64x128xf32, #tpu.memory_space<vmem_shared>>
      %dma_wait3A_142 = arith.constant 0 : i32
      %dma_wait3A_143 = arith.constant 0 : i32
      %dma_wait3A_144 = tpu.memref_slice %arg7[%run_scoped3A_33, %dma_wait3A_142, %dma_wait3A_143] : memref<3x64x128xf32, #tpu.memory_space<vmem>> -> memref<1x64x128xf32, #tpu.memory_space<vmem>>
      %dma_wait3A_145 = tpu.memref_squeeze %dma_wait3A_144 : memref<1x64x128xf32, #tpu.memory_space<vmem>> -> memref<64x128xf32, #tpu.memory_space<vmem>>
      tpu.wait_dma2 semaphore(%run_scoped3A_121 : memref<!tpu.dma_semaphore, #tpu.memory_space<semaphore_mem>>) src(%dma_wait3A_145 : memref<64x128xf32, #tpu.memory_space<vmem>>) dst(%dma_wait3A_141 : memref<64x128xf32, #tpu.memory_space<vmem_shared>>)
      tpu.yield
    }) : () -> ()
    %mul3A_34 = arith.constant 640 : i32
    %mul3A_35 = arith.muli %arg1, %mul3A_34 : i32
    %add3A_36 = arith.constant 384 : i32
    %add3A_37 = arith.addi %mul3A_35, %add3A_36 : i32
    %run_scoped3A_38 = arith.constant 0 : i32
    "tpu.region"() ({
      %run_scoped3A_121 = tpu.sem_alloc : memref<!tpu.dma_semaphore, #tpu.memory_space<semaphore_mem>>
      %dma_start3A_122 = arith.constant 0 : i32
      %dma_start3A_123 = arith.constant 0 : i32
      %dma_start3A_124 = tpu.memref_slice %arg7[%run_scoped3A_38, %dma_start3A_122, %dma_start3A_123] : memref<3x64x128xf32, #tpu.memory_space<vmem>> -> memref<1x64x128xf32, #tpu.memory_space<vmem>>
      %dma_start3A_125 = tpu.memref_squeeze %dma_start3A_124 : memref<1x64x128xf32, #tpu.memory_space<vmem>> -> memref<64x128xf32, #tpu.memory_space<vmem>>
      %dma_start3A_126 = arith.constant 0 : i32
      %dma_start3A_127 = tpu.memref_slice %arg8[%add3A_37, %dma_start3A_126] : memref<10240x128xf32, #tpu.memory_space<vmem_shared>> -> memref<64x128xf32, #tpu.memory_space<vmem_shared>>
      %dma_start3A_128 = arith.constant 0 : i32
      %dma_start3A_129 = tpu.memref_slice %arg8[%add3A_37, %dma_start3A_128] : memref<10240x128xf32, #tpu.memory_space<vmem_shared>> -> memref<64x128xf32, #tpu.memory_space<vmem_shared>>
      %dma_start3A_130 = arith.constant 0 : i32
      %dma_start3A_131 = arith.constant 0 : i32
      %dma_start3A_132 = tpu.memref_slice %arg7[%run_scoped3A_38, %dma_start3A_130, %dma_start3A_131] : memref<3x64x128xf32, #tpu.memory_space<vmem>> -> memref<1x64x128xf32, #tpu.memory_space<vmem>>
      %dma_start3A_133 = tpu.memref_squeeze %dma_start3A_132 : memref<1x64x128xf32, #tpu.memory_space<vmem>> -> memref<64x128xf32, #tpu.memory_space<vmem>>
      tpu.enqueue_dma source(%dma_start3A_133 : memref<64x128xf32, #tpu.memory_space<vmem>>) target(%dma_start3A_129 : memref<64x128xf32, #tpu.memory_space<vmem_shared>>) target_semaphore(%run_scoped3A_121 : memref<!tpu.dma_semaphore, #tpu.memory_space<semaphore_mem>>)
      %dma_wait3A_134 = arith.constant 0 : i32
      %dma_wait3A_135 = arith.constant 0 : i32
      %dma_wait3A_136 = tpu.memref_slice %arg7[%run_scoped3A_38, %dma_wait3A_134, %dma_wait3A_135] : memref<3x64x128xf32, #tpu.memory_space<vmem>> -> memref<1x64x128xf32, #tpu.memory_space<vmem>>
      %dma_wait3A_137 = tpu.memref_squeeze %dma_wait3A_136 : memref<1x64x128xf32, #tpu.memory_space<vmem>> -> memref<64x128xf32, #tpu.memory_space<vmem>>
      %dma_wait3A_138 = arith.constant 0 : i32
      %dma_wait3A_139 = tpu.memref_slice %arg8[%add3A_37, %dma_wait3A_138] : memref<10240x128xf32, #tpu.memory_space<vmem_shared>> -> memref<64x128xf32, #tpu.memory_space<vmem_shared>>
      %dma_wait3A_140 = arith.constant 0 : i32
      %dma_wait3A_141 = tpu.memref_slice %arg8[%add3A_37, %dma_wait3A_140] : memref<10240x128xf32, #tpu.memory_space<vmem_shared>> -> memref<64x128xf32, #tpu.memory_space<vmem_shared>>
      %dma_wait3A_142 = arith.constant 0 : i32
      %dma_wait3A_143 = arith.constant 0 : i32
      %dma_wait3A_144 = tpu.memref_slice %arg7[%run_scoped3A_38, %dma_wait3A_142, %dma_wait3A_143] : memref<3x64x128xf32, #tpu.memory_space<vmem>> -> memref<1x64x128xf32, #tpu.memory_space<vmem>>
      %dma_wait3A_145 = tpu.memref_squeeze %dma_wait3A_144 : memref<1x64x128xf32, #tpu.memory_space<vmem>> -> memref<64x128xf32, #tpu.memory_space<vmem>>
      tpu.wait_dma2 semaphore(%run_scoped3A_121 : memref<!tpu.dma_semaphore, #tpu.memory_space<semaphore_mem>>) src(%dma_wait3A_145 : memref<64x128xf32, #tpu.memory_space<vmem>>) dst(%dma_wait3A_141 : memref<64x128xf32, #tpu.memory_space<vmem_shared>>)
      tpu.yield
    }) : () -> ()
    %mul3A_39 = arith.constant 640 : i32
    %mul3A_40 = arith.muli %arg1, %mul3A_39 : i32
    %add3A_41 = arith.constant 448 : i32
    %add3A_42 = arith.addi %mul3A_40, %add3A_41 : i32
    %run_scoped3A_43 = arith.constant 0 : i32
    "tpu.region"() ({
      %run_scoped3A_121 = tpu.sem_alloc : memref<!tpu.dma_semaphore, #tpu.memory_space<semaphore_mem>>
      %dma_start3A_122 = arith.constant 0 : i32
      %dma_start3A_123 = arith.constant 0 : i32
      %dma_start3A_124 = tpu.memref_slice %arg7[%run_scoped3A_43, %dma_start3A_122, %dma_start3A_123] : memref<3x64x128xf32, #tpu.memory_space<vmem>> -> memref<1x64x128xf32, #tpu.memory_space<vmem>>
      %dma_start3A_125 = tpu.memref_squeeze %dma_start3A_124 : memref<1x64x128xf32, #tpu.memory_space<vmem>> -> memref<64x128xf32, #tpu.memory_space<vmem>>
      %dma_start3A_126 = arith.constant 0 : i32
      %dma_start3A_127 = tpu.memref_slice %arg8[%add3A_42, %dma_start3A_126] : memref<10240x128xf32, #tpu.memory_space<vmem_shared>> -> memref<64x128xf32, #tpu.memory_space<vmem_shared>>
      %dma_start3A_128 = arith.constant 0 : i32
      %dma_start3A_129 = tpu.memref_slice %arg8[%add3A_42, %dma_start3A_128] : memref<10240x128xf32, #tpu.memory_space<vmem_shared>> -> memref<64x128xf32, #tpu.memory_space<vmem_shared>>
      %dma_start3A_130 = arith.constant 0 : i32
      %dma_start3A_131 = arith.constant 0 : i32
      %dma_start3A_132 = tpu.memref_slice %arg7[%run_scoped3A_43, %dma_start3A_130, %dma_start3A_131] : memref<3x64x128xf32, #tpu.memory_space<vmem>> -> memref<1x64x128xf32, #tpu.memory_space<vmem>>
      %dma_start3A_133 = tpu.memref_squeeze %dma_start3A_132 : memref<1x64x128xf32, #tpu.memory_space<vmem>> -> memref<64x128xf32, #tpu.memory_space<vmem>>
      tpu.enqueue_dma source(%dma_start3A_133 : memref<64x128xf32, #tpu.memory_space<vmem>>) target(%dma_start3A_129 : memref<64x128xf32, #tpu.memory_space<vmem_shared>>) target_semaphore(%run_scoped3A_121 : memref<!tpu.dma_semaphore, #tpu.memory_space<semaphore_mem>>)
      %dma_wait3A_134 = arith.constant 0 : i32
      %dma_wait3A_135 = arith.constant 0 : i32
      %dma_wait3A_136 = tpu.memref_slice %arg7[%run_scoped3A_43, %dma_wait3A_134, %dma_wait3A_135] : memref<3x64x128xf32, #tpu.memory_space<vmem>> -> memref<1x64x128xf32, #tpu.memory_space<vmem>>
      %dma_wait3A_137 = tpu.memref_squeeze %dma_wait3A_136 : memref<1x64x128xf32, #tpu.memory_space<vmem>> -> memref<64x128xf32, #tpu.memory_space<vmem>>
      %dma_wait3A_138 = arith.constant 0 : i32
      %dma_wait3A_139 = tpu.memref_slice %arg8[%add3A_42, %dma_wait3A_138] : memref<10240x128xf32, #tpu.memory_space<vmem_shared>> -> memref<64x128xf32, #tpu.memory_space<vmem_shared>>
      %dma_wait3A_140 = arith.constant 0 : i32
      %dma_wait3A_141 = tpu.memref_slice %arg8[%add3A_42, %dma_wait3A_140] : memref<10240x128xf32, #tpu.memory_space<vmem_shared>> -> memref<64x128xf32, #tpu.memory_space<vmem_shared>>
      %dma_wait3A_142 = arith.constant 0 : i32
      %dma_wait3A_143 = arith.constant 0 : i32
      %dma_wait3A_144 = tpu.memref_slice %arg7[%run_scoped3A_43, %dma_wait3A_142, %dma_wait3A_143] : memref<3x64x128xf32, #tpu.memory_space<vmem>> -> memref<1x64x128xf32, #tpu.memory_space<vmem>>
      %dma_wait3A_145 = tpu.memref_squeeze %dma_wait3A_144 : memref<1x64x128xf32, #tpu.memory_space<vmem>> -> memref<64x128xf32, #tpu.memory_space<vmem>>
      tpu.wait_dma2 semaphore(%run_scoped3A_121 : memref<!tpu.dma_semaphore, #tpu.memory_space<semaphore_mem>>) src(%dma_wait3A_145 : memref<64x128xf32, #tpu.memory_space<vmem>>) dst(%dma_wait3A_141 : memref<64x128xf32, #tpu.memory_space<vmem_shared>>)
      tpu.yield
    }) : () -> ()
    %mul3A_44 = arith.constant 640 : i32
    %mul3A_45 = arith.muli %arg1, %mul3A_44 : i32
    %add3A_46 = arith.constant 512 : i32
    %add3A_47 = arith.addi %mul3A_45, %add3A_46 : i32
    %run_scoped3A_48 = arith.constant 0 : i32
    "tpu.region"() ({
      %run_scoped3A_121 = tpu.sem_alloc : memref<!tpu.dma_semaphore, #tpu.memory_space<semaphore_mem>>
      %dma_start3A_122 = arith.constant 0 : i32
      %dma_start3A_123 = arith.constant 0 : i32
      %dma_start3A_124 = tpu.memref_slice %arg7[%run_scoped3A_48, %dma_start3A_122, %dma_start3A_123] : memref<3x64x128xf32, #tpu.memory_space<vmem>> -> memref<1x64x128xf32, #tpu.memory_space<vmem>>
      %dma_start3A_125 = tpu.memref_squeeze %dma_start3A_124 : memref<1x64x128xf32, #tpu.memory_space<vmem>> -> memref<64x128xf32, #tpu.memory_space<vmem>>
      %dma_start3A_126 = arith.constant 0 : i32
      %dma_start3A_127 = tpu.memref_slice %arg8[%add3A_47, %dma_start3A_126] : memref<10240x128xf32, #tpu.memory_space<vmem_shared>> -> memref<64x128xf32, #tpu.memory_space<vmem_shared>>
      %dma_start3A_128 = arith.constant 0 : i32
      %dma_start3A_129 = tpu.memref_slice %arg8[%add3A_47, %dma_start3A_128] : memref<10240x128xf32, #tpu.memory_space<vmem_shared>> -> memref<64x128xf32, #tpu.memory_space<vmem_shared>>
      %dma_start3A_130 = arith.constant 0 : i32
      %dma_start3A_131 = arith.constant 0 : i32
      %dma_start3A_132 = tpu.memref_slice %arg7[%run_scoped3A_48, %dma_start3A_130, %dma_start3A_131] : memref<3x64x128xf32, #tpu.memory_space<vmem>> -> memref<1x64x128xf32, #tpu.memory_space<vmem>>
      %dma_start3A_133 = tpu.memref_squeeze %dma_start3A_132 : memref<1x64x128xf32, #tpu.memory_space<vmem>> -> memref<64x128xf32, #tpu.memory_space<vmem>>
      tpu.enqueue_dma source(%dma_start3A_133 : memref<64x128xf32, #tpu.memory_space<vmem>>) target(%dma_start3A_129 : memref<64x128xf32, #tpu.memory_space<vmem_shared>>) target_semaphore(%run_scoped3A_121 : memref<!tpu.dma_semaphore, #tpu.memory_space<semaphore_mem>>)
      %dma_wait3A_134 = arith.constant 0 : i32
      %dma_wait3A_135 = arith.constant 0 : i32
      %dma_wait3A_136 = tpu.memref_slice %arg7[%run_scoped3A_48, %dma_wait3A_134, %dma_wait3A_135] : memref<3x64x128xf32, #tpu.memory_space<vmem>> -> memref<1x64x128xf32, #tpu.memory_space<vmem>>
      %dma_wait3A_137 = tpu.memref_squeeze %dma_wait3A_136 : memref<1x64x128xf32, #tpu.memory_space<vmem>> -> memref<64x128xf32, #tpu.memory_space<vmem>>
      %dma_wait3A_138 = arith.constant 0 : i32
      %dma_wait3A_139 = tpu.memref_slice %arg8[%add3A_47, %dma_wait3A_138] : memref<10240x128xf32, #tpu.memory_space<vmem_shared>> -> memref<64x128xf32, #tpu.memory_space<vmem_shared>>
      %dma_wait3A_140 = arith.constant 0 : i32
      %dma_wait3A_141 = tpu.memref_slice %arg8[%add3A_47, %dma_wait3A_140] : memref<10240x128xf32, #tpu.memory_space<vmem_shared>> -> memref<64x128xf32, #tpu.memory_space<vmem_shared>>
      %dma_wait3A_142 = arith.constant 0 : i32
      %dma_wait3A_143 = arith.constant 0 : i32
      %dma_wait3A_144 = tpu.memref_slice %arg7[%run_scoped3A_48, %dma_wait3A_142, %dma_wait3A_143] : memref<3x64x128xf32, #tpu.memory_space<vmem>> -> memref<1x64x128xf32, #tpu.memory_space<vmem>>
      %dma_wait3A_145 = tpu.memref_squeeze %dma_wait3A_144 : memref<1x64x128xf32, #tpu.memory_space<vmem>> -> memref<64x128xf32, #tpu.memory_space<vmem>>
      tpu.wait_dma2 semaphore(%run_scoped3A_121 : memref<!tpu.dma_semaphore, #tpu.memory_space<semaphore_mem>>) src(%dma_wait3A_145 : memref<64x128xf32, #tpu.memory_space<vmem>>) dst(%dma_wait3A_141 : memref<64x128xf32, #tpu.memory_space<vmem_shared>>)
      tpu.yield
    }) : () -> ()
    %mul3A_49 = arith.constant 640 : i32
    %mul3A_50 = arith.muli %arg1, %mul3A_49 : i32
    %add3A_51 = arith.constant 576 : i32
    %add3A_52 = arith.addi %mul3A_50, %add3A_51 : i32
    %run_scoped3A_53 = arith.constant 0 : i32
    "tpu.region"() ({
      %run_scoped3A_121 = tpu.sem_alloc : memref<!tpu.dma_semaphore, #tpu.memory_space<semaphore_mem>>
      %dma_start3A_122 = arith.constant 0 : i32
      %dma_start3A_123 = arith.constant 0 : i32
      %dma_start3A_124 = tpu.memref_slice %arg7[%run_scoped3A_53, %dma_start3A_122, %dma_start3A_123] : memref<3x64x128xf32, #tpu.memory_space<vmem>> -> memref<1x64x128xf32, #tpu.memory_space<vmem>>
      %dma_start3A_125 = tpu.memref_squeeze %dma_start3A_124 : memref<1x64x128xf32, #tpu.memory_space<vmem>> -> memref<64x128xf32, #tpu.memory_space<vmem>>
      %dma_start3A_126 = arith.constant 0 : i32
      %dma_start3A_127 = tpu.memref_slice %arg8[%add3A_52, %dma_start3A_126] : memref<10240x128xf32, #tpu.memory_space<vmem_shared>> -> memref<64x128xf32, #tpu.memory_space<vmem_shared>>
      %dma_start3A_128 = arith.constant 0 : i32
      %dma_start3A_129 = tpu.memref_slice %arg8[%add3A_52, %dma_start3A_128] : memref<10240x128xf32, #tpu.memory_space<vmem_shared>> -> memref<64x128xf32, #tpu.memory_space<vmem_shared>>
      %dma_start3A_130 = arith.constant 0 : i32
      %dma_start3A_131 = arith.constant 0 : i32
      %dma_start3A_132 = tpu.memref_slice %arg7[%run_scoped3A_53, %dma_start3A_130, %dma_start3A_131] : memref<3x64x128xf32, #tpu.memory_space<vmem>> -> memref<1x64x128xf32, #tpu.memory_space<vmem>>
      %dma_start3A_133 = tpu.memref_squeeze %dma_start3A_132 : memref<1x64x128xf32, #tpu.memory_space<vmem>> -> memref<64x128xf32, #tpu.memory_space<vmem>>
      tpu.enqueue_dma source(%dma_start3A_133 : memref<64x128xf32, #tpu.memory_space<vmem>>) target(%dma_start3A_129 : memref<64x128xf32, #tpu.memory_space<vmem_shared>>) target_semaphore(%run_scoped3A_121 : memref<!tpu.dma_semaphore, #tpu.memory_space<semaphore_mem>>)
      %dma_wait3A_134 = arith.constant 0 : i32
      %dma_wait3A_135 = arith.constant 0 : i32
      %dma_wait3A_136 = tpu.memref_slice %arg7[%run_scoped3A_53, %dma_wait3A_134, %dma_wait3A_135] : memref<3x64x128xf32, #tpu.memory_space<vmem>> -> memref<1x64x128xf32, #tpu.memory_space<vmem>>
      %dma_wait3A_137 = tpu.memref_squeeze %dma_wait3A_136 : memref<1x64x128xf32, #tpu.memory_space<vmem>> -> memref<64x128xf32, #tpu.memory_space<vmem>>
      %dma_wait3A_138 = arith.constant 0 : i32
      %dma_wait3A_139 = tpu.memref_slice %arg8[%add3A_52, %dma_wait3A_138] : memref<10240x128xf32, #tpu.memory_space<vmem_shared>> -> memref<64x128xf32, #tpu.memory_space<vmem_shared>>
      %dma_wait3A_140 = arith.constant 0 : i32
      %dma_wait3A_141 = tpu.memref_slice %arg8[%add3A_52, %dma_wait3A_140] : memref<10240x128xf32, #tpu.memory_space<vmem_shared>> -> memref<64x128xf32, #tpu.memory_space<vmem_shared>>
      %dma_wait3A_142 = arith.constant 0 : i32
      %dma_wait3A_143 = arith.constant 0 : i32
      %dma_wait3A_144 = tpu.memref_slice %arg7[%run_scoped3A_53, %dma_wait3A_142, %dma_wait3A_143] : memref<3x64x128xf32, #tpu.memory_space<vmem>> -> memref<1x64x128xf32, #tpu.memory_space<vmem>>
      %dma_wait3A_145 = tpu.memref_squeeze %dma_wait3A_144 : memref<1x64x128xf32, #tpu.memory_space<vmem>> -> memref<64x128xf32, #tpu.memory_space<vmem>>
      tpu.wait_dma2 semaphore(%run_scoped3A_121 : memref<!tpu.dma_semaphore, #tpu.memory_space<semaphore_mem>>) src(%dma_wait3A_145 : memref<64x128xf32, #tpu.memory_space<vmem>>) dst(%dma_wait3A_141 : memref<64x128xf32, #tpu.memory_space<vmem_shared>>)
      tpu.yield
    }) : () -> ()
    %scan3A_54 = arith.constant 0 : i32
    %scan3A_55 = arith.constant 0 : i32
    %scan3A_56 = arith.constant 160 : i32
    %scan3A_57 = arith.addi %scan3A_55, %scan3A_56 : i32
    %scan3A_58 = arith.constant 1 : i32
    %scan3A_59 = scf.for %scan3A_121 = %scan3A_55 to %scan3A_57 step %scan3A_58 iter_args(%scan3A_122 = %scan3A_54) -> (i32)  : i32 {
      %scan3A_123 = arith.constant 0 : i32
      %scan3A_124 = arith.constant 0 : i32
      %scan3A_125 = arith.constant 4 : i32
      %scan3A_126 = arith.addi %scan3A_124, %scan3A_125 : i32
      %scan3A_127 = arith.constant 1 : i32
      %scan3A_128 = scf.for %scan3A_130 = %scan3A_124 to %scan3A_126 step %scan3A_127 iter_args(%scan3A_131 = %scan3A_123) -> (i32)  : i32 {
        %mul3A_132 = arith.constant 16 : i32
        %mul3A_133 = arith.muli %scan3A_130, %mul3A_132 : i32
        %get3A = arith.index_cast %scan3A_121 : i32 to index
        %get3A_134 = arith.index_cast %mul3A_133 : i32 to index
        %get3A_135 = tpu.vector_load %arg5[%get3A, %get3A_134] {strides = array<i32>} : memref<160x64xi32, #tpu.memory_space<vmem>>, vector<1x16xi32>,
        %get3A_136 = vector.shape_cast %get3A_135 : vector<1x16xi32> to vector<16xi32>
        %shift_right_logical3A = arith.constant 14 : i32
        %shift_right_logical3A_137 = vector.broadcast %shift_right_logical3A : i32 to vector<16xi32>
        %shift_right_logical3A_138 = arith.shrui %get3A_136, %shift_right_logical3A_137 : vector<16xi32>
        %mul3A_139 = arith.constant 16 : i32
        %mul3A_140 = arith.muli %scan3A_130, %mul3A_139 : i32
        %swap3A = arith.index_cast %scan3A_121 : i32 to index
        %swap3A_141 = arith.index_cast %mul3A_140 : i32 to index
        %swap3A_142 = tpu.vector_load %arg6[%swap3A, %swap3A_141] {strides = array<i32>} : memref<160x64xi32, #tpu.memory_space<vmem>>, vector<1x16xi32>,
        %swap3A_143 = vector.shape_cast %swap3A_142 : vector<1x16xi32> to vector<16xi32>
        %swap3A_144 = vector.shape_cast %shift_right_logical3A_138 : vector<16xi32> to vector<1x16xi32>
        tpu.vector_store %arg6[%swap3A, %swap3A_141], %swap3A_144 {strides = array<i32>} : memref<160x64xi32, #tpu.memory_space<vmem>>, vector<1x16xi32>,
        %and3A = arith.constant 16383 : i32
        %and3A_145 = vector.broadcast %and3A : i32 to vector<16xi32>
        %and3A_146 = arith.andi %get3A_136, %and3A_145 : vector<16xi32>
        %mul3A_147 = arith.constant 16 : i32
        %mul3A_148 = arith.muli %scan3A_130, %mul3A_147 : i32
        %swap3A_149 = arith.index_cast %scan3A_121 : i32 to index
        %swap3A_150 = arith.index_cast %mul3A_148 : i32 to index
        %swap3A_151 = tpu.vector_load %arg5[%swap3A_149, %swap3A_150] {strides = array<i32>} : memref<160x64xi32, #tpu.memory_space<vmem>>, vector<1x16xi32>,
        %swap3A_152 = vector.shape_cast %swap3A_151 : vector<1x16xi32> to vector<16xi32>
        %swap3A_153 = vector.shape_cast %and3A_146 : vector<16xi32> to vector<1x16xi32>
        tpu.vector_store %arg5[%swap3A_149, %swap3A_150], %swap3A_153 {strides = array<i32>} : memref<160x64xi32, #tpu.memory_space<vmem>>, vector<1x16xi32>,
        %scan3A_154 = arith.constant 0 : i32
        scf.yield %scan3A_154 : i32
      }
      %scan3A_129 = arith.constant 4 : i32
      scf.yield %scan3A_128 : i32
    }
    %scan3A_60 = arith.constant 160 : i32
    %barrier3A = arith.constant 0 : index
    tpu.barrier barrier_id(%barrier3A)
    %dma_start3A = arith.constant 0 : i32
    %dma_start3A_61 = arith.constant 0 : i32
    %dma_start3A_62 = arith.constant 0 : i32
    %dma_start3A_63 = arith.constant 0 : i32
    %dma_start3A_64 = tpu.memref_slice %arg7[%dma_start3A_61, %dma_start3A_62, %dma_start3A_63] : memref<3x64x128xf32, #tpu.memory_space<vmem>> -> memref<1x64x128xf32, #tpu.memory_space<vmem>>
    %dma_start3A_65 = tpu.memref_squeeze %dma_start3A_64 : memref<1x64x128xf32, #tpu.memory_space<vmem>> -> memref<64x128xf32, #tpu.memory_space<vmem>>
    %dma_start3A_66 = arith.constant 0 : i32
    %dma_start3A_67 = tpu.memref_slice %arg5[%dma_start3A, %dma_start3A_66] : memref<160x64xi32, #tpu.memory_space<vmem>> -> memref<1x64xi32, #tpu.memory_space<vmem>>
    %dma_start3A_68 = tpu.memref_squeeze %dma_start3A_67 : memref<1x64xi32, #tpu.memory_space<vmem>> -> memref<64xi32, #tpu.memory_space<vmem>>
    %dma_start3A_69 = arith.constant 0 : i32
    %dma_start3A_70 = arith.constant 0 : i32
    %dma_start3A_71 = tpu.memref_slice %arg2[%dma_start3A_69, %dma_start3A_70] : memref<10240x128xf32, #tpu.memory_space<hbm>> -> memref<10240x128xf32, #tpu.memory_space<hbm>>
    tpu.enqueue_indirect_dma source(%dma_start3A_71 : memref<10240x128xf32, #tpu.memory_space<hbm>>) target(%dma_start3A_65 : memref<64x128xf32, #tpu.memory_space<vmem>>) offsets(%dma_start3A_68 : memref<64xi32, #tpu.memory_space<vmem>>) semaphore(%arg9 : memref<!tpu.dma_semaphore, #tpu.memory_space<semaphore_mem>>)
    %dma_start3A_72 = arith.constant 1 : i32
    %dma_start3A_73 = arith.constant 1 : i32
    %dma_start3A_74 = arith.constant 0 : i32
    %dma_start3A_75 = arith.constant 0 : i32
    %dma_start3A_76 = tpu.memref_slice %arg7[%dma_start3A_73, %dma_start3A_74, %dma_start3A_75] : memref<3x64x128xf32, #tpu.memory_space<vmem>> -> memref<1x64x128xf32, #tpu.memory_space<vmem>>
    %dma_start3A_77 = tpu.memref_squeeze %dma_start3A_76 : memref<1x64x128xf32, #tpu.memory_space<vmem>> -> memref<64x128xf32, #tpu.memory_space<vmem>>
    %dma_start3A_78 = arith.constant 0 : i32
    %dma_start3A_79 = tpu.memref_slice %arg5[%dma_start3A_72, %dma_start3A_78] : memref<160x64xi32, #tpu.memory_space<vmem>> -> memref<1x64xi32, #tpu.memory_space<vmem>>
    %dma_start3A_80 = tpu.memref_squeeze %dma_start3A_79 : memref<1x64xi32, #tpu.memory_space<vmem>> -> memref<64xi32, #tpu.memory_space<vmem>>
    %dma_start3A_81 = arith.constant 0 : i32
    %dma_start3A_82 = arith.constant 0 : i32
    %dma_start3A_83 = tpu.memref_slice %arg2[%dma_start3A_81, %dma_start3A_82] : memref<10240x128xf32, #tpu.memory_space<hbm>> -> memref<10240x128xf32, #tpu.memory_space<hbm>>
    tpu.enqueue_indirect_dma source(%dma_start3A_83 : memref<10240x128xf32, #tpu.memory_space<hbm>>) target(%dma_start3A_77 : memref<64x128xf32, #tpu.memory_space<vmem>>) offsets(%dma_start3A_80 : memref<64xi32, #tpu.memory_space<vmem>>) semaphore(%arg10 : memref<!tpu.dma_semaphore, #tpu.memory_space<semaphore_mem>>)
    %dma_start3A_84 = arith.constant 2 : i32
    %dma_start3A_85 = arith.constant 2 : i32
    %dma_start3A_86 = arith.constant 0 : i32
    %dma_start3A_87 = arith.constant 0 : i32
    %dma_start3A_88 = tpu.memref_slice %arg7[%dma_start3A_85, %dma_start3A_86, %dma_start3A_87] : memref<3x64x128xf32, #tpu.memory_space<vmem>> -> memref<1x64x128xf32, #tpu.memory_space<vmem>>
    %dma_start3A_89 = tpu.memref_squeeze %dma_start3A_88 : memref<1x64x128xf32, #tpu.memory_space<vmem>> -> memref<64x128xf32, #tpu.memory_space<vmem>>
    %dma_start3A_90 = arith.constant 0 : i32
    %dma_start3A_91 = tpu.memref_slice %arg5[%dma_start3A_84, %dma_start3A_90] : memref<160x64xi32, #tpu.memory_space<vmem>> -> memref<1x64xi32, #tpu.memory_space<vmem>>
    %dma_start3A_92 = tpu.memref_squeeze %dma_start3A_91 : memref<1x64xi32, #tpu.memory_space<vmem>> -> memref<64xi32, #tpu.memory_space<vmem>>
    %dma_start3A_93 = arith.constant 0 : i32
    %dma_start3A_94 = arith.constant 0 : i32
    %dma_start3A_95 = tpu.memref_slice %arg2[%dma_start3A_93, %dma_start3A_94] : memref<10240x128xf32, #tpu.memory_space<hbm>> -> memref<10240x128xf32, #tpu.memory_space<hbm>>
    tpu.enqueue_indirect_dma source(%dma_start3A_95 : memref<10240x128xf32, #tpu.memory_space<hbm>>) target(%dma_start3A_89 : memref<64x128xf32, #tpu.memory_space<vmem>>) offsets(%dma_start3A_92 : memref<64xi32, #tpu.memory_space<vmem>>) semaphore(%arg11 : memref<!tpu.dma_semaphore, #tpu.memory_space<semaphore_mem>>)
    %scan3A_96 = arith.constant 0 : i32
    %scan3A_97 = arith.constant 0 : i32
    %scan3A_98 = arith.constant 53 : i32
    %scan3A_99 = arith.addi %scan3A_97, %scan3A_98 : i32
    %scan3A_100 = arith.constant 1 : i32
    %scan3A_101 = scf.for %scan3A_121 = %scan3A_97 to %scan3A_99 step %scan3A_100 iter_args(%scan3A_122 = %scan3A_96) -> (i32)  : i32 {
      %mul3A_123 = arith.constant 3 : i32
      %mul3A_124 = arith.muli %mul3A_123, %scan3A_121 : i32
      %add3A_125 = arith.constant 0 : i32
      %add3A_126 = arith.addi %mul3A_124, %add3A_125 : i32
      %dma_wait3A_127 = arith.constant 0 : i32
      %dma_wait3A_128 = arith.constant 0 : i32
      %dma_wait3A_129 = arith.constant 0 : i32
      %dma_wait3A_130 = tpu.memref_slice %arg7[%dma_wait3A_127, %dma_wait3A_128, %dma_wait3A_129] : memref<3x64x128xf32, #tpu.memory_space<vmem>> -> memref<1x64x128xf32, #tpu.memory_space<vmem>>
      %dma_wait3A_131 = tpu.memref_squeeze %dma_wait3A_130 : memref<1x64x128xf32, #tpu.memory_space<vmem>> -> memref<64x128xf32, #tpu.memory_space<vmem>>
      %dma_wait3A_132 = arith.constant 0 : i32
      %dma_wait3A_133 = tpu.memref_slice %arg5[%add3A_126, %dma_wait3A_132] : memref<160x64xi32, #tpu.memory_space<vmem>> -> memref<1x64xi32, #tpu.memory_space<vmem>>
      %dma_wait3A_134 = tpu.memref_squeeze %dma_wait3A_133 : memref<1x64xi32, #tpu.memory_space<vmem>> -> memref<64xi32, #tpu.memory_space<vmem>>
      %dma_wait3A_135 = arith.constant 0 : i32
      %dma_wait3A_136 = arith.constant 0 : i32
      %dma_wait3A_137 = tpu.memref_slice %arg2[%dma_wait3A_135, %dma_wait3A_136] : memref<10240x128xf32, #tpu.memory_space<hbm>> -> memref<10240x128xf32, #tpu.memory_space<hbm>>
      tpu.wait_indirect_dma semaphore(%arg9 : memref<!tpu.dma_semaphore, #tpu.memory_space<semaphore_mem>>) src(%dma_wait3A_137 : memref<10240x128xf32, #tpu.memory_space<hbm>>) dst(%dma_wait3A_131 : memref<64x128xf32, #tpu.memory_space<vmem>>)
      %run_scoped3A_138 = arith.constant 0 : i32
      "tpu.region"() ({
        %run_scoped3A_190 = tpu.sem_alloc : memref<!tpu.dma_semaphore, #tpu.memory_space<semaphore_mem>>
        %dma_start3A_191 = arith.constant 0 : i32
        %dma_start3A_192 = arith.constant 0 : i32
        %dma_start3A_193 = tpu.memref_slice %arg7[%run_scoped3A_138, %dma_start3A_191, %dma_start3A_192] : memref<3x64x128xf32, #tpu.memory_space<vmem>> -> memref<1x64x128xf32, #tpu.memory_space<vmem>>
        %dma_start3A_194 = tpu.memref_squeeze %dma_start3A_193 : memref<1x64x128xf32, #tpu.memory_space<vmem>> -> memref<64x128xf32, #tpu.memory_space<vmem>>
        %dma_start3A_195 = arith.constant 0 : i32
        %dma_start3A_196 = tpu.memref_slice %arg6[%add3A_126, %dma_start3A_195] : memref<160x64xi32, #tpu.memory_space<vmem>> -> memref<1x64xi32, #tpu.memory_space<vmem>>
        %dma_start3A_197 = tpu.memref_squeeze %dma_start3A_196 : memref<1x64xi32, #tpu.memory_space<vmem>> -> memref<64xi32, #tpu.memory_space<vmem>>
        %dma_start3A_198 = arith.constant 0 : i32
        %dma_start3A_199 = arith.constant 0 : i32
        %dma_start3A_200 = tpu.memref_slice %arg8[%dma_start3A_198, %dma_start3A_199] : memref<10240x128xf32, #tpu.memory_space<vmem_shared>> -> memref<10240x128xf32, #tpu.memory_space<vmem_shared>>
        tpu.enqueue_indirect_dma source(%dma_start3A_194 : memref<64x128xf32, #tpu.memory_space<vmem>>) target(%dma_start3A_200 : memref<10240x128xf32, #tpu.memory_space<vmem_shared>>) offsets(%dma_start3A_197 : memref<64xi32, #tpu.memory_space<vmem>>) semaphore(%run_scoped3A_190 : memref<!tpu.dma_semaphore, #tpu.memory_space<semaphore_mem>>) {add = true}
        %dma_wait3A_201 = arith.constant 0 : i32
        %dma_wait3A_202 = arith.constant 0 : i32
        %dma_wait3A_203 = tpu.memref_slice %arg7[%run_scoped3A_138, %dma_wait3A_201, %dma_wait3A_202] : memref<3x64x128xf32, #tpu.memory_space<vmem>> -> memref<1x64x128xf32, #tpu.memory_space<vmem>>
        %dma_wait3A_204 = tpu.memref_squeeze %dma_wait3A_203 : memref<1x64x128xf32, #tpu.memory_space<vmem>> -> memref<64x128xf32, #tpu.memory_space<vmem>>
        %dma_wait3A_205 = arith.constant 0 : i32
        %dma_wait3A_206 = tpu.memref_slice %arg6[%add3A_126, %dma_wait3A_205] : memref<160x64xi32, #tpu.memory_space<vmem>> -> memref<1x64xi32, #tpu.memory_space<vmem>>
        %dma_wait3A_207 = tpu.memref_squeeze %dma_wait3A_206 : memref<1x64xi32, #tpu.memory_space<vmem>> -> memref<64xi32, #tpu.memory_space<vmem>>
        %dma_wait3A_208 = arith.constant 0 : i32
        %dma_wait3A_209 = arith.constant 0 : i32
        %dma_wait3A_210 = tpu.memref_slice %arg8[%dma_wait3A_208, %dma_wait3A_209] : memref<10240x128xf32, #tpu.memory_space<vmem_shared>> -> memref<10240x128xf32, #tpu.memory_space<vmem_shared>>
        tpu.wait_indirect_dma semaphore(%run_scoped3A_190 : memref<!tpu.dma_semaphore, #tpu.memory_space<semaphore_mem>>) src(%dma_wait3A_204 : memref<64x128xf32, #tpu.memory_space<vmem>>) dst(%dma_wait3A_210 : memref<10240x128xf32, #tpu.memory_space<vmem_shared>>)
        tpu.yield
      }) : () -> ()
      %add3A_139 = arith.constant 3 : i32
      %add3A_140 = arith.addi %add3A_126, %add3A_139 : i32
      %lt3A = arith.constant 160 : i32
      %lt3A_141 = arith.cmpi slt, %add3A_140, %lt3A : i32
      %convert_element_type3A = arith.extui %lt3A_141 : i1 to i32
      %cond3A = arith.constant 0 : i32
      %cond3A_142 = arith.cmpi ne, %convert_element_type3A, %cond3A : i32
      scf.if %cond3A_142 {
        %add3A_190 = arith.constant 3 : i32
        %add3A_191 = arith.addi %add3A_126, %add3A_190 : i32
        %dma_start3A_192 = arith.constant 0 : i32
        %dma_start3A_193 = arith.constant 0 : i32
        %dma_start3A_194 = arith.constant 0 : i32
        %dma_start3A_195 = tpu.memref_slice %arg7[%dma_start3A_192, %dma_start3A_193, %dma_start3A_194] : memref<3x64x128xf32, #tpu.memory_space<vmem>> -> memref<1x64x128xf32, #tpu.memory_space<vmem>>
        %dma_start3A_196 = tpu.memref_squeeze %dma_start3A_195 : memref<1x64x128xf32, #tpu.memory_space<vmem>> -> memref<64x128xf32, #tpu.memory_space<vmem>>
        %dma_start3A_197 = arith.constant 0 : i32
        %dma_start3A_198 = tpu.memref_slice %arg5[%add3A_191, %dma_start3A_197] : memref<160x64xi32, #tpu.memory_space<vmem>> -> memref<1x64xi32, #tpu.memory_space<vmem>>
        %dma_start3A_199 = tpu.memref_squeeze %dma_start3A_198 : memref<1x64xi32, #tpu.memory_space<vmem>> -> memref<64xi32, #tpu.memory_space<vmem>>
        %dma_start3A_200 = arith.constant 0 : i32
        %dma_start3A_201 = arith.constant 0 : i32
        %dma_start3A_202 = tpu.memref_slice %arg2[%dma_start3A_200, %dma_start3A_201] : memref<10240x128xf32, #tpu.memory_space<hbm>> -> memref<10240x128xf32, #tpu.memory_space<hbm>>
        tpu.enqueue_indirect_dma source(%dma_start3A_202 : memref<10240x128xf32, #tpu.memory_space<hbm>>) target(%dma_start3A_196 : memref<64x128xf32, #tpu.memory_space<vmem>>) offsets(%dma_start3A_199 : memref<64xi32, #tpu.memory_space<vmem>>) semaphore(%arg9 : memref<!tpu.dma_semaphore, #tpu.memory_space<semaphore_mem>>)
      } else {
      }
      %mul3A_143 = arith.constant 3 : i32
      %mul3A_144 = arith.muli %mul3A_143, %scan3A_121 : i32
      %add3A_145 = arith.constant 1 : i32
      %add3A_146 = arith.addi %mul3A_144, %add3A_145 : i32
      %dma_wait3A_147 = arith.constant 1 : i32
      %dma_wait3A_148 = arith.constant 0 : i32
      %dma_wait3A_149 = arith.constant 0 : i32
      %dma_wait3A_150 = tpu.memref_slice %arg7[%dma_wait3A_147, %dma_wait3A_148, %dma_wait3A_149] : memref<3x64x128xf32, #tpu.memory_space<vmem>> -> memref<1x64x128xf32, #tpu.memory_space<vmem>>
      %dma_wait3A_151 = tpu.memref_squeeze %dma_wait3A_150 : memref<1x64x128xf32, #tpu.memory_space<vmem>> -> memref<64x128xf32, #tpu.memory_space<vmem>>
      %dma_wait3A_152 = arith.constant 0 : i32
      %dma_wait3A_153 = tpu.memref_slice %arg5[%add3A_146, %dma_wait3A_152] : memref<160x64xi32, #tpu.memory_space<vmem>> -> memref<1x64xi32, #tpu.memory_space<vmem>>
      %dma_wait3A_154 = tpu.memref_squeeze %dma_wait3A_153 : memref<1x64xi32, #tpu.memory_space<vmem>> -> memref<64xi32, #tpu.memory_space<vmem>>
      %dma_wait3A_155 = arith.constant 0 : i32
      %dma_wait3A_156 = arith.constant 0 : i32
      %dma_wait3A_157 = tpu.memref_slice %arg2[%dma_wait3A_155, %dma_wait3A_156] : memref<10240x128xf32, #tpu.memory_space<hbm>> -> memref<10240x128xf32, #tpu.memory_space<hbm>>
      tpu.wait_indirect_dma semaphore(%arg10 : memref<!tpu.dma_semaphore, #tpu.memory_space<semaphore_mem>>) src(%dma_wait3A_157 : memref<10240x128xf32, #tpu.memory_space<hbm>>) dst(%dma_wait3A_151 : memref<64x128xf32, #tpu.memory_space<vmem>>)
      %run_scoped3A_158 = arith.constant 1 : i32
      "tpu.region"() ({
        %run_scoped3A_190 = tpu.sem_alloc : memref<!tpu.dma_semaphore, #tpu.memory_space<semaphore_mem>>
        %dma_start3A_191 = arith.constant 0 : i32
        %dma_start3A_192 = arith.constant 0 : i32
        %dma_start3A_193 = tpu.memref_slice %arg7[%run_scoped3A_158, %dma_start3A_191, %dma_start3A_192] : memref<3x64x128xf32, #tpu.memory_space<vmem>> -> memref<1x64x128xf32, #tpu.memory_space<vmem>>
        %dma_start3A_194 = tpu.memref_squeeze %dma_start3A_193 : memref<1x64x128xf32, #tpu.memory_space<vmem>> -> memref<64x128xf32, #tpu.memory_space<vmem>>
        %dma_start3A_195 = arith.constant 0 : i32
        %dma_start3A_196 = tpu.memref_slice %arg6[%add3A_146, %dma_start3A_195] : memref<160x64xi32, #tpu.memory_space<vmem>> -> memref<1x64xi32, #tpu.memory_space<vmem>>
        %dma_start3A_197 = tpu.memref_squeeze %dma_start3A_196 : memref<1x64xi32, #tpu.memory_space<vmem>> -> memref<64xi32, #tpu.memory_space<vmem>>
        %dma_start3A_198 = arith.constant 0 : i32
        %dma_start3A_199 = arith.constant 0 : i32
        %dma_start3A_200 = tpu.memref_slice %arg8[%dma_start3A_198, %dma_start3A_199] : memref<10240x128xf32, #tpu.memory_space<vmem_shared>> -> memref<10240x128xf32, #tpu.memory_space<vmem_shared>>
        tpu.enqueue_indirect_dma source(%dma_start3A_194 : memref<64x128xf32, #tpu.memory_space<vmem>>) target(%dma_start3A_200 : memref<10240x128xf32, #tpu.memory_space<vmem_shared>>) offsets(%dma_start3A_197 : memref<64xi32, #tpu.memory_space<vmem>>) semaphore(%run_scoped3A_190 : memref<!tpu.dma_semaphore, #tpu.memory_space<semaphore_mem>>) {add = true}
        %dma_wait3A_201 = arith.constant 0 : i32
        %dma_wait3A_202 = arith.constant 0 : i32
        %dma_wait3A_203 = tpu.memref_slice %arg7[%run_scoped3A_158, %dma_wait3A_201, %dma_wait3A_202] : memref<3x64x128xf32, #tpu.memory_space<vmem>> -> memref<1x64x128xf32, #tpu.memory_space<vmem>>
        %dma_wait3A_204 = tpu.memref_squeeze %dma_wait3A_203 : memref<1x64x128xf32, #tpu.memory_space<vmem>> -> memref<64x128xf32, #tpu.memory_space<vmem>>
        %dma_wait3A_205 = arith.constant 0 : i32
        %dma_wait3A_206 = tpu.memref_slice %arg6[%add3A_146, %dma_wait3A_205] : memref<160x64xi32, #tpu.memory_space<vmem>> -> memref<1x64xi32, #tpu.memory_space<vmem>>
        %dma_wait3A_207 = tpu.memref_squeeze %dma_wait3A_206 : memref<1x64xi32, #tpu.memory_space<vmem>> -> memref<64xi32, #tpu.memory_space<vmem>>
        %dma_wait3A_208 = arith.constant 0 : i32
        %dma_wait3A_209 = arith.constant 0 : i32
        %dma_wait3A_210 = tpu.memref_slice %arg8[%dma_wait3A_208, %dma_wait3A_209] : memref<10240x128xf32, #tpu.memory_space<vmem_shared>> -> memref<10240x128xf32, #tpu.memory_space<vmem_shared>>
        tpu.wait_indirect_dma semaphore(%run_scoped3A_190 : memref<!tpu.dma_semaphore, #tpu.memory_space<semaphore_mem>>) src(%dma_wait3A_204 : memref<64x128xf32, #tpu.memory_space<vmem>>) dst(%dma_wait3A_210 : memref<10240x128xf32, #tpu.memory_space<vmem_shared>>)
        tpu.yield
      }) : () -> ()
      %add3A_159 = arith.constant 3 : i32
      %add3A_160 = arith.addi %add3A_146, %add3A_159 : i32
      %lt3A_161 = arith.constant 160 : i32
      %lt3A_162 = arith.cmpi slt, %add3A_160, %lt3A_161 : i32
      %convert_element_type3A_163 = arith.extui %lt3A_162 : i1 to i32
      %cond3A_164 = arith.constant 0 : i32
      %cond3A_165 = arith.cmpi ne, %convert_element_type3A_163, %cond3A_164 : i32
      scf.if %cond3A_165 {
        %add3A_190 = arith.constant 3 : i32
        %add3A_191 = arith.addi %add3A_146, %add3A_190 : i32
        %dma_start3A_192 = arith.constant 1 : i32
        %dma_start3A_193 = arith.constant 0 : i32
        %dma_start3A_194 = arith.constant 0 : i32
        %dma_start3A_195 = tpu.memref_slice %arg7[%dma_start3A_192, %dma_start3A_193, %dma_start3A_194] : memref<3x64x128xf32, #tpu.memory_space<vmem>> -> memref<1x64x128xf32, #tpu.memory_space<vmem>>
        %dma_start3A_196 = tpu.memref_squeeze %dma_start3A_195 : memref<1x64x128xf32, #tpu.memory_space<vmem>> -> memref<64x128xf32, #tpu.memory_space<vmem>>
        %dma_start3A_197 = arith.constant 0 : i32
        %dma_start3A_198 = tpu.memref_slice %arg5[%add3A_191, %dma_start3A_197] : memref<160x64xi32, #tpu.memory_space<vmem>> -> memref<1x64xi32, #tpu.memory_space<vmem>>
        %dma_start3A_199 = tpu.memref_squeeze %dma_start3A_198 : memref<1x64xi32, #tpu.memory_space<vmem>> -> memref<64xi32, #tpu.memory_space<vmem>>
        %dma_start3A_200 = arith.constant 0 : i32
        %dma_start3A_201 = arith.constant 0 : i32
        %dma_start3A_202 = tpu.memref_slice %arg2[%dma_start3A_200, %dma_start3A_201] : memref<10240x128xf32, #tpu.memory_space<hbm>> -> memref<10240x128xf32, #tpu.memory_space<hbm>>
        tpu.enqueue_indirect_dma source(%dma_start3A_202 : memref<10240x128xf32, #tpu.memory_space<hbm>>) target(%dma_start3A_196 : memref<64x128xf32, #tpu.memory_space<vmem>>) offsets(%dma_start3A_199 : memref<64xi32, #tpu.memory_space<vmem>>) semaphore(%arg10 : memref<!tpu.dma_semaphore, #tpu.memory_space<semaphore_mem>>)
      } else {
      }
      %mul3A_166 = arith.constant 3 : i32
      %mul3A_167 = arith.muli %mul3A_166, %scan3A_121 : i32
      %add3A_168 = arith.constant 2 : i32
      %add3A_169 = arith.addi %mul3A_167, %add3A_168 : i32
      %dma_wait3A_170 = arith.constant 2 : i32
      %dma_wait3A_171 = arith.constant 0 : i32
      %dma_wait3A_172 = arith.constant 0 : i32
      %dma_wait3A_173 = tpu.memref_slice %arg7[%dma_wait3A_170, %dma_wait3A_171, %dma_wait3A_172] : memref<3x64x128xf32, #tpu.memory_space<vmem>> -> memref<1x64x128xf32, #tpu.memory_space<vmem>>
      %dma_wait3A_174 = tpu.memref_squeeze %dma_wait3A_173 : memref<1x64x128xf32, #tpu.memory_space<vmem>> -> memref<64x128xf32, #tpu.memory_space<vmem>>
      %dma_wait3A_175 = arith.constant 0 : i32
      %dma_wait3A_176 = tpu.memref_slice %arg5[%add3A_169, %dma_wait3A_175] : memref<160x64xi32, #tpu.memory_space<vmem>> -> memref<1x64xi32, #tpu.memory_space<vmem>>
      %dma_wait3A_177 = tpu.memref_squeeze %dma_wait3A_176 : memref<1x64xi32, #tpu.memory_space<vmem>> -> memref<64xi32, #tpu.memory_space<vmem>>
      %dma_wait3A_178 = arith.constant 0 : i32
      %dma_wait3A_179 = arith.constant 0 : i32
      %dma_wait3A_180 = tpu.memref_slice %arg2[%dma_wait3A_178, %dma_wait3A_179] : memref<10240x128xf32, #tpu.memory_space<hbm>> -> memref<10240x128xf32, #tpu.memory_space<hbm>>
      tpu.wait_indirect_dma semaphore(%arg11 : memref<!tpu.dma_semaphore, #tpu.memory_space<semaphore_mem>>) src(%dma_wait3A_180 : memref<10240x128xf32, #tpu.memory_space<hbm>>) dst(%dma_wait3A_174 : memref<64x128xf32, #tpu.memory_space<vmem>>)
      %run_scoped3A_181 = arith.constant 2 : i32
      "tpu.region"() ({
        %run_scoped3A_190 = tpu.sem_alloc : memref<!tpu.dma_semaphore, #tpu.memory_space<semaphore_mem>>
        %dma_start3A_191 = arith.constant 0 : i32
        %dma_start3A_192 = arith.constant 0 : i32
        %dma_start3A_193 = tpu.memref_slice %arg7[%run_scoped3A_181, %dma_start3A_191, %dma_start3A_192] : memref<3x64x128xf32, #tpu.memory_space<vmem>> -> memref<1x64x128xf32, #tpu.memory_space<vmem>>
        %dma_start3A_194 = tpu.memref_squeeze %dma_start3A_193 : memref<1x64x128xf32, #tpu.memory_space<vmem>> -> memref<64x128xf32, #tpu.memory_space<vmem>>
        %dma_start3A_195 = arith.constant 0 : i32
        %dma_start3A_196 = tpu.memref_slice %arg6[%add3A_169, %dma_start3A_195] : memref<160x64xi32, #tpu.memory_space<vmem>> -> memref<1x64xi32, #tpu.memory_space<vmem>>
        %dma_start3A_197 = tpu.memref_squeeze %dma_start3A_196 : memref<1x64xi32, #tpu.memory_space<vmem>> -> memref<64xi32, #tpu.memory_space<vmem>>
        %dma_start3A_198 = arith.constant 0 : i32
        %dma_start3A_199 = arith.constant 0 : i32
        %dma_start3A_200 = tpu.memref_slice %arg8[%dma_start3A_198, %dma_start3A_199] : memref<10240x128xf32, #tpu.memory_space<vmem_shared>> -> memref<10240x128xf32, #tpu.memory_space<vmem_shared>>
        tpu.enqueue_indirect_dma source(%dma_start3A_194 : memref<64x128xf32, #tpu.memory_space<vmem>>) target(%dma_start3A_200 : memref<10240x128xf32, #tpu.memory_space<vmem_shared>>) offsets(%dma_start3A_197 : memref<64xi32, #tpu.memory_space<vmem>>) semaphore(%run_scoped3A_190 : memref<!tpu.dma_semaphore, #tpu.memory_space<semaphore_mem>>) {add = true}
        %dma_wait3A_201 = arith.constant 0 : i32
        %dma_wait3A_202 = arith.constant 0 : i32
        %dma_wait3A_203 = tpu.memref_slice %arg7[%run_scoped3A_181, %dma_wait3A_201, %dma_wait3A_202] : memref<3x64x128xf32, #tpu.memory_space<vmem>> -> memref<1x64x128xf32, #tpu.memory_space<vmem>>
        %dma_wait3A_204 = tpu.memref_squeeze %dma_wait3A_203 : memref<1x64x128xf32, #tpu.memory_space<vmem>> -> memref<64x128xf32, #tpu.memory_space<vmem>>
        %dma_wait3A_205 = arith.constant 0 : i32
        %dma_wait3A_206 = tpu.memref_slice %arg6[%add3A_169, %dma_wait3A_205] : memref<160x64xi32, #tpu.memory_space<vmem>> -> memref<1x64xi32, #tpu.memory_space<vmem>>
        %dma_wait3A_207 = tpu.memref_squeeze %dma_wait3A_206 : memref<1x64xi32, #tpu.memory_space<vmem>> -> memref<64xi32, #tpu.memory_space<vmem>>
        %dma_wait3A_208 = arith.constant 0 : i32
        %dma_wait3A_209 = arith.constant 0 : i32
        %dma_wait3A_210 = tpu.memref_slice %arg8[%dma_wait3A_208, %dma_wait3A_209] : memref<10240x128xf32, #tpu.memory_space<vmem_shared>> -> memref<10240x128xf32, #tpu.memory_space<vmem_shared>>
        tpu.wait_indirect_dma semaphore(%run_scoped3A_190 : memref<!tpu.dma_semaphore, #tpu.memory_space<semaphore_mem>>) src(%dma_wait3A_204 : memref<64x128xf32, #tpu.memory_space<vmem>>) dst(%dma_wait3A_210 : memref<10240x128xf32, #tpu.memory_space<vmem_shared>>)
        tpu.yield
      }) : () -> ()
      %add3A_182 = arith.constant 3 : i32
      %add3A_183 = arith.addi %add3A_169, %add3A_182 : i32
      %lt3A_184 = arith.constant 160 : i32
      %lt3A_185 = arith.cmpi slt, %add3A_183, %lt3A_184 : i32
      %convert_element_type3A_186 = arith.extui %lt3A_185 : i1 to i32
      %cond3A_187 = arith.constant 0 : i32
      %cond3A_188 = arith.cmpi ne, %convert_element_type3A_186, %cond3A_187 : i32
      scf.if %cond3A_188 {
        %add3A_190 = arith.constant 3 : i32
        %add3A_191 = arith.addi %add3A_169, %add3A_190 : i32
        %dma_start3A_192 = arith.constant 2 : i32
        %dma_start3A_193 = arith.constant 0 : i32
        %dma_start3A_194 = arith.constant 0 : i32
        %dma_start3A_195 = tpu.memref_slice %arg7[%dma_start3A_192, %dma_start3A_193, %dma_start3A_194] : memref<3x64x128xf32, #tpu.memory_space<vmem>> -> memref<1x64x128xf32, #tpu.memory_space<vmem>>
        %dma_start3A_196 = tpu.memref_squeeze %dma_start3A_195 : memref<1x64x128xf32, #tpu.memory_space<vmem>> -> memref<64x128xf32, #tpu.memory_space<vmem>>
        %dma_start3A_197 = arith.constant 0 : i32
        %dma_start3A_198 = tpu.memref_slice %arg5[%add3A_191, %dma_start3A_197] : memref<160x64xi32, #tpu.memory_space<vmem>> -> memref<1x64xi32, #tpu.memory_space<vmem>>
        %dma_start3A_199 = tpu.memref_squeeze %dma_start3A_198 : memref<1x64xi32, #tpu.memory_space<vmem>> -> memref<64xi32, #tpu.memory_space<vmem>>
        %dma_start3A_200 = arith.constant 0 : i32
        %dma_start3A_201 = arith.constant 0 : i32
        %dma_start3A_202 = tpu.memref_slice %arg2[%dma_start3A_200, %dma_start3A_201] : memref<10240x128xf32, #tpu.memory_space<hbm>> -> memref<10240x128xf32, #tpu.memory_space<hbm>>
        tpu.enqueue_indirect_dma source(%dma_start3A_202 : memref<10240x128xf32, #tpu.memory_space<hbm>>) target(%dma_start3A_196 : memref<64x128xf32, #tpu.memory_space<vmem>>) offsets(%dma_start3A_199 : memref<64xi32, #tpu.memory_space<vmem>>) semaphore(%arg11 : memref<!tpu.dma_semaphore, #tpu.memory_space<semaphore_mem>>)
      } else {
      }
      %scan3A_189 = arith.constant 0 : i32
      scf.yield %scan3A_189 : i32
    }
    %scan3A_102 = arith.constant 53 : i32
    %dma_wait3A = arith.constant 159 : i32
    %dma_wait3A_103 = arith.constant 0 : i32
    %dma_wait3A_104 = arith.constant 0 : i32
    %dma_wait3A_105 = arith.constant 0 : i32
    %dma_wait3A_106 = tpu.memref_slice %arg7[%dma_wait3A_103, %dma_wait3A_104, %dma_wait3A_105] : memref<3x64x128xf32, #tpu.memory_space<vmem>> -> memref<1x64x128xf32, #tpu.memory_space<vmem>>
    %dma_wait3A_107 = tpu.memref_squeeze %dma_wait3A_106 : memref<1x64x128xf32, #tpu.memory_space<vmem>> -> memref<64x128xf32, #tpu.memory_space<vmem>>
    %dma_wait3A_108 = arith.constant 0 : i32
    %dma_wait3A_109 = tpu.memref_slice %arg5[%dma_wait3A, %dma_wait3A_108] : memref<160x64xi32, #tpu.memory_space<vmem>> -> memref<1x64xi32, #tpu.memory_space<vmem>>
    %dma_wait3A_110 = tpu.memref_squeeze %dma_wait3A_109 : memref<1x64xi32, #tpu.memory_space<vmem>> -> memref<64xi32, #tpu.memory_space<vmem>>
    %dma_wait3A_111 = arith.constant 0 : i32
    %dma_wait3A_112 = arith.constant 0 : i32
    %dma_wait3A_113 = tpu.memref_slice %arg2[%dma_wait3A_111, %dma_wait3A_112] : memref<10240x128xf32, #tpu.memory_space<hbm>> -> memref<10240x128xf32, #tpu.memory_space<hbm>>
    tpu.wait_indirect_dma semaphore(%arg9 : memref<!tpu.dma_semaphore, #tpu.memory_space<semaphore_mem>>) src(%dma_wait3A_113 : memref<10240x128xf32, #tpu.memory_space<hbm>>) dst(%dma_wait3A_107 : memref<64x128xf32, #tpu.memory_space<vmem>>)
    %run_scoped3A_114 = arith.constant 0 : i32
    %run_scoped3A_115 = arith.constant 159 : i32
    "tpu.region"() ({
      %run_scoped3A_121 = tpu.sem_alloc : memref<!tpu.dma_semaphore, #tpu.memory_space<semaphore_mem>>
      %dma_start3A_122 = arith.constant 0 : i32
      %dma_start3A_123 = arith.constant 0 : i32
      %dma_start3A_124 = tpu.memref_slice %arg7[%run_scoped3A_114, %dma_start3A_122, %dma_start3A_123] : memref<3x64x128xf32, #tpu.memory_space<vmem>> -> memref<1x64x128xf32, #tpu.memory_space<vmem>>
      %dma_start3A_125 = tpu.memref_squeeze %dma_start3A_124 : memref<1x64x128xf32, #tpu.memory_space<vmem>> -> memref<64x128xf32, #tpu.memory_space<vmem>>
      %dma_start3A_126 = arith.constant 0 : i32
      %dma_start3A_127 = tpu.memref_slice %arg6[%run_scoped3A_115, %dma_start3A_126] : memref<160x64xi32, #tpu.memory_space<vmem>> -> memref<1x64xi32, #tpu.memory_space<vmem>>
      %dma_start3A_128 = tpu.memref_squeeze %dma_start3A_127 : memref<1x64xi32, #tpu.memory_space<vmem>> -> memref<64xi32, #tpu.memory_space<vmem>>
      %dma_start3A_129 = arith.constant 0 : i32
      %dma_start3A_130 = arith.constant 0 : i32
      %dma_start3A_131 = tpu.memref_slice %arg8[%dma_start3A_129, %dma_start3A_130] : memref<10240x128xf32, #tpu.memory_space<vmem_shared>> -> memref<10240x128xf32, #tpu.memory_space<vmem_shared>>
      tpu.enqueue_indirect_dma source(%dma_start3A_125 : memref<64x128xf32, #tpu.memory_space<vmem>>) target(%dma_start3A_131 : memref<10240x128xf32, #tpu.memory_space<vmem_shared>>) offsets(%dma_start3A_128 : memref<64xi32, #tpu.memory_space<vmem>>) semaphore(%run_scoped3A_121 : memref<!tpu.dma_semaphore, #tpu.memory_space<semaphore_mem>>) {add = true}
      %dma_wait3A_132 = arith.constant 0 : i32
      %dma_wait3A_133 = arith.constant 0 : i32
      %dma_wait3A_134 = tpu.memref_slice %arg7[%run_scoped3A_114, %dma_wait3A_132, %dma_wait3A_133] : memref<3x64x128xf32, #tpu.memory_space<vmem>> -> memref<1x64x128xf32, #tpu.memory_space<vmem>>
      %dma_wait3A_135 = tpu.memref_squeeze %dma_wait3A_134 : memref<1x64x128xf32, #tpu.memory_space<vmem>> -> memref<64x128xf32, #tpu.memory_space<vmem>>
      %dma_wait3A_136 = arith.constant 0 : i32
      %dma_wait3A_137 = tpu.memref_slice %arg6[%run_scoped3A_115, %dma_wait3A_136] : memref<160x64xi32, #tpu.memory_space<vmem>> -> memref<1x64xi32, #tpu.memory_space<vmem>>
      %dma_wait3A_138 = tpu.memref_squeeze %dma_wait3A_137 : memref<1x64xi32, #tpu.memory_space<vmem>> -> memref<64xi32, #tpu.memory_space<vmem>>
      %dma_wait3A_139 = arith.constant 0 : i32
      %dma_wait3A_140 = arith.constant 0 : i32
      %dma_wait3A_141 = tpu.memref_slice %arg8[%dma_wait3A_139, %dma_wait3A_140] : memref<10240x128xf32, #tpu.memory_space<vmem_shared>> -> memref<10240x128xf32, #tpu.memory_space<vmem_shared>>
      tpu.wait_indirect_dma semaphore(%run_scoped3A_121 : memref<!tpu.dma_semaphore, #tpu.memory_space<semaphore_mem>>) src(%dma_wait3A_135 : memref<64x128xf32, #tpu.memory_space<vmem>>) dst(%dma_wait3A_141 : memref<10240x128xf32, #tpu.memory_space<vmem_shared>>)
      tpu.yield
    }) : () -> ()
    %barrier3A_116 = arith.constant 0 : index
    tpu.barrier barrier_id(%barrier3A_116)
    %mul3A_117 = arith.constant 640 : i32
    %mul3A_118 = arith.muli %arg1, %mul3A_117 : i32
    %mul3A_119 = arith.constant 640 : i32
    %mul3A_120 = arith.muli %arg1, %mul3A_119 : i32
    "tpu.region"() ({
      %run_scoped3A_121 = tpu.sem_alloc : memref<!tpu.dma_semaphore, #tpu.memory_space<semaphore_mem>>
      %dma_start3A_122 = arith.constant 0 : i32
      %dma_start3A_123 = tpu.memref_slice %arg4[%arg0, %mul3A_120, %dma_start3A_122] : memref<2x10240x128xf32, #tpu.memory_space<hbm>> -> memref<1x640x128xf32, #tpu.memory_space<hbm>>
      %dma_start3A_124 = tpu.memref_squeeze %dma_start3A_123 : memref<1x640x128xf32, #tpu.memory_space<hbm>> -> memref<640x128xf32, #tpu.memory_space<hbm>>
      %dma_start3A_125 = arith.constant 0 : i32
      %dma_start3A_126 = tpu.memref_slice %arg8[%mul3A_118, %dma_start3A_125] : memref<10240x128xf32, #tpu.memory_space<vmem_shared>> -> memref<640x128xf32, #tpu.memory_space<vmem_shared>>
      tpu.enqueue_dma source(%dma_start3A_126 : memref<640x128xf32, #tpu.memory_space<vmem_shared>>) target(%dma_start3A_124 : memref<640x128xf32, #tpu.memory_space<hbm>>) target_semaphore(%run_scoped3A_121 : memref<!tpu.dma_semaphore, #tpu.memory_space<semaphore_mem>>)
      %dma_wait3A_127 = arith.constant 0 : i32
      %dma_wait3A_128 = tpu.memref_slice %arg4[%arg0, %mul3A_120, %dma_wait3A_127] : memref<2x10240x128xf32, #tpu.memory_space<hbm>> -> memref<1x640x128xf32, #tpu.memory_space<hbm>>
      %dma_wait3A_129 = tpu.memref_squeeze %dma_wait3A_128 : memref<1x640x128xf32, #tpu.memory_space<hbm>> -> memref<640x128xf32, #tpu.memory_space<hbm>>
      %dma_wait3A_130 = arith.constant 0 : i32
      %dma_wait3A_131 = tpu.memref_slice %arg8[%mul3A_118, %dma_wait3A_130] : memref<10240x128xf32, #tpu.memory_space<vmem_shared>> -> memref<640x128xf32, #tpu.memory_space<vmem_shared>>
      tpu.wait_dma2 semaphore(%run_scoped3A_121 : memref<!tpu.dma_semaphore, #tpu.memory_space<semaphore_mem>>) src(%dma_wait3A_131 : memref<640x128xf32, #tpu.memory_space<vmem_shared>>) dst(%dma_wait3A_129 : memref<640x128xf32, #tpu.memory_space<hbm>>)
      tpu.yield
    }) : () -> ()
    return
  }
}

module attributes {stable_mosaic.version = 14 : i64} {
  func.func @_norm_body(%arg0: i32, %arg1: memref<2x1024x16xf32, #tpu.memory_space<vmem>>, %arg2: memref<1024x128xf32, #tpu.memory_space<vmem>>, %arg3: memref<1024x128xf32, #tpu.memory_space<vmem>>, %arg4: memref<1024x1xf32, #tpu.memory_space<vmem>>, %arg5: memref<1024x1xf32, #tpu.memory_space<vmem>>) attributes {dimension_semantics = [#tpu.dimension_semantics<arbitrary>], iteration_bounds = array<i64: 10>, scalar_prefetch = 0 : i64, scratch_operands = 0 : i64, tpu.core_type = #tpu.core_type<tc>, window_params = [{transform_indices = @transform_0, window_bounds = array<i64: 2, 1024, 16>}, {transform_indices = @transform_1, window_bounds = array<i64: 1024, 128>}, {transform_indices = @transform_2, window_bounds = array<i64: 1024, 128>}, {transform_indices = @transform_3, window_bounds = array<i64: 1024, 1>}, {transform_indices = @transform_4, window_bounds = array<i64: 1024, 1>}]} {
    %get3A = arith.constant 0 : index
    %get3A_0 = arith.constant 0 : index
    %get3A_1 = arith.constant 0 : index
    %get3A_2 = vector.load %arg1[%get3A, %get3A_0, %get3A_1] : memref<2x1024x16xf32, #tpu.memory_space<vmem>>, vector<1x1024x1xf32>
    %get3A_3 = vector.shape_cast %get3A_2 : vector<1x1024x1xf32> to vector<1024x1xf32>
    %get3A_4 = arith.constant 1 : index
    %get3A_5 = arith.constant 0 : index
    %get3A_6 = arith.constant 0 : index
    %get3A_7 = vector.load %arg1[%get3A_4, %get3A_5, %get3A_6] : memref<2x1024x16xf32, #tpu.memory_space<vmem>>, vector<1x1024x1xf32>
    %get3A_8 = vector.shape_cast %get3A_7 : vector<1x1024x1xf32> to vector<1024x1xf32>
    %add3A = arith.addf %get3A_3, %get3A_8 : vector<1024x1xf32>
    %get3A_9 = arith.constant 0 : index
    %get3A_10 = arith.constant 0 : index
    %get3A_11 = arith.constant 8 : index
    %get3A_12 = vector.load %arg1[%get3A_9, %get3A_10, %get3A_11] : memref<2x1024x16xf32, #tpu.memory_space<vmem>>, vector<1x1024x1xf32>
    %get3A_13 = vector.shape_cast %get3A_12 : vector<1x1024x1xf32> to vector<1024x1xf32>
    %get3A_14 = arith.constant 1 : index
    %get3A_15 = arith.constant 0 : index
    %get3A_16 = arith.constant 8 : index
    %get3A_17 = vector.load %arg1[%get3A_14, %get3A_15, %get3A_16] : memref<2x1024x16xf32, #tpu.memory_space<vmem>>, vector<1x1024x1xf32>
    %get3A_18 = vector.shape_cast %get3A_17 : vector<1x1024x1xf32> to vector<1024x1xf32>
    %add3A_19 = arith.addf %get3A_13, %get3A_18 : vector<1024x1xf32>
    %gt3A = arith.constant 0.000000e+00 : f32
    %gt3A_20 = vector.broadcast %gt3A : f32 to vector<1024x1xf32>
    %gt3A_21 = arith.cmpf ogt, %add3A, %gt3A_20 : vector<1024x1xf32>
    %max3A = arith.constant 1.000000e+00 : f32
    %max3A_22 = vector.broadcast %max3A : f32 to vector<1024x1xf32>
    %max3A_23 = arith.maximumf %add3A, %max3A_22 : vector<1024x1xf32>
    %rsqrt3A = math.rsqrt %max3A_23 : vector<1024x1xf32>
    %jit3A = arith.constant 0.000000e+00 : f32
    %broadcast_in_dim3A = vector.broadcast %jit3A : f32 to vector<1024x1xf32>
    %select_n3A = arith.select %gt3A_21, %rsqrt3A, %broadcast_in_dim3A : vector<1024x1xi1>, vector<1024x1xf32>
    %gt3A_24 = arith.constant 0.000000e+00 : f32
    %gt3A_25 = vector.broadcast %gt3A_24 : f32 to vector<1024x1xf32>
    %gt3A_26 = arith.cmpf ogt, %add3A_19, %gt3A_25 : vector<1024x1xf32>
    %max3A_27 = arith.constant 1.000000e+00 : f32
    %max3A_28 = vector.broadcast %max3A_27 : f32 to vector<1024x1xf32>
    %max3A_29 = arith.maximumf %add3A_19, %max3A_28 : vector<1024x1xf32>
    %rsqrt3A_30 = math.rsqrt %max3A_29 : vector<1024x1xf32>
    %jit3A_31 = arith.constant 0.000000e+00 : f32
    %broadcast_in_dim3A_32 = vector.broadcast %jit3A_31 : f32 to vector<1024x1xf32>
    %select_n3A_33 = arith.select %gt3A_26, %rsqrt3A_30, %broadcast_in_dim3A_32 : vector<1024x1xi1>, vector<1024x1xf32>
    %get3A_34 = arith.constant 0 : index
    %get3A_35 = arith.constant 0 : index
    %get3A_36 = vector.load %arg2[%get3A_34, %get3A_35] : memref<1024x128xf32, #tpu.memory_space<vmem>>, vector<1024x128xf32>
    %mul3A = vector.broadcast %select_n3A : vector<1024x1xf32> to vector<1024x128xf32>
    %mul3A_37 = arith.mulf %get3A_36, %mul3A : vector<1024x128xf32>
    %swap3A = arith.constant 0 : index
    %swap3A_38 = arith.constant 0 : index
    %swap3A_39 = vector.load %arg3[%swap3A, %swap3A_38] : memref<1024x128xf32, #tpu.memory_space<vmem>>, vector<1024x128xf32>
    tpu.vector_store %arg3[%swap3A, %swap3A_38], %mul3A_37 {strides = array<i32>} : memref<1024x128xf32, #tpu.memory_space<vmem>>, vector<1024x128xf32>,
    %swap3A_40 = arith.constant 0 : index
    %swap3A_41 = arith.constant 0 : index
    %swap3A_42 = vector.load %arg4[%swap3A_40, %swap3A_41] : memref<1024x1xf32, #tpu.memory_space<vmem>>, vector<1024x1xf32>
    tpu.vector_store %arg4[%swap3A_40, %swap3A_41], %select_n3A_33 {strides = array<i32>} : memref<1024x1xf32, #tpu.memory_space<vmem>>, vector<1024x1xf32>,
    %swap3A_43 = arith.constant 0 : index
    %swap3A_44 = arith.constant 0 : index
    %swap3A_45 = vector.load %arg5[%swap3A_43, %swap3A_44] : memref<1024x1xf32, #tpu.memory_space<vmem>>, vector<1024x1xf32>
    tpu.vector_store %arg5[%swap3A_43, %swap3A_44], %select_n3A {strides = array<i32>} : memref<1024x1xf32, #tpu.memory_space<vmem>>, vector<1024x1xf32>,
    return
  }
  func.func @transform_0(%arg0: i32) -> (i32, i32, i32) {
    %c0_i32 = arith.constant 0 : i32
    %c0_i32_0 = arith.constant 0 : i32
    %c0_i32_1 = arith.constant 0 : i32
    return %c0_i32, %arg0, %c0_i32_0 : i32, i32, i32
  }
  func.func @transform_1(%arg0: i32) -> (i32, i32) {
    %c0_i32 = arith.constant 0 : i32
    %c0_i32_0 = arith.constant 0 : i32
    return %arg0, %c0_i32 : i32, i32
  }
  func.func @transform_2(%arg0: i32) -> (i32, i32) {
    %c0_i32 = arith.constant 0 : i32
    %c0_i32_0 = arith.constant 0 : i32
    return %arg0, %c0_i32 : i32, i32
  }
  func.func @transform_3(%arg0: i32) -> (i32, i32) {
    %c0_i32 = arith.constant 0 : i32
    %c0_i32_0 = arith.constant 0 : i32
    return %arg0, %c0_i32 : i32, i32
  }
  func.func @transform_4(%arg0: i32) -> (i32, i32) {
    %c0_i32 = arith.constant 0 : i32
    %c0_i32_0 = arith.constant 0 : i32
    return %arg0, %c0_i32 : i32, i32
  }
}

module attributes {stable_mosaic.version = 14 : i64} {
  func.func @_layer_body(%arg0: i32, %arg1: memref<2x1024x128xf32, #tpu.memory_space<vmem>>, %arg2: memref<1024x1xf32, #tpu.memory_space<vmem>>, %arg3: memref<1024x1xf32, #tpu.memory_space<vmem>>, %arg4: memref<128x128xf32, #tpu.memory_space<vmem>>, %arg5: memref<1x128xf32, #tpu.memory_space<vmem>>, %arg6: memref<1024x128xf32, #tpu.memory_space<vmem>>) attributes {dimension_semantics = [#tpu.dimension_semantics<arbitrary>], iteration_bounds = array<i64: 10>, scalar_prefetch = 0 : i64, scratch_operands = 0 : i64, tpu.core_type = #tpu.core_type<tc>, window_params = [{transform_indices = @transform_0, window_bounds = array<i64: 2, 1024, 128>}, {transform_indices = @transform_1, window_bounds = array<i64: 1024, 1>}, {transform_indices = @transform_2, window_bounds = array<i64: 1024, 1>}, {pipeline_mode = #tpu.pipeline_mode<synchronous>, transform_indices = @transform_3, window_bounds = array<i64: 128, 128>}, {pipeline_mode = #tpu.pipeline_mode<synchronous>, transform_indices = @transform_4, window_bounds = array<i64: 1, 128>}, {transform_indices = @transform_5, window_bounds = array<i64: 1024, 128>}]} {
    %get3A = arith.constant 0 : index
    %get3A_0 = arith.constant 0 : index
    %get3A_1 = arith.constant 0 : index
    %get3A_2 = vector.load %arg1[%get3A, %get3A_0, %get3A_1] : memref<2x1024x128xf32, #tpu.memory_space<vmem>>, vector<1x1024x128xf32>
    %get3A_3 = vector.shape_cast %get3A_2 : vector<1x1024x128xf32> to vector<1024x128xf32>
    %get3A_4 = arith.constant 1 : index
    %get3A_5 = arith.constant 0 : index
    %get3A_6 = arith.constant 0 : index
    %get3A_7 = vector.load %arg1[%get3A_4, %get3A_5, %get3A_6] : memref<2x1024x128xf32, #tpu.memory_space<vmem>>, vector<1x1024x128xf32>
    %get3A_8 = vector.shape_cast %get3A_7 : vector<1x1024x128xf32> to vector<1024x128xf32>
    %add3A = arith.addf %get3A_3, %get3A_8 : vector<1024x128xf32>
    %get3A_9 = arith.constant 0 : index
    %get3A_10 = arith.constant 0 : index
    %get3A_11 = vector.load %arg2[%get3A_9, %get3A_10] : memref<1024x1xf32, #tpu.memory_space<vmem>>, vector<1024x1xf32>
    %mul3A = vector.broadcast %get3A_11 : vector<1024x1xf32> to vector<1024x128xf32>
    %mul3A_12 = arith.mulf %add3A, %mul3A : vector<1024x128xf32>
    %get3A_13 = arith.constant 0 : index
    %get3A_14 = arith.constant 0 : index
    %get3A_15 = vector.load %arg4[%get3A_13, %get3A_14] : memref<128x128xf32, #tpu.memory_space<vmem>>, vector<128x128xf32>
    %dot_general3A = arith.constant dense<0.000000e+00> : vector<1024x128xf32>
    %dot_general3A_16 = tpu.matmul %mul3A_12, %get3A_15, %dot_general3A {dimension_numbers = #tpu.dot_dimension_numbers<[1], [0], [0], [1], [0, 0, 1, 1], [], []>, transpose_lhs_hint = false} : vector<1024x128xf32>, vector<128x128xf32>, vector<1024x128xf32> -> vector<1024x128xf32>
    %get3A_17 = arith.constant 0 : index
    %get3A_18 = arith.constant 0 : index
    %get3A_19 = vector.load %arg5[%get3A_17, %get3A_18] : memref<1x128xf32, #tpu.memory_space<vmem>>, vector<1x128xf32>
    %add3A_20 = vector.broadcast %get3A_19 : vector<1x128xf32> to vector<1024x128xf32>
    %add3A_21 = arith.addf %dot_general3A_16, %add3A_20 : vector<1024x128xf32>
    %max3A = arith.constant 0.000000e+00 : f32
    %max3A_22 = vector.broadcast %max3A : f32 to vector<1024x128xf32>
    %max3A_23 = arith.maximumf %add3A_21, %max3A_22 : vector<1024x128xf32>
    %get3A_24 = arith.constant 0 : index
    %get3A_25 = arith.constant 0 : index
    %get3A_26 = vector.load %arg3[%get3A_24, %get3A_25] : memref<1024x1xf32, #tpu.memory_space<vmem>>, vector<1024x1xf32>
    %mul3A_27 = vector.broadcast %get3A_26 : vector<1024x1xf32> to vector<1024x128xf32>
    %mul3A_28 = arith.mulf %max3A_23, %mul3A_27 : vector<1024x128xf32>
    %swap3A = arith.constant 0 : index
    %swap3A_29 = arith.constant 0 : index
    %swap3A_30 = vector.load %arg6[%swap3A, %swap3A_29] : memref<1024x128xf32, #tpu.memory_space<vmem>>, vector<1024x128xf32>
    tpu.vector_store %arg6[%swap3A, %swap3A_29], %mul3A_28 {strides = array<i32>} : memref<1024x128xf32, #tpu.memory_space<vmem>>, vector<1024x128xf32>,
    return
  }
  func.func @transform_0(%arg0: i32) -> (i32, i32, i32) {
    %c0_i32 = arith.constant 0 : i32
    %c0_i32_0 = arith.constant 0 : i32
    %c0_i32_1 = arith.constant 0 : i32
    return %c0_i32, %arg0, %c0_i32_0 : i32, i32, i32
  }
  func.func @transform_1(%arg0: i32) -> (i32, i32) {
    %c0_i32 = arith.constant 0 : i32
    %c0_i32_0 = arith.constant 0 : i32
    return %arg0, %c0_i32 : i32, i32
  }
  func.func @transform_2(%arg0: i32) -> (i32, i32) {
    %c0_i32 = arith.constant 0 : i32
    %c0_i32_0 = arith.constant 0 : i32
    return %arg0, %c0_i32 : i32, i32
  }
  func.func @transform_3(%arg0: i32) -> (i32, i32) {
    %c0_i32 = arith.constant 0 : i32
    %c0_i32_0 = arith.constant 0 : i32
    %c0_i32_1 = arith.constant 0 : i32
    return %c0_i32, %c0_i32_0 : i32, i32
  }
  func.func @transform_4(%arg0: i32) -> (i32, i32) {
    %c0_i32 = arith.constant 0 : i32
    %c0_i32_0 = arith.constant 0 : i32
    %c0_i32_1 = arith.constant 0 : i32
    return %c0_i32, %c0_i32_0 : i32, i32
  }
  func.func @transform_5(%arg0: i32) -> (i32, i32) {
    %c0_i32 = arith.constant 0 : i32
    %c0_i32_0 = arith.constant 0 : i32
    return %arg0, %c0_i32 : i32, i32
  }
}

module attributes {stable_mosaic.version = 14 : i64} {
  func.func @_layer_body(%arg0: i32, %arg1: memref<2x1024x128xf32, #tpu.memory_space<vmem>>, %arg2: memref<1024x1xf32, #tpu.memory_space<vmem>>, %arg3: memref<1024x1xf32, #tpu.memory_space<vmem>>, %arg4: memref<128x128xf32, #tpu.memory_space<vmem>>, %arg5: memref<1x128xf32, #tpu.memory_space<vmem>>, %arg6: memref<1024x128xf32, #tpu.memory_space<vmem>>) attributes {dimension_semantics = [#tpu.dimension_semantics<arbitrary>], iteration_bounds = array<i64: 10>, scalar_prefetch = 0 : i64, scratch_operands = 0 : i64, tpu.core_type = #tpu.core_type<tc>, window_params = [{transform_indices = @transform_0, window_bounds = array<i64: 2, 1024, 128>}, {transform_indices = @transform_1, window_bounds = array<i64: 1024, 1>}, {transform_indices = @transform_2, window_bounds = array<i64: 1024, 1>}, {pipeline_mode = #tpu.pipeline_mode<synchronous>, transform_indices = @transform_3, window_bounds = array<i64: 128, 128>}, {pipeline_mode = #tpu.pipeline_mode<synchronous>, transform_indices = @transform_4, window_bounds = array<i64: 1, 128>}, {transform_indices = @transform_5, window_bounds = array<i64: 1024, 128>}]} {
    %get3A = arith.constant 0 : index
    %get3A_0 = arith.constant 0 : index
    %get3A_1 = arith.constant 0 : index
    %get3A_2 = vector.load %arg1[%get3A, %get3A_0, %get3A_1] : memref<2x1024x128xf32, #tpu.memory_space<vmem>>, vector<1x1024x128xf32>
    %get3A_3 = vector.shape_cast %get3A_2 : vector<1x1024x128xf32> to vector<1024x128xf32>
    %get3A_4 = arith.constant 1 : index
    %get3A_5 = arith.constant 0 : index
    %get3A_6 = arith.constant 0 : index
    %get3A_7 = vector.load %arg1[%get3A_4, %get3A_5, %get3A_6] : memref<2x1024x128xf32, #tpu.memory_space<vmem>>, vector<1x1024x128xf32>
    %get3A_8 = vector.shape_cast %get3A_7 : vector<1x1024x128xf32> to vector<1024x128xf32>
    %add3A = arith.addf %get3A_3, %get3A_8 : vector<1024x128xf32>
    %get3A_9 = arith.constant 0 : index
    %get3A_10 = arith.constant 0 : index
    %get3A_11 = vector.load %arg2[%get3A_9, %get3A_10] : memref<1024x1xf32, #tpu.memory_space<vmem>>, vector<1024x1xf32>
    %mul3A = vector.broadcast %get3A_11 : vector<1024x1xf32> to vector<1024x128xf32>
    %mul3A_12 = arith.mulf %add3A, %mul3A : vector<1024x128xf32>
    %get3A_13 = arith.constant 0 : index
    %get3A_14 = arith.constant 0 : index
    %get3A_15 = vector.load %arg4[%get3A_13, %get3A_14] : memref<128x128xf32, #tpu.memory_space<vmem>>, vector<128x128xf32>
    %dot_general3A = arith.constant dense<0.000000e+00> : vector<1024x128xf32>
    %dot_general3A_16 = tpu.matmul %mul3A_12, %get3A_15, %dot_general3A {dimension_numbers = #tpu.dot_dimension_numbers<[1], [0], [0], [1], [0, 0, 1, 1], [], []>, transpose_lhs_hint = false} : vector<1024x128xf32>, vector<128x128xf32>, vector<1024x128xf32> -> vector<1024x128xf32>
    %get3A_17 = arith.constant 0 : index
    %get3A_18 = arith.constant 0 : index
    %get3A_19 = vector.load %arg5[%get3A_17, %get3A_18] : memref<1x128xf32, #tpu.memory_space<vmem>>, vector<1x128xf32>
    %add3A_20 = vector.broadcast %get3A_19 : vector<1x128xf32> to vector<1024x128xf32>
    %add3A_21 = arith.addf %dot_general3A_16, %add3A_20 : vector<1024x128xf32>
    %swap3A = arith.constant 0 : index
    %swap3A_22 = arith.constant 0 : index
    %swap3A_23 = vector.load %arg6[%swap3A, %swap3A_22] : memref<1024x128xf32, #tpu.memory_space<vmem>>, vector<1024x128xf32>
    tpu.vector_store %arg6[%swap3A, %swap3A_22], %add3A_21 {strides = array<i32>} : memref<1024x128xf32, #tpu.memory_space<vmem>>, vector<1024x128xf32>,
    return
  }
  func.func @transform_0(%arg0: i32) -> (i32, i32, i32) {
    %c0_i32 = arith.constant 0 : i32
    %c0_i32_0 = arith.constant 0 : i32
    %c0_i32_1 = arith.constant 0 : i32
    return %c0_i32, %arg0, %c0_i32_0 : i32, i32, i32
  }
  func.func @transform_1(%arg0: i32) -> (i32, i32) {
    %c0_i32 = arith.constant 0 : i32
    %c0_i32_0 = arith.constant 0 : i32
    return %arg0, %c0_i32 : i32, i32
  }
  func.func @transform_2(%arg0: i32) -> (i32, i32) {
    %c0_i32 = arith.constant 0 : i32
    %c0_i32_0 = arith.constant 0 : i32
    return %arg0, %c0_i32 : i32, i32
  }
  func.func @transform_3(%arg0: i32) -> (i32, i32) {
    %c0_i32 = arith.constant 0 : i32
    %c0_i32_0 = arith.constant 0 : i32
    %c0_i32_1 = arith.constant 0 : i32
    return %c0_i32, %c0_i32_0 : i32, i32
  }
  func.func @transform_4(%arg0: i32) -> (i32, i32) {
    %c0_i32 = arith.constant 0 : i32
    %c0_i32_0 = arith.constant 0 : i32
    %c0_i32_1 = arith.constant 0 : i32
    return %c0_i32, %c0_i32_0 : i32, i32
  }
  func.func @transform_5(%arg0: i32) -> (i32, i32) {
    %c0_i32 = arith.constant 0 : i32
    %c0_i32_0 = arith.constant 0 : i32
    return %arg0, %c0_i32 : i32, i32
  }
}

</mosaic_0001>

<sc_bundles>
// kernel: kernel.11.cloned.1.call-start
scs
__scs_entry_jumppad:
0x0: {  	(pc) =	sbr.rel $0x88, $3  }
0x1: {  	(tag) =	ssettag $0x0;
	lr =	simm.s32 $0x1  }
0x2: {  	[smem:$0x3F9B] =	sst lr;
	_ =	strace $0xD0000000  }
0x3: {  	_ = 	snop  }
0x4: {  	_ = 	snop  }
0x5: {  	_ = 	snop  }
0x6: {  	_ = 	snop  }
0x7: {  	_ = 	snop  }
__scs_overlays_trampoline_lowered:
0x8: {  	[smem:$0x3FAA] =	sst s0  }
0x9: {  	[smem:$0x3FAB] =	sst s1  }
0xa: {  	[smem:$0x3FAC] =	sst s2  }
0xb: {  	[smem:$0x3FAD] =	sst s3  }
0xc: {  	[smem:$0x3FAE] =	sst s4  }
0xd: {  	[smem:$0x3FAF] =	sst s5  }
0xe: {  	[smem:$0x3FB0] =	sst s6  }
0xf: {  	[smem:$0x3FB1] =	sst s7  }
0x10: {  	[smem:$0x3FB2] =	sst s8  }
0x11: {  	[smem:$0x3FB3] =	sst s9;
	s0 =	simm.s32 @!p0 $0x0  }
0x12: {  	s1 =	sld [smem:$0x3F99];
	s0 =	simm.s32 @p0 $0x1  }
0x13: {  	[smem:$0x3FB4] =	sst s0;
	s0 =	simm.s32 @!p1 $0x0  }
0x14: {  	s2 =	sld [smem:$0x3F98];
	s0 =	simm.s32 @p1 $0x1  }
0x15: {  	[smem:$0x3FB5] =	sst s0;
	s0 =	simm.s32 @!p2 $0x0  }
0x16: {  	s3 =	sld [smem:$0x3FDB];
	s0 =	simm.s32 @p2 $0x1  }
0x17: {  	s4 =	simm.s32 $0x1BF5;
	[smem:$0x3FB7] =	sst s0  }
0x18: {  	s0 =	sld [smem:$0x3F9A];
	_ =	swait.ge [sflag:s4], $0x0  }
0x19: {  	s7 =	sld [smem:$0x3F9B]  }
0x1a: {  	s8 =	sadd.s32 $0xFFFFE003, lr  }
0x1b: {  	s9 =	sadd.s32 $0xFFFFFEF7, lr;
	s5 =	simm.s32 $0xFFFFFFFF;
	p2 =	slt.u32 s8, $0xFFFFF086  }
0x1c: {  	p1 =	slt.u32 s9, $0xF7A;
	s5 =	simm.s32 @!p2 $0x0  }
0x1d: {  	s5 =	simm.s32 @p1 $0x1;
	p0 =	seq.s32 s7, s2  }
0x1e: {  	s7 =	smul.u32 @!p0 $0xF7A, s2;
	p2 =	seq.s32 @!p0 s5, $0x0  }
0x1f: {  	s9 =	smul.u32 $0xF7A, s1;
	s8 =	simm.s32 @!p0 $0x1BF5;
	p2 =	por !p2, p0  }
0x20: {  	[sflag:s8] =	ssyncset.s32 @!p0 $0xFFFFF086;
	s6 =	sadd.s32 @!p0 s3, s7;
	s7 =	simm.s32 @!p0 $0x108  }
0x21: {  	s3 =	sadd.s32 s3, s9;
	s6 =	sadd.s32 @!p0 $0x88, s6;
	s7 =	simm.s32 @p2 $0x1082  }
0x22: {  	[simem:s7], [sflag:s8] =	dma.local @!p0 [hbm:s6], $0xF7A  }
0x23: {  	s9 =	sor.u32 $0xD0000000, s2;
	s6 =	simm.s32 $0x108;
	_ =	swait.ge @!p0 [sflag:s8], $0x0  }
0x24: {  	s3 =	sadd.s32 $0x88, s3;
	s6 =	simm.s32 @!p1 $0x1082;
	[sflag:s4] =	ssyncset.s32 $0xFFFFF086  }
0x25: {  	[simem:s6], [sflag:s4] =	dma.local [hbm:s3], $0xF7A  }
0x26: {  	[smem:$0x3F9B] =	sst s1;
	(tag) =	ssettag s2;
	_ =	strace s9  }
0x27: {  	s1 =	sld [smem:$0x3FAB]  }
0x28: {  	s2 =	sld [smem:$0x3FAC]  }
0x29: {  	s4 =	sld [smem:$0x3FAE]  }
0x2a: {  	p0 =	seq.s32 s5, $0x0;
	s5 =	sld [smem:$0x3FAF]  }
0x2b: {  	s6 =	sld [smem:$0x3FB0]  }
0x2c: {  	s7 =	sld [smem:$0x3FB1]  }
0x2d: {  	s3 =	simm.s32 $0x108;
	s8 =	sld [smem:$0x3FB2]  }
0x2e: {  	s3 =	simm.s32 @!p0 $0x1082;
	s9 =	sld [smem:$0x3FB3]  }
0x2f: {  	lr =	sadd.s32 s0, s3;
	s0 =	sld [smem:$0x3FAA]  }
0x30: {  	s3 =	sld [smem:$0x3FAD]  }
0x31: {  	[smem:$0x3FB6] =	sst s10  }
0x32: {  	s10 =	sld [smem:$0x3FB4];
	_ =	sdelay $0x3  }
0x33: {  	p0 =	seq.s32 s10, $0x1;
	s10 =	sld [smem:$0x3FB6];
	_ =	sdelay $0x3  }
0x34: {  	[smem:$0x3FB6] =	sst s10  }
0x35: {  	s10 =	sld [smem:$0x3FB5];
	_ =	sdelay $0x3  }
0x36: {  	p1 =	seq.s32 s10, $0x1;
	s10 =	sld [smem:$0x3FB6];
	_ =	sdelay $0x3  }
0x37: {  	[smem:$0x3FB6] =	sst s10  }
0x38: {  	s10 =	sld [smem:$0x3FB7]  }
0x39: {  	_ = 	snop;
	(pc) =	sbr.ind lr, $3  }
0x3a: {  	_ = 	snop  }
0x3b: {  	_ = 	snop  }
0x3c: {  	p2 =	seq.s32 s10, $0x1;
	s10 =	sld [smem:$0x3FB6]  }
0x3d: {  	_ =	shalt  }
0x3e: {  	_ =	shalt  }
0x3f: {  	_ =	shalt  }
0x40: {  	_ =	shalt  }
0x41: {  	_ =	shalt  }
0x42: {  	_ =	shalt  }
0x43: {  	_ =	shalt  }
0x44: {  	_ =	shalt  }
0x45: {  	_ =	shalt  }
0x46: {  	_ =	shalt  }
0x47: {  	_ =	shalt  }
0x48: {  	_ =	shalt  }
0x49: {  	_ =	shalt  }
0x4a: {  	_ =	shalt  }
0x4b: {  	_ =	shalt  }
0x4c: {  	_ =	shalt  }
0x4d: {  	_ =	shalt  }
0x4e: {  	_ =	shalt  }
0x4f: {  	_ =	shalt  }
0x50: {  	_ =	shalt  }
0x51: {  	_ =	shalt  }
0x52: {  	_ =	shalt  }
0x53: {  	_ =	shalt  }
0x54: {  	_ =	shalt  }
0x55: {  	_ =	shalt  }
0x56: {  	_ =	shalt  }
0x57: {  	_ =	shalt  }
0x58: {  	_ =	shalt  }
0x59: {  	_ =	shalt  }
0x5a: {  	_ =	shalt  }
0x5b: {  	_ =	shalt  }
0x5c: {  	_ =	shalt  }
0x5d: {  	_ =	shalt  }
0x5e: {  	_ =	shalt  }
0x5f: {  	_ =	shalt  }
0x60: {  	_ =	shalt  }
0x61: {  	_ =	shalt  }
0x62: {  	_ =	shalt  }
0x63: {  	_ =	shalt  }
0x64: {  	_ =	shalt  }
0x65: {  	_ =	shalt  }
0x66: {  	_ =	shalt  }
0x67: {  	_ =	shalt  }
0x68: {  	_ =	shalt  }
0x69: {  	_ =	shalt  }
0x6a: {  	_ =	shalt  }
0x6b: {  	_ =	shalt  }
0x6c: {  	_ =	shalt  }
0x6d: {  	_ =	shalt  }
0x6e: {  	_ =	shalt  }
0x6f: {  	_ =	shalt  }
0x70: {  	_ =	shalt  }
0x71: {  	_ =	shalt  }
0x72: {  	_ =	shalt  }
0x73: {  	_ =	shalt  }
0x74: {  	_ =	shalt  }
0x75: {  	_ =	shalt  }
0x76: {  	_ =	shalt  }
0x77: {  	_ =	shalt  }
0x78: {  	_ =	shalt  }
0x79: {  	_ =	shalt  }
0x7a: {  	_ =	shalt  }
0x7b: {  	_ =	shalt  }
0x7c: {  	_ =	shalt  }
0x7d: {  	_ =	shalt  }
0x7e: {  	_ =	shalt  }
0x7f: {  	_ =	shalt  }
0x80: {  	_ =	shalt  }
0x81: {  	_ =	shalt  }
0x82: {  	_ =	shalt  }
0x83: {  	_ =	shalt  }
0x84: {  	_ =	shalt  }
0x85: {  	_ =	shalt  }
0x86: {  	_ =	shalt  }
0x87: {  	_ =	shalt  }
.Lfunc_end0:
.L_simem_size_0:
called_computation.1_lowered:
.L_overlay_start_0:
0x88: {  	s2 =	sld [smem:$0x3FD9]  }
0x89: {  	s3 =	sld [smem:$0x3FFE];
	_ =	sdelay $0x1  }
0x8a: {  	s1 =	srdreg.scid  }
0x8b: {  	s0 =	sand.u32 $0x1, s1  }
0x8c: {  	s17 =	sshll.u32 s0, $0xA;
	s2 =	sadd.s32 s3, s2  }
0x8d: {  	s2 =	sadd.s32 s2, s17  }
0x8e: {  	[smem:$0x3FC2] =	sst s2  }
0x8f: {  	_ = 	snop  }
0x90: {  	s2 =	sld [smem:$0x3FD0];
	(tm) =	ssettm $0x1  }
0x91: {  	s18 =	sld [smem:$0x3FFB];
	_ =	sdelay $0x3  }
0x92: {  	_ =	strace s18  }
0x93: {  	s3 =	sld [smem:$0x3FFC];
	_ =	sdelay $0x3  }
0x94: {  	_ =	strace s3  }
0x95: {  	s3 =	sld [smem:$0x3FFD];
	_ =	sdelay $0x3  }
0x96: {  	_ =	strace s3  }
0x97: {  	_ =	strace $0x8FFFFFFF  }
0x98: {  	s19 =	sld [smem:$0x3FDB];
	_ =	sdelay $0x1  }
0x99: {  	s4 =	simm.s32 $_scs_section_size  }
0x9a: {  	s5 =	simm.s32 $_size__tile_overlayer_lowered;
	s6 =	simm.s32 $_tile_overlayer_lowered  }
0x9b: {  	s22 =	simm.s32 $0x1BFF;
	s21 =	sshll.u32 s6, $0x1;
	s3 =	sadd.s32 s4, s19  }
0x9c: {  	s7 =	simm.s32 $0x0;
	s20 =	sshll.u32 s5, $0x1;
	s5 =	sadd.s32 s21, s3  }
0x9d: {  	[timem:s7], [sflag:s22] =	dma.local [hbm:s5], s20  }
0x9e: {  	_ =	swait.ge [sflag:s22], s20  }
0x9f: {  	s4 =	ssub.s32 $0x0, s20;
	[sflag:s22] =	ssyncset.done $0x0  }
0xa0: {  	[sflag:s22] =	ssyncadd.s32 s4;
	_ =	sdelay $0x1  }
0xa1: {  	s23 =	simm.s32 $0x1B8B  }
0xa2: {  	_ =	swait.ge [sflag:s23], $0x1  }
0xa3: {  	[sflag:s23] =	ssyncset.done $0x0  }
0xa4: {  	s25 =	simm.s32 $0x1B8E;
	s24 =	sld [smem:$0x3FFE];
	[sflag:s23] =	ssyncadd.s32 $0xFFFFFFFF  }
0xa5: {  	s26 =	simm.s32 $execute0_lowered;
	[smem:$0x3FD2] =	sst s25  }
0xa6: {  	s5 =	sshll.u32 s26, $0x1;
	_ =	strace $0x80000049;
	[dreg:$0x1] =	wrdreg $0xFFFFFFFF  }
0xa7: {  	s28 =	simm.s32 $_size_execute0_lowered;
	s3 =	sadd.s32 s3, s5;
	[dreg:$0x0] =	wrdreg $0x0  }
0xa8: {  	s5 =	sshll.u32 s28, $0x1;
	[dreg:$0x2] =	wrdreg s3  }
0xa9: {  	[dreg:$0x3] =	wrdreg s5  }
0xaa: {  	[dreg:$0x4] =	wrdreg $0xC0  }
0xab: {  	_ =	task [dreg:s7], $0x5FFFF  }
0xac: {  	[dreg:$0x1] =	wrdreg $0xFFFFFFFF  }
0xad: {  	[dreg:$0x0] =	wrdreg $0x60  }
0xae: {  	[dreg:$0x2] =	wrdreg s24  }
0xaf: {  	[dreg:$0x3] =	wrdreg s2  }
0xb0: {  	[dreg:$0x4] =	wrdreg $0xB0000  }
0xb1: {  	[dreg:$0x5] =	wrdreg $0x9  }
0xb2: {  	_ =	task.clear_ibuf [dreg:s7], $0x6FFFF;
	_ =	strace $0x90000049  }
0xb3: {  	s29 =	simm.s32 $0x9;
	_ =	strace $0x8000004B  }
0xb4: {  	_ =	swait.ge [sflag:s29], $0x1  }
0xb5: {  	[sflag:s29] =	ssyncadd.s32 $0xFFFFFFFF  }
0xb6: {  	_ =	strace $0x9000004B  }
0xb7: {  	_ =	sfence  }
0xb8: {  	s30 =	sld [smem:$0x0];
	_ =	sdelay $0x2  }
0xb9: {  	s31 =	sshll.u32 s1, $0xD;
	s1 =	sshrl.u32 s1, $0x2  }
0xba: {  	s3 =	sand.u32 $0x4000, s31;
	s1 =	sadd.s32 s1, s30  }
0xbb: {  	s0 =	sor.u32 s3, s0;
	s1 =	sshll.u32 s1, $0x11  }
0xbc: {  	s0 =	sor.u32 s1, s0  }
0xbd: {  	s0 =	sadd.s32 $0x8F2B, s0  }
0xbe: {  	[sflag:s0] =	ssyncadd.remote.s32 $0x1  }
0xbf: {  	_ =	sfence.sel $0xFFFF  }
0xc0: {  	[dreg:$0x0] =	wrdreg $0xFFFFFFFF;
	(pc) =	sbr.abs _section_cstart, $3  }
0xc1: {  	[dreg:$0x1] =	wrdreg $0xFFFFFFFF  }
0xc2: {  	_ =	task.clear_ibuf [dreg:s7], $0x2FFFF;
	_ =	strace $0x9FFFFFFF  }
0xc3: {  	(tm) =	ssettm $0x7FFFFFFF  }
tec
execute0_lowered:
.L_overlay_start_1:
0x0: {  	(tag) =	ssettag $0x1  }
0x1: {  	s0 =	rddreg [dreg:$0x0]  }
0x2: {  	s1 =	rddreg [dreg:$0x1];
	s3 =	srdreg.scid  }
0x3: {  	s9 =	stileid.u32;
	s2 =	rddreg [dreg:$0x2];
	s5 =	simm.s32 $0x0  }
0x4: {  	s18 =	simm.s32 $0x4;
	s19 =	simm.s32 $0x5000;
	s6 =	smul.u32 $0x14000, s9  }
0x5: {  	s20 =	simm.s32 $0x40;
	s21 =	simm.s32 $0x7000;
	s8 =	smul.u32 $0x2800, s9  }
0x6: {  	s23 =	simm.s32 $0x9000;
	s3 =	sand.u32 $0x1, s3;
	s9 =	smul.u32 $0x50000, s9  }
0x7: {  	s29 =	simm.s32 $0x27C0;
	s30 =	simm.s32 $0x4F40;
	s4 =	smul.u32 $0x140000, s3  }
0x8: {  	[smem:$0x7FF] =	sst s5;
	s24 =	smul.u32 $0x28000, s3;
	s3 =	ssub.s32 $0x2, s3  }
0x9: {  	s31 =	simm.s32 $0x4F80;
	_ =	strace $0x8000004A;
	s25 =	sshrl.u32 s3, $0x1  }
0xa: {  	s26 =	sshrl.u32 s9, $0x2;
	s7 =	sadd.s32 s6, s4;
	s4 =	sadd.s32 $0x2200, s0  }
0xb: {  	s5 =	sadd.s32 s8, s24;
	s3 =	ssub.s32 s3, s25;
	s28 =	sadd.s32 s26, s2  }
0xc: {  	s6 =	sadd.s32 s6, s2;
	s24 =	simm.s32 $0x1;
	s25 =	simm.s32 $0x2  }
0xd: {  	s26 =	simm.s32 $0x3;
	s7 =	sshrl.u32 s7, $0x3;
	s5 =	sshrl.u32 s5, $0x3  }
0xe: {  	s8 =	sadd.s32 $0x4000, s28;
	s9 =	sadd.s32 $0x6000, s28;
	s10 =	sadd.s32 $0x8000, s28  }
0xf: {  	s11 =	sadd.s32 $0xA000, s28;
	s12 =	sadd.s32 $0xC000, s28;
	s13 =	sadd.s32 $0xE000, s28  }
0x10: {  	s14 =	sadd.s32 $0x10000, s28;
	s15 =	sadd.s32 $0x12000, s28;
	s17 =	smax.u32 s3, $0x1  }
0x11: {  	s3 =	simm.s32 $0x0;
	s0 =	sadd.s32 s7, s0;
	s5 =	sadd.s32 s1, s5  }
0x12: {  	v0 =	vimm.f32 $0.0e+00;
	s7 =	sadd.s32 $0x2000, s28;
	s1 =	simm.s32 $0x4FC0;
	s16 =	sadd.s32 $0x2A200, s0  }
.LBB2_1:
0x13: {  	s0 =	simm.s32 $0x0  }
0x14: {  	[tilespmem:s0], [sflag:$0x4] =	stream.linear.gather [hbm4b:s5+s0], $0x2800, $0x38;
	[tilespmem:$0x1F000] =	vst v63  }
0x15: {  	_ =	swait.ge [sflag:s18], $0x2800  }
0x16: {  	[sflag:s18] =	ssyncset.done $0x0  }
0x17: {  	s22 =	simm.s32 $0x200;
	s0 =	simm.s32 $0x0;
	[sflag:s18] =	ssyncadd.s32 $0xFFFFD800  }
.LBB2_2:
0x18: {  	p0 =	sne.s32 s22, $0x7E00;
	[tilespmem:s0+$0x5070] =	vst v0  }
0x19: {  	[tilespmem:s0+$0x5000] =	vst v0  }
0x1a: {  	[tilespmem:s0+$0x5010] =	vst v0  }
.Ltmp0:
0x1b: {  	[tilespmem:s0+$0x5020] =	vst v0;
	(pc) =	sbr.rel @p0 .LBB2_2-.Ltmp0, $4  }
0x1c: {  	[tilespmem:s0+$0x5030] =	vst v0  }
0x1d: {  	[tilespmem:s0+$0x5040] =	vst v0  }
0x1e: {  	[tilespmem:s0+$0x5050] =	vst v0  }
0x1f: {  	[tilespmem:s0+$0x5060] =	vst v0;
	s0 =	sshra.s32 s22, $0x2;
	s22 =	sadd.s32 $0x200, s22  }
0x20: {  	[tilespmem:s0+$0x5070] =	vst v0  }
0x21: {  	[tilespmem:s0+$0x5000] =	vst v0  }
0x22: {  	[tilespmem:s0+$0x5010] =	vst v0  }
0x23: {  	[tilespmem:s0+$0x5020] =	vst v0  }
0x24: {  	[tilespmem:s0+$0x5030] =	vst v0  }
0x25: {  	[tilespmem:s0+$0x5040] =	vst v0  }
0x26: {  	[tilespmem:s0+$0x5050] =	vst v0  }
0x27: {  	[tilespmem:s0+$0x5060] =	vst v0  }
0x28: {  	[spmem:s6] =	stream.linear.scatter [tilespmem:s19], [sflag:$0x4], $0x2000, $0x38;
	[tilespmem:$0x1F000] =	vst v63  }
0x29: {  	_ =	swait.ge [sflag:s18], $0x2000  }
0x2a: {  	[sflag:s18] =	ssyncset.done $0x0  }
0x2b: {  	[sflag:s18] =	ssyncadd.s32 $0xFFFFE000  }
0x2c: {  	[spmem:s7] =	stream.linear.scatter [tilespmem:s19], [sflag:$0x4], $0x2000, $0x38;
	[tilespmem:$0x1F000] =	vst v63  }
0x2d: {  	_ =	swait.ge [sflag:s18], $0x2000  }
0x2e: {  	[sflag:s18] =	ssyncset.done $0x0  }
0x2f: {  	[sflag:s18] =	ssyncadd.s32 $0xFFFFE000  }
0x30: {  	[spmem:s8] =	stream.linear.scatter [tilespmem:s19], [sflag:$0x4], $0x2000, $0x38;
	[tilespmem:$0x1F000] =	vst v63  }
0x31: {  	_ =	swait.ge [sflag:s18], $0x2000  }
0x32: {  	[sflag:s18] =	ssyncset.done $0x0  }
0x33: {  	[sflag:s18] =	ssyncadd.s32 $0xFFFFE000  }
0x34: {  	[spmem:s9] =	stream.linear.scatter [tilespmem:s19], [sflag:$0x4], $0x2000, $0x38;
	[tilespmem:$0x1F000] =	vst v63  }
0x35: {  	_ =	swait.ge [sflag:s18], $0x2000  }
0x36: {  	[sflag:s18] =	ssyncset.done $0x0  }
0x37: {  	[sflag:s18] =	ssyncadd.s32 $0xFFFFE000  }
0x38: {  	[spmem:s10] =	stream.linear.scatter [tilespmem:s19], [sflag:$0x4], $0x2000, $0x38;
	[tilespmem:$0x1F000] =	vst v63  }
0x39: {  	_ =	swait.ge [sflag:s18], $0x2000  }
0x3a: {  	[sflag:s18] =	ssyncset.done $0x0  }
0x3b: {  	[sflag:s18] =	ssyncadd.s32 $0xFFFFE000  }
0x3c: {  	[spmem:s11] =	stream.linear.scatter [tilespmem:s19], [sflag:$0x4], $0x2000, $0x38;
	[tilespmem:$0x1F000] =	vst v63  }
0x3d: {  	_ =	swait.ge [sflag:s18], $0x2000  }
0x3e: {  	[sflag:s18] =	ssyncset.done $0x0  }
0x3f: {  	[sflag:s18] =	ssyncadd.s32 $0xFFFFE000  }
0x40: {  	[spmem:s12] =	stream.linear.scatter [tilespmem:s19], [sflag:$0x4], $0x2000, $0x38;
	[tilespmem:$0x1F000] =	vst v63  }
0x41: {  	_ =	swait.ge [sflag:s18], $0x2000  }
0x42: {  	[sflag:s18] =	ssyncset.done $0x0  }
0x43: {  	[sflag:s18] =	ssyncadd.s32 $0xFFFFE000  }
0x44: {  	[spmem:s13] =	stream.linear.scatter [tilespmem:s19], [sflag:$0x4], $0x2000, $0x38;
	[tilespmem:$0x1F000] =	vst v63  }
0x45: {  	_ =	swait.ge [sflag:s18], $0x2000  }
0x46: {  	[sflag:s18] =	ssyncset.done $0x0  }
0x47: {  	[sflag:s18] =	ssyncadd.s32 $0xFFFFE000  }
0x48: {  	[spmem:s14] =	stream.linear.scatter [tilespmem:s19], [sflag:$0x4], $0x2000, $0x38;
	[tilespmem:$0x1F000] =	vst v63  }
0x49: {  	_ =	swait.ge [sflag:s18], $0x2000  }
0x4a: {  	[sflag:s18] =	ssyncset.done $0x0  }
0x4b: {  	[sflag:s18] =	ssyncadd.s32 $0xFFFFE000  }
0x4c: {  	[spmem:s15] =	stream.linear.scatter [tilespmem:s19], [sflag:$0x4], $0x2000, $0x38;
	[tilespmem:$0x1F000] =	vst v63  }
0x4d: {  	_ =	swait.ge [sflag:s18], $0x2000  }
0x4e: {  	[sflag:s18] =	ssyncset.done $0x0  }
0x4f: {  	s22 =	simm.s32 $0x0;
	[sflag:s18] =	ssyncadd.s32 $0xFFFFE000  }
0x50: {  	v1 =	vld [tilespmem:s22+$0x0]  }
0x51: {  	v4 =	vld [tilespmem:s22+$0x10]  }
0x52: {  	v5 =	vld [tilespmem:s22+$0x20]  }
0x53: {  	v6 =	vld [tilespmem:s22+$0x30];
	_ =	sdelay $0x1  }
0x54: {  	v2 =	vand.u32 $0x3FFF, v1  }
0x55: {  	[tilespmem:s22+$0x0] =	vst v2;
	v2 =	vand.u32 $0x3FFF, v4  }
0x56: {  	s0 =	simm.s32 $0x40;
	v3 =	vand.u32 $0x3FFF, v5;
	[tilespmem:s22+$0x10] =	vst v2  }
0x57: {  	v7 =	vand.u32 $0x3FFF, v6;
	v2 =	vld [tilespmem:s0+$0x0];
	[tilespmem:s22+$0x20] =	vst v3  }
0x58: {  	v3 =	vld [tilespmem:s0+$0x10];
	[tilespmem:s22+$0x30] =	vst v7;
	v7 =	vshrl.u32 v1, $0xE  }
0x59: {  	s28 =	simm.s32 $0x200;
	v5 =	vshrl.u32 v5, $0xE;
	v6 =	vshrl.u32 v6, $0xE;
	v4 =	vshrl.u32 v4, $0xE;
	v1 =	vld [tilespmem:s0+$0x20];
	[tilespmem:s22+$0x2800] =	vst v7  }
.LBB2_4:
0x5a: {  	p0 =	sne.s32 s28, $0x9F00;
	v7 =	vld [tilespmem:s0+$0x30];
	[tilespmem:s22+$0x2810] =	vst v4  }
0x5b: {  	[tilespmem:s22+$0x2820] =	vst v5  }
0x5c: {  	v8 =	vshrl.u32 v2, $0xE;
	v2 =	vand.u32 $0x3FFF, v2;
	[tilespmem:s22+$0x2830] =	vst v6;
	s22 =	smov.u32 s0  }
.Ltmp1:
0x5d: {  	[tilespmem:s22+$0x0] =	vst v2;
	v4 =	vshrl.u32 v3, $0xE;
	v2 =	vand.u32 $0x3FFF, v3;
	(pc) =	sbr.rel @p0 .LBB2_4-.Ltmp1, $4  }
0x5e: {  	s0 =	sshra.s32 s28, $0x2;
	[tilespmem:s22+$0x10] =	vst v2;
	v5 =	vshrl.u32 v1, $0xE;
	v1 =	vand.u32 $0x3FFF, v1  }
0x5f: {  	v2 =	vld [tilespmem:s0+$0x0];
	[tilespmem:s22+$0x20] =	vst v1;
	v6 =	vshrl.u32 v7, $0xE;
	v1 =	vand.u32 $0x3FFF, v7  }
0x60: {  	v3 =	vld [tilespmem:s0+$0x10];
	[tilespmem:s22+$0x30] =	vst v1  }
0x61: {  	s28 =	sadd.s32 $0x100, s28;
	v1 =	vld [tilespmem:s0+$0x20];
	[tilespmem:s22+$0x2800] =	vst v8  }
0x62: {  	v7 =	vld [tilespmem:s0+$0x30];
	[tilespmem:s22+$0x2810] =	vst v4  }
0x63: {  	[tilespmem:s22+$0x2820] =	vst v5  }
0x64: {  	[tilespmem:s22+$0x2830] =	vst v6;
	v60 =	vand.u32 $0x3FFF, v2  }
0x65: {  	v2 =	vshrl.u32 v2, $0xE;
	[tilespmem:s0+$0x0] =	vst v60  }
0x66: {  	v61 =	vand.u32 $0x3FFF, v3;
	[tilespmem:s0+$0x2800] =	vst v2  }
0x67: {  	v3 =	vshrl.u32 v3, $0xE;
	[tilespmem:s0+$0x10] =	vst v61  }
0x68: {  	v62 =	vand.u32 $0x3FFF, v1;
	[tilespmem:s0+$0x2810] =	vst v3  }
0x69: {  	v1 =	vshrl.u32 v1, $0xE;
	[tilespmem:s0+$0x20] =	vst v62  }
0x6a: {  	v63 =	vand.u32 $0x3FFF, v7;
	[tilespmem:s0+$0x2820] =	vst v1  }
0x6b: {  	v2 =	vshrl.u32 v7, $0xE;
	[tilespmem:s0+$0x30] =	vst v63  }
0x6c: {  	[tilespmem:s0+$0x2830] =	vst v2  }
0x6d: {  	s28 =	simm.s32 $0x0;
	[bflag:$0x0] =	sbarrier.arrive $0xFFFF  }
0x6e: {  	[tilespmem:s19], [sflag:$0x1] =	stream.indirect.gather [hbm4b:s4+s20], $0x80, s28, s20, $0xb8;
	[tilespmem:$0x1F000] =	vst v63  }
0x6f: {  	_ = 	snop  }
0x70: {  	[tilespmem:s21], [sflag:$0x2] =	stream.indirect.gather [hbm4b:s4+s20], $0x80, s20, s20, $0xb8;
	[tilespmem:$0x1F000] =	vst v63  }
0x71: {  	s22 =	simm.s32 $0x80  }
0x72: {  	[tilespmem:s23], [sflag:$0x3] =	stream.indirect.gather [hbm4b:s4+s20], $0x80, s22, s20, $0xb8;
	[tilespmem:$0x1F000] =	vst v63  }
0x73: {  	_ =	swait.ge [sflag:s24], $0x2000  }
0x74: {  	[sflag:s24] =	ssyncset.done $0x0  }
0x75: {  	s28 =	simm.s32 $0x2800;
	[sflag:s24] =	ssyncadd.s32 $0xFFFFE000  }
0x76: {  	[spmem:s2] =	stream.indirect.scatter.add.f32 [tilespmem:s19], [sflag:$0x4], $0x80, s28, s20, $0xb8;
	[tilespmem:$0x1F000] =	vst v63  }
0x77: {  	_ =	swait.ge [sflag:s18], $0x2000  }
0x78: {  	[sflag:s18] =	ssyncset.done $0x0  }
0x79: {  	s22 =	simm.s32 $0xC0;
	[sflag:s18] =	ssyncadd.s32 $0xFFFFE000  }
0x7a: {  	[tilespmem:s19], [sflag:$0x1] =	stream.indirect.gather [hbm4b:s4+s20], $0x80, s22, s20, $0xb8;
	[tilespmem:$0x1F000] =	vst v63  }
0x7b: {  	_ =	swait.ge [sflag:s25], $0x2000  }
0x7c: {  	[sflag:s25] =	ssyncset.done $0x0  }
0x7d: {  	s28 =	simm.s32 $0x2840;
	[sflag:s25] =	ssyncadd.s32 $0xFFFFE000  }
0x7e: {  	[spmem:s2] =	stream.indirect.scatter.add.f32 [tilespmem:s21], [sflag:$0x4], $0x80, s28, s20, $0xb8;
	[tilespmem:$0x1F000] =	vst v63  }
0x7f: {  	_ =	swait.ge [sflag:s18], $0x2000  }
0x80: {  	[sflag:s18] =	ssyncset.done $0x0  }
0x81: {  	s22 =	simm.s32 $0x100;
	[sflag:s18] =	ssyncadd.s32 $0xFFFFE000  }
0x82: {  	[tilespmem:s21], [sflag:$0x2] =	stream.indirect.gather [hbm4b:s4+s20], $0x80, s22, s20, $0xb8;
	[tilespmem:$0x1F000] =	vst v63  }
0x83: {  	_ =	swait.ge [sflag:s26], $0x2000  }
0x84: {  	[sflag:s26] =	ssyncset.done $0x0  }
0x85: {  	s28 =	simm.s32 $0x2880;
	[sflag:s26] =	ssyncadd.s32 $0xFFFFE000  }
0x86: {  	[spmem:s2] =	stream.indirect.scatter.add.f32 [tilespmem:s23], [sflag:$0x4], $0x80, s28, s20, $0xb8;
	[tilespmem:$0x1F000] =	vst v63  }
0x87: {  	_ =	swait.ge [sflag:s18], $0x2000  }
0x88: {  	[sflag:s18] =	ssyncset.done $0x0  }
0x89: {  	s0 =	simm.s32 $0x300;
	s22 =	simm.s32 $0x140;
	[sflag:s18] =	ssyncadd.s32 $0xFFFFE000  }
.LBB2_6:
0x8a: {  	[tilespmem:s23], [sflag:$0x3] =	stream.indirect.gather [hbm4b:s4+s20], $0x80, s22, s20, $0xb8;
	[tilespmem:$0x1F000] =	vst v63  }
0x8b: {  	s22 =	smov.u32 s0  }
0x8c: {  	p0 =	sne.s32 s0, $0x9900;
	s0 =	sadd.s32 $0x300, s0;
	_ =	swait.ge [sflag:s24], $0x2000  }
0x8d: {  	s22 =	sshra.s32 s22, $0x2;
	[sflag:s24] =	ssyncset.done $0x0  }
0x8e: {  	s28 =	sadd.s32 $0x2800, s22;
	[sflag:s24] =	ssyncadd.s32 $0xFFFFE000  }
0x8f: {  	[spmem:s2] =	stream.indirect.scatter.add.f32 [tilespmem:s19], [sflag:$0x4], $0x80, s28, s20, $0xb8;
	[tilespmem:$0x1F000] =	vst v63  }
0x90: {  	_ =	swait.ge [sflag:s18], $0x2000  }
0x91: {  	[sflag:s18] =	ssyncset.done $0x0  }
0x92: {  	s28 =	sadd.s32 $0xC0, s22;
	[sflag:s18] =	ssyncadd.s32 $0xFFFFE000  }
0x93: {  	[tilespmem:s19], [sflag:$0x1] =	stream.indirect.gather [hbm4b:s4+s20], $0x80, s28, s20, $0xb8;
	[tilespmem:$0x1F000] =	vst v63  }
0x94: {  	_ =	swait.ge [sflag:s25], $0x2000  }
0x95: {  	[sflag:s25] =	ssyncset.done $0x0  }
0x96: {  	s28 =	sadd.s32 $0x2840, s22;
	[sflag:s25] =	ssyncadd.s32 $0xFFFFE000  }
0x97: {  	[spmem:s2] =	stream.indirect.scatter.add.f32 [tilespmem:s21], [sflag:$0x4], $0x80, s28, s20, $0xb8;
	[tilespmem:$0x1F000] =	vst v63  }
0x98: {  	_ =	swait.ge [sflag:s18], $0x2000  }
0x99: {  	[sflag:s18] =	ssyncset.done $0x0  }
0x9a: {  	s28 =	sadd.s32 $0x100, s22;
	[sflag:s18] =	ssyncadd.s32 $0xFFFFE000  }
0x9b: {  	[tilespmem:s21], [sflag:$0x2] =	stream.indirect.gather [hbm4b:s4+s20], $0x80, s28, s20, $0xb8;
	[tilespmem:$0x1F000] =	vst v63  }
0x9c: {  	_ =	swait.ge [sflag:s26], $0x2000  }
0x9d: {  	[sflag:s26] =	ssyncset.done $0x0  }
.Ltmp2:
0x9e: {  	s28 =	sadd.s32 $0x2880, s22;
	[sflag:s26] =	ssyncadd.s32 $0xFFFFE000;
	(pc) =	sbr.rel @p0 .LBB2_6-.Ltmp2, $4  }
0x9f: {  	[spmem:s2] =	stream.indirect.scatter.add.f32 [tilespmem:s23], [sflag:$0x4], $0x80, s28, s20, $0xb8;
	[tilespmem:$0x1F000] =	vst v63  }
0xa0: {  	_ =	swait.ge [sflag:s18], $0x2000  }
0xa1: {  	[sflag:s18] =	ssyncset.done $0x0  }
0xa2: {  	s22 =	sadd.s32 $0x140, s22;
	[sflag:s18] =	ssyncadd.s32 $0xFFFFE000  }
0xa3: {  	[tilespmem:s23], [sflag:$0x3] =	stream.indirect.gather [hbm4b:s4+s20], $0x80, s22, s20, $0xb8;
	[tilespmem:$0x1F000] =	vst v63  }
0xa4: {  	_ =	swait.ge [sflag:s24], $0x2000  }
0xa5: {  	[sflag:s24] =	ssyncset.done $0x0  }
0xa6: {  	s0 =	simm.s32 $0x4F00;
	[sflag:s24] =	ssyncadd.s32 $0xFFFFE000  }
0xa7: {  	[spmem:s2] =	stream.indirect.scatter.add.f32 [tilespmem:s19], [sflag:$0x4], $0x80, s0, s20, $0xb8;
	[tilespmem:$0x1F000] =	vst v63  }
0xa8: {  	_ =	swait.ge [sflag:s18], $0x2000  }
0xa9: {  	[sflag:s18] =	ssyncset.done $0x0  }
0xaa: {  	[sflag:s18] =	ssyncadd.s32 $0xFFFFE000  }
0xab: {  	[tilespmem:s19], [sflag:$0x1] =	stream.indirect.gather [hbm4b:s4+s20], $0x80, s29, s20, $0xb8;
	[tilespmem:$0x1F000] =	vst v63  }
0xac: {  	_ =	swait.ge [sflag:s25], $0x2000  }
0xad: {  	[sflag:s25] =	ssyncset.done $0x0  }
0xae: {  	[sflag:s25] =	ssyncadd.s32 $0xFFFFE000  }
0xaf: {  	[spmem:s2] =	stream.indirect.scatter.add.f32 [tilespmem:s21], [sflag:$0x4], $0x80, s30, s20, $0xb8;
	[tilespmem:$0x1F000] =	vst v63  }
0xb0: {  	_ =	swait.ge [sflag:s18], $0x2000  }
0xb1: {  	[sflag:s18] =	ssyncset.done $0x0  }
0xb2: {  	[sflag:s18] =	ssyncadd.s32 $0xFFFFE000  }
0xb3: {  	_ =	swait.ge [sflag:s26], $0x2000  }
0xb4: {  	[sflag:s26] =	ssyncset.done $0x0  }
0xb5: {  	[sflag:s26] =	ssyncadd.s32 $0xFFFFE000  }
0xb6: {  	[spmem:s2] =	stream.indirect.scatter.add.f32 [tilespmem:s23], [sflag:$0x4], $0x80, s31, s20, $0xb8;
	[tilespmem:$0x1F000] =	vst v63  }
0xb7: {  	_ =	swait.ge [sflag:s18], $0x2000  }
0xb8: {  	[sflag:s18] =	ssyncset.done $0x0  }
0xb9: {  	[sflag:s18] =	ssyncadd.s32 $0xFFFFE000  }
0xba: {  	_ =	swait.ge [sflag:s24], $0x2000  }
0xbb: {  	[sflag:s24] =	ssyncset.done $0x0  }
0xbc: {  	[sflag:s24] =	ssyncadd.s32 $0xFFFFE000  }
0xbd: {  	[spmem:s2] =	stream.indirect.scatter.add.f32 [tilespmem:s19], [sflag:$0x4], $0x80, s1, s20, $0xb8;
	[tilespmem:$0x1F000] =	vst v63  }
0xbe: {  	s22 =	stileid.u32;
	_ =	swait.ge [sflag:s18], $0x2000  }
0xbf: {  	s28 =	sshrl.u32 s6, $0x3;
	s3 =	sadd.s32 $0x1, s3;
	[sflag:s18] =	ssyncset.done $0x0  }
0xc0: {  	p0 =	sne.s32 s3, s17;
	s0 =	sshll.u32 s22, $0x6;
	[sflag:s18] =	ssyncadd.s32 $0xFFFFE000  }
.Ltmp3:
0xc1: {  	s0 =	sor.u32 $0x1C04, s0;
	[bflag:$0x0] =	sbarrier.arrive $0xFFFF;
	(pc) =	sbr.rel @p0 .LBB2_1-.Ltmp3, $4  }
0xc2: {  	[hbm:s16], [sflag:s0] =	dma.local [spmem:s28], $0x2800  }
0xc3: {  	_ =	swait.ge [sflag:s18], $0x2800  }
0xc4: {  	[sflag:s18] =	ssyncset.done $0x0  }
0xc5: {  	[sflag:s18] =	ssyncadd.s32 $0xFFFFD800  }
0xc6: {  	_ =	sfence.sel $0x180000  }
0xc7: {  	[bflag:$0x0] =	sbarrier.arrive $0xFFFF  }
0xc8: {  	_ =	strace $0x9000004A  }
0xc9: {  	s0 =	stileid.u32;
	[bflag:$0x2] =	sbarrier.arrive $0xFFFF  }
0xca: {  	p0 =	sne.s32 s0, $0x0;
	s0 =	rddreg [dreg:$0x3]  }
0xcb: {  	s0 =	sadd.s32 @!p0 $0x100000, s0  }
0xcc: {  	[sflag:s0] =	ssyncadd.tile.s32 @!p0 $0x1;
	_ =	shalt  }
.Lfunc_end2:
_tile_overlayer_lowered:
.L_overlay_start_2:
0xcd: {  	(tag) =	ssettag $0x2  }
0xce: {  	s0 =	rddreg [dreg:$0x0];
	s2 =	stileid.u32  }
0xcf: {  	s1 =	rddreg [dreg:$0x1];
	p0 =	sne.s32 s2, $0x0  }
0xd0: {  	s3 =	rddreg [dreg:$0x2];
	[bflag:$0x3] =	sbarrier.arrive $0xFFFF;
	s2 =	simm.s32 @!p0 $0x1C04  }
0xd1: {  	[timem:s3], [sflag:s2] =	dma.local @!p0 [hbm:s0], s1  }
0xd2: {  	s0 =	simm.s32 @!p0 $0x4  }
0xd3: {  	_ =	swait.ge @!p0 [sflag:s0], s1  }
0xd4: {  	s1 =	ssub.s32 @!p0 $0x0, s1;
	[sflag:s0] =	ssyncset.done @!p0 $0x0  }
0xd5: {  	[sflag:s0] =	ssyncadd.s32 @!p0 s1  }
0xd6: {  	[bflag:$0x3] =	sbarrier.arrive $0xFFFF  }
0xd7: {  	_ =	shalt  }

// kernel: kernel.14.cloned.1.call-start
scs
__scs_entry_jumppad:
0x0: {  	(pc) =	sbr.rel $0x88, $3  }
0x1: {  	(tag) =	ssettag $0x0;
	lr =	simm.s32 $0x1  }
0x2: {  	[smem:$0x3F9B] =	sst lr;
	_ =	strace $0xD0000000  }
0x3: {  	_ = 	snop  }
0x4: {  	_ = 	snop  }
0x5: {  	_ = 	snop  }
0x6: {  	_ = 	snop  }
0x7: {  	_ = 	snop  }
__scs_overlays_trampoline_lowered:
0x8: {  	[smem:$0x3FAA] =	sst s0  }
0x9: {  	[smem:$0x3FAB] =	sst s1  }
0xa: {  	[smem:$0x3FAC] =	sst s2  }
0xb: {  	[smem:$0x3FAD] =	sst s3  }
0xc: {  	[smem:$0x3FAE] =	sst s4  }
0xd: {  	[smem:$0x3FAF] =	sst s5  }
0xe: {  	[smem:$0x3FB0] =	sst s6  }
0xf: {  	[smem:$0x3FB1] =	sst s7  }
0x10: {  	[smem:$0x3FB2] =	sst s8  }
0x11: {  	[smem:$0x3FB3] =	sst s9;
	s0 =	simm.s32 @!p0 $0x0  }
0x12: {  	s1 =	sld [smem:$0x3F99];
	s0 =	simm.s32 @p0 $0x1  }
0x13: {  	[smem:$0x3FB4] =	sst s0;
	s0 =	simm.s32 @!p1 $0x0  }
0x14: {  	s2 =	sld [smem:$0x3F98];
	s0 =	simm.s32 @p1 $0x1  }
0x15: {  	[smem:$0x3FB5] =	sst s0;
	s0 =	simm.s32 @!p2 $0x0  }
0x16: {  	s3 =	sld [smem:$0x3FDB];
	s0 =	simm.s32 @p2 $0x1  }
0x17: {  	s4 =	simm.s32 $0x1BF5;
	[smem:$0x3FB7] =	sst s0  }
0x18: {  	s0 =	sld [smem:$0x3F9A];
	_ =	swait.ge [sflag:s4], $0x0  }
0x19: {  	s7 =	sld [smem:$0x3F9B]  }
0x1a: {  	s8 =	sadd.s32 $0xFFFFE003, lr  }
0x1b: {  	s9 =	sadd.s32 $0xFFFFFEF7, lr;
	s5 =	simm.s32 $0xFFFFFFFF;
	p2 =	slt.u32 s8, $0xFFFFF086  }
0x1c: {  	p1 =	slt.u32 s9, $0xF7A;
	s5 =	simm.s32 @!p2 $0x0  }
0x1d: {  	s5 =	simm.s32 @p1 $0x1;
	p0 =	seq.s32 s7, s2  }
0x1e: {  	s7 =	smul.u32 @!p0 $0xF7A, s2;
	p2 =	seq.s32 @!p0 s5, $0x0  }
0x1f: {  	s9 =	smul.u32 $0xF7A, s1;
	s8 =	simm.s32 @!p0 $0x1BF5;
	p2 =	por !p2, p0  }
0x20: {  	[sflag:s8] =	ssyncset.s32 @!p0 $0xFFFFF086;
	s6 =	sadd.s32 @!p0 s3, s7;
	s7 =	simm.s32 @!p0 $0x108  }
0x21: {  	s3 =	sadd.s32 s3, s9;
	s6 =	sadd.s32 @!p0 $0x88, s6;
	s7 =	simm.s32 @p2 $0x1082  }
0x22: {  	[simem:s7], [sflag:s8] =	dma.local @!p0 [hbm:s6], $0xF7A  }
0x23: {  	s9 =	sor.u32 $0xD0000000, s2;
	s6 =	simm.s32 $0x108;
	_ =	swait.ge @!p0 [sflag:s8], $0x0  }
0x24: {  	s3 =	sadd.s32 $0x88, s3;
	s6 =	simm.s32 @!p1 $0x1082;
	[sflag:s4] =	ssyncset.s32 $0xFFFFF086  }
0x25: {  	[simem:s6], [sflag:s4] =	dma.local [hbm:s3], $0xF7A  }
0x26: {  	[smem:$0x3F9B] =	sst s1;
	(tag) =	ssettag s2;
	_ =	strace s9  }
0x27: {  	s1 =	sld [smem:$0x3FAB]  }
0x28: {  	s2 =	sld [smem:$0x3FAC]  }
0x29: {  	s4 =	sld [smem:$0x3FAE]  }
0x2a: {  	p0 =	seq.s32 s5, $0x0;
	s5 =	sld [smem:$0x3FAF]  }
0x2b: {  	s6 =	sld [smem:$0x3FB0]  }
0x2c: {  	s7 =	sld [smem:$0x3FB1]  }
0x2d: {  	s3 =	simm.s32 $0x108;
	s8 =	sld [smem:$0x3FB2]  }
0x2e: {  	s3 =	simm.s32 @!p0 $0x1082;
	s9 =	sld [smem:$0x3FB3]  }
0x2f: {  	lr =	sadd.s32 s0, s3;
	s0 =	sld [smem:$0x3FAA]  }
0x30: {  	s3 =	sld [smem:$0x3FAD]  }
0x31: {  	[smem:$0x3FB6] =	sst s10  }
0x32: {  	s10 =	sld [smem:$0x3FB4];
	_ =	sdelay $0x3  }
0x33: {  	p0 =	seq.s32 s10, $0x1;
	s10 =	sld [smem:$0x3FB6];
	_ =	sdelay $0x3  }
0x34: {  	[smem:$0x3FB6] =	sst s10  }
0x35: {  	s10 =	sld [smem:$0x3FB5];
	_ =	sdelay $0x3  }
0x36: {  	p1 =	seq.s32 s10, $0x1;
	s10 =	sld [smem:$0x3FB6];
	_ =	sdelay $0x3  }
0x37: {  	[smem:$0x3FB6] =	sst s10  }
0x38: {  	s10 =	sld [smem:$0x3FB7]  }
0x39: {  	_ = 	snop;
	(pc) =	sbr.ind lr, $3  }
0x3a: {  	_ = 	snop  }
0x3b: {  	_ = 	snop  }
0x3c: {  	p2 =	seq.s32 s10, $0x1;
	s10 =	sld [smem:$0x3FB6]  }
0x3d: {  	_ =	shalt  }
0x3e: {  	_ =	shalt  }
0x3f: {  	_ =	shalt  }
0x40: {  	_ =	shalt  }
0x41: {  	_ =	shalt  }
0x42: {  	_ =	shalt  }
0x43: {  	_ =	shalt  }
0x44: {  	_ =	shalt  }
0x45: {  	_ =	shalt  }
0x46: {  	_ =	shalt  }
0x47: {  	_ =	shalt  }
0x48: {  	_ =	shalt  }
0x49: {  	_ =	shalt  }
0x4a: {  	_ =	shalt  }
0x4b: {  	_ =	shalt  }
0x4c: {  	_ =	shalt  }
0x4d: {  	_ =	shalt  }
0x4e: {  	_ =	shalt  }
0x4f: {  	_ =	shalt  }
0x50: {  	_ =	shalt  }
0x51: {  	_ =	shalt  }
0x52: {  	_ =	shalt  }
0x53: {  	_ =	shalt  }
0x54: {  	_ =	shalt  }
0x55: {  	_ =	shalt  }
0x56: {  	_ =	shalt  }
0x57: {  	_ =	shalt  }
0x58: {  	_ =	shalt  }
0x59: {  	_ =	shalt  }
0x5a: {  	_ =	shalt  }
0x5b: {  	_ =	shalt  }
0x5c: {  	_ =	shalt  }
0x5d: {  	_ =	shalt  }
0x5e: {  	_ =	shalt  }
0x5f: {  	_ =	shalt  }
0x60: {  	_ =	shalt  }
0x61: {  	_ =	shalt  }
0x62: {  	_ =	shalt  }
0x63: {  	_ =	shalt  }
0x64: {  	_ =	shalt  }
0x65: {  	_ =	shalt  }
0x66: {  	_ =	shalt  }
0x67: {  	_ =	shalt  }
0x68: {  	_ =	shalt  }
0x69: {  	_ =	shalt  }
0x6a: {  	_ =	shalt  }
0x6b: {  	_ =	shalt  }
0x6c: {  	_ =	shalt  }
0x6d: {  	_ =	shalt  }
0x6e: {  	_ =	shalt  }
0x6f: {  	_ =	shalt  }
0x70: {  	_ =	shalt  }
0x71: {  	_ =	shalt  }
0x72: {  	_ =	shalt  }
0x73: {  	_ =	shalt  }
0x74: {  	_ =	shalt  }
0x75: {  	_ =	shalt  }
0x76: {  	_ =	shalt  }
0x77: {  	_ =	shalt  }
0x78: {  	_ =	shalt  }
0x79: {  	_ =	shalt  }
0x7a: {  	_ =	shalt  }
0x7b: {  	_ =	shalt  }
0x7c: {  	_ =	shalt  }
0x7d: {  	_ =	shalt  }
0x7e: {  	_ =	shalt  }
0x7f: {  	_ =	shalt  }
0x80: {  	_ =	shalt  }
0x81: {  	_ =	shalt  }
0x82: {  	_ =	shalt  }
0x83: {  	_ =	shalt  }
0x84: {  	_ =	shalt  }
0x85: {  	_ =	shalt  }
0x86: {  	_ =	shalt  }
0x87: {  	_ =	shalt  }
.Lfunc_end0:
.L_simem_size_0:
called_computation.2_lowered:
.L_overlay_start_0:
0x88: {  	s2 =	sld [smem:$0x3FD9]  }
0x89: {  	s3 =	sld [smem:$0x3FFE];
	_ =	sdelay $0x1  }
0x8a: {  	s1 =	srdreg.scid  }
0x8b: {  	s0 =	sand.u32 $0x1, s1  }
0x8c: {  	s17 =	sshll.u32 s0, $0xA;
	s2 =	sadd.s32 s3, s2  }
0x8d: {  	s2 =	sadd.s32 s2, s17  }
0x8e: {  	[smem:$0x3FC2] =	sst s2  }
0x8f: {  	_ = 	snop  }
0x90: {  	s2 =	sld [smem:$0x3FD0];
	(tm) =	ssettm $0x1  }
0x91: {  	s18 =	sld [smem:$0x3FFB];
	_ =	sdelay $0x3  }
0x92: {  	_ =	strace s18  }
0x93: {  	s3 =	sld [smem:$0x3FFC];
	_ =	sdelay $0x3  }
0x94: {  	_ =	strace s3  }
0x95: {  	s3 =	sld [smem:$0x3FFD];
	_ =	sdelay $0x3  }
0x96: {  	_ =	strace s3  }
0x97: {  	_ =	strace $0x8FFFFFFF  }
0x98: {  	s19 =	sld [smem:$0x3FDB];
	_ =	sdelay $0x1  }
0x99: {  	s4 =	simm.s32 $_scs_section_size  }
0x9a: {  	s5 =	simm.s32 $_size__tile_overlayer_lowered;
	s6 =	simm.s32 $_tile_overlayer_lowered  }
0x9b: {  	s22 =	simm.s32 $0x1BFF;
	s21 =	sshll.u32 s6, $0x1;
	s3 =	sadd.s32 s4, s19  }
0x9c: {  	s7 =	simm.s32 $0x0;
	s20 =	sshll.u32 s5, $0x1;
	s5 =	sadd.s32 s21, s3  }
0x9d: {  	[timem:s7], [sflag:s22] =	dma.local [hbm:s5], s20  }
0x9e: {  	_ =	swait.ge [sflag:s22], s20  }
0x9f: {  	s4 =	ssub.s32 $0x0, s20;
	[sflag:s22] =	ssyncset.done $0x0  }
0xa0: {  	[sflag:s22] =	ssyncadd.s32 s4;
	_ =	sdelay $0x1  }
0xa1: {  	s23 =	simm.s32 $0x1B8B  }
0xa2: {  	_ =	swait.ge [sflag:s23], $0x1  }
0xa3: {  	[sflag:s23] =	ssyncset.done $0x0  }
0xa4: {  	s25 =	simm.s32 $0x1B8E;
	s24 =	sld [smem:$0x3FFE];
	[sflag:s23] =	ssyncadd.s32 $0xFFFFFFFF  }
0xa5: {  	s26 =	simm.s32 $execute0_lowered;
	[smem:$0x3FD2] =	sst s25  }
0xa6: {  	s5 =	sshll.u32 s26, $0x1;
	_ =	strace $0x8000004C;
	[dreg:$0x1] =	wrdreg $0xFFFFFFFF  }
0xa7: {  	s28 =	simm.s32 $_size_execute0_lowered;
	s3 =	sadd.s32 s3, s5;
	[dreg:$0x0] =	wrdreg $0x0  }
0xa8: {  	s5 =	sshll.u32 s28, $0x1;
	[dreg:$0x2] =	wrdreg s3  }
0xa9: {  	[dreg:$0x3] =	wrdreg s5  }
0xaa: {  	[dreg:$0x4] =	wrdreg $0xC0  }
0xab: {  	_ =	task [dreg:s7], $0x5FFFF  }
0xac: {  	[dreg:$0x1] =	wrdreg $0xFFFFFFFF  }
0xad: {  	[dreg:$0x0] =	wrdreg $0x60  }
0xae: {  	[dreg:$0x2] =	wrdreg s24  }
0xaf: {  	[dreg:$0x3] =	wrdreg s2  }
0xb0: {  	[dreg:$0x4] =	wrdreg $0xB0000  }
0xb1: {  	[dreg:$0x5] =	wrdreg $0x9  }
0xb2: {  	_ =	task.clear_ibuf [dreg:s7], $0x6FFFF;
	_ =	strace $0x9000004C  }
0xb3: {  	s29 =	simm.s32 $0x9;
	_ =	strace $0x8000004E  }
0xb4: {  	_ =	swait.ge [sflag:s29], $0x1  }
0xb5: {  	[sflag:s29] =	ssyncadd.s32 $0xFFFFFFFF  }
0xb6: {  	_ =	strace $0x9000004E  }
0xb7: {  	_ =	sfence  }
0xb8: {  	s30 =	sld [smem:$0x0];
	_ =	sdelay $0x2  }
0xb9: {  	s31 =	sshll.u32 s1, $0xD;
	s1 =	sshrl.u32 s1, $0x2  }
0xba: {  	s3 =	sand.u32 $0x4000, s31;
	s1 =	sadd.s32 s1, s30  }
0xbb: {  	s0 =	sor.u32 s3, s0;
	s1 =	sshll.u32 s1, $0x11  }
0xbc: {  	s0 =	sor.u32 s1, s0  }
0xbd: {  	s0 =	sadd.s32 $0x8F2B, s0  }
0xbe: {  	[sflag:s0] =	ssyncadd.remote.s32 $0x1  }
0xbf: {  	_ =	sfence.sel $0xFFFF  }
0xc0: {  	[dreg:$0x0] =	wrdreg $0xFFFFFFFF;
	(pc) =	sbr.abs _section_cstart, $3  }
0xc1: {  	[dreg:$0x1] =	wrdreg $0xFFFFFFFF  }
0xc2: {  	_ =	task.clear_ibuf [dreg:s7], $0x2FFFF;
	_ =	strace $0x9FFFFFFF  }
0xc3: {  	(tm) =	ssettm $0x7FFFFFFF  }
tec
execute0_lowered:
.L_overlay_start_1:
0x0: {  	(tag) =	ssettag $0x1  }
0x1: {  	s0 =	rddreg [dreg:$0x0]  }
0x2: {  	s1 =	rddreg [dreg:$0x1];
	s3 =	srdreg.scid  }
0x3: {  	s9 =	stileid.u32;
	s2 =	rddreg [dreg:$0x2];
	s5 =	simm.s32 $0x0  }
0x4: {  	s18 =	simm.s32 $0x4;
	s19 =	simm.s32 $0x5000;
	s6 =	smul.u32 $0x14000, s9  }
0x5: {  	s20 =	simm.s32 $0x40;
	s21 =	simm.s32 $0x7000;
	s8 =	smul.u32 $0x2800, s9  }
0x6: {  	s23 =	simm.s32 $0x9000;
	s3 =	sand.u32 $0x1, s3;
	s9 =	smul.u32 $0x50000, s9  }
0x7: {  	s29 =	simm.s32 $0x27C0;
	s30 =	simm.s32 $0x4F40;
	s4 =	smul.u32 $0x140000, s3  }
0x8: {  	[smem:$0x7FF] =	sst s5;
	s24 =	smul.u32 $0x28000, s3;
	s3 =	ssub.s32 $0x2, s3  }
0x9: {  	s31 =	simm.s32 $0x4F80;
	_ =	strace $0x8000004D;
	s25 =	sshrl.u32 s3, $0x1  }
0xa: {  	s26 =	sshrl.u32 s9, $0x2;
	s7 =	sadd.s32 s6, s4;
	s4 =	sadd.s32 $0x2200, s0  }
0xb: {  	s5 =	sadd.s32 s8, s24;
	s3 =	ssub.s32 s3, s25;
	s28 =	sadd.s32 s26, s2  }
0xc: {  	s6 =	sadd.s32 s6, s2;
	s24 =	simm.s32 $0x1;
	s25 =	simm.s32 $0x2  }
0xd: {  	s26 =	simm.s32 $0x3;
	s7 =	sshrl.u32 s7, $0x3;
	s5 =	sshrl.u32 s5, $0x3  }
0xe: {  	s8 =	sadd.s32 $0x4000, s28;
	s9 =	sadd.s32 $0x6000, s28;
	s10 =	sadd.s32 $0x8000, s28  }
0xf: {  	s11 =	sadd.s32 $0xA000, s28;
	s12 =	sadd.s32 $0xC000, s28;
	s13 =	sadd.s32 $0xE000, s28  }
0x10: {  	s14 =	sadd.s32 $0x10000, s28;
	s15 =	sadd.s32 $0x12000, s28;
	s17 =	smax.u32 s3, $0x1  }
0x11: {  	s3 =	simm.s32 $0x0;
	s0 =	sadd.s32 s7, s0;
	s5 =	sadd.s32 s1, s5  }
0x12: {  	v0 =	vimm.f32 $0.0e+00;
	s7 =	sadd.s32 $0x2000, s28;
	s1 =	simm.s32 $0x4FC0;
	s16 =	sadd.s32 $0x2A200, s0  }
.LBB2_1:
0x13: {  	s0 =	simm.s32 $0x0  }
0x14: {  	[tilespmem:s0], [sflag:$0x4] =	stream.linear.gather [hbm4b:s5+s0], $0x2800, $0x38;
	[tilespmem:$0x1F000] =	vst v63  }
0x15: {  	_ =	swait.ge [sflag:s18], $0x2800  }
0x16: {  	[sflag:s18] =	ssyncset.done $0x0  }
0x17: {  	s22 =	simm.s32 $0x200;
	s0 =	simm.s32 $0x0;
	[sflag:s18] =	ssyncadd.s32 $0xFFFFD800  }
.LBB2_2:
0x18: {  	p0 =	sne.s32 s22, $0x7E00;
	[tilespmem:s0+$0x5070] =	vst v0  }
0x19: {  	[tilespmem:s0+$0x5000] =	vst v0  }
0x1a: {  	[tilespmem:s0+$0x5010] =	vst v0  }
.Ltmp0:
0x1b: {  	[tilespmem:s0+$0x5020] =	vst v0;
	(pc) =	sbr.rel @p0 .LBB2_2-.Ltmp0, $4  }
0x1c: {  	[tilespmem:s0+$0x5030] =	vst v0  }
0x1d: {  	[tilespmem:s0+$0x5040] =	vst v0  }
0x1e: {  	[tilespmem:s0+$0x5050] =	vst v0  }
0x1f: {  	[tilespmem:s0+$0x5060] =	vst v0;
	s0 =	sshra.s32 s22, $0x2;
	s22 =	sadd.s32 $0x200, s22  }
0x20: {  	[tilespmem:s0+$0x5070] =	vst v0  }
0x21: {  	[tilespmem:s0+$0x5000] =	vst v0  }
0x22: {  	[tilespmem:s0+$0x5010] =	vst v0  }
0x23: {  	[tilespmem:s0+$0x5020] =	vst v0  }
0x24: {  	[tilespmem:s0+$0x5030] =	vst v0  }
0x25: {  	[tilespmem:s0+$0x5040] =	vst v0  }
0x26: {  	[tilespmem:s0+$0x5050] =	vst v0  }
0x27: {  	[tilespmem:s0+$0x5060] =	vst v0  }
0x28: {  	[spmem:s6] =	stream.linear.scatter [tilespmem:s19], [sflag:$0x4], $0x2000, $0x38;
	[tilespmem:$0x1F000] =	vst v63  }
0x29: {  	_ =	swait.ge [sflag:s18], $0x2000  }
0x2a: {  	[sflag:s18] =	ssyncset.done $0x0  }
0x2b: {  	[sflag:s18] =	ssyncadd.s32 $0xFFFFE000  }
0x2c: {  	[spmem:s7] =	stream.linear.scatter [tilespmem:s19], [sflag:$0x4], $0x2000, $0x38;
	[tilespmem:$0x1F000] =	vst v63  }
0x2d: {  	_ =	swait.ge [sflag:s18], $0x2000  }
0x2e: {  	[sflag:s18] =	ssyncset.done $0x0  }
0x2f: {  	[sflag:s18] =	ssyncadd.s32 $0xFFFFE000  }
0x30: {  	[spmem:s8] =	stream.linear.scatter [tilespmem:s19], [sflag:$0x4], $0x2000, $0x38;
	[tilespmem:$0x1F000] =	vst v63  }
0x31: {  	_ =	swait.ge [sflag:s18], $0x2000  }
0x32: {  	[sflag:s18] =	ssyncset.done $0x0  }
0x33: {  	[sflag:s18] =	ssyncadd.s32 $0xFFFFE000  }
0x34: {  	[spmem:s9] =	stream.linear.scatter [tilespmem:s19], [sflag:$0x4], $0x2000, $0x38;
	[tilespmem:$0x1F000] =	vst v63  }
0x35: {  	_ =	swait.ge [sflag:s18], $0x2000  }
0x36: {  	[sflag:s18] =	ssyncset.done $0x0  }
0x37: {  	[sflag:s18] =	ssyncadd.s32 $0xFFFFE000  }
0x38: {  	[spmem:s10] =	stream.linear.scatter [tilespmem:s19], [sflag:$0x4], $0x2000, $0x38;
	[tilespmem:$0x1F000] =	vst v63  }
0x39: {  	_ =	swait.ge [sflag:s18], $0x2000  }
0x3a: {  	[sflag:s18] =	ssyncset.done $0x0  }
0x3b: {  	[sflag:s18] =	ssyncadd.s32 $0xFFFFE000  }
0x3c: {  	[spmem:s11] =	stream.linear.scatter [tilespmem:s19], [sflag:$0x4], $0x2000, $0x38;
	[tilespmem:$0x1F000] =	vst v63  }
0x3d: {  	_ =	swait.ge [sflag:s18], $0x2000  }
0x3e: {  	[sflag:s18] =	ssyncset.done $0x0  }
0x3f: {  	[sflag:s18] =	ssyncadd.s32 $0xFFFFE000  }
0x40: {  	[spmem:s12] =	stream.linear.scatter [tilespmem:s19], [sflag:$0x4], $0x2000, $0x38;
	[tilespmem:$0x1F000] =	vst v63  }
0x41: {  	_ =	swait.ge [sflag:s18], $0x2000  }
0x42: {  	[sflag:s18] =	ssyncset.done $0x0  }
0x43: {  	[sflag:s18] =	ssyncadd.s32 $0xFFFFE000  }
0x44: {  	[spmem:s13] =	stream.linear.scatter [tilespmem:s19], [sflag:$0x4], $0x2000, $0x38;
	[tilespmem:$0x1F000] =	vst v63  }
0x45: {  	_ =	swait.ge [sflag:s18], $0x2000  }
0x46: {  	[sflag:s18] =	ssyncset.done $0x0  }
0x47: {  	[sflag:s18] =	ssyncadd.s32 $0xFFFFE000  }
0x48: {  	[spmem:s14] =	stream.linear.scatter [tilespmem:s19], [sflag:$0x4], $0x2000, $0x38;
	[tilespmem:$0x1F000] =	vst v63  }
0x49: {  	_ =	swait.ge [sflag:s18], $0x2000  }
0x4a: {  	[sflag:s18] =	ssyncset.done $0x0  }
0x4b: {  	[sflag:s18] =	ssyncadd.s32 $0xFFFFE000  }
0x4c: {  	[spmem:s15] =	stream.linear.scatter [tilespmem:s19], [sflag:$0x4], $0x2000, $0x38;
	[tilespmem:$0x1F000] =	vst v63  }
0x4d: {  	_ =	swait.ge [sflag:s18], $0x2000  }
0x4e: {  	[sflag:s18] =	ssyncset.done $0x0  }
0x4f: {  	s22 =	simm.s32 $0x0;
	[sflag:s18] =	ssyncadd.s32 $0xFFFFE000  }
0x50: {  	v1 =	vld [tilespmem:s22+$0x0]  }
0x51: {  	v4 =	vld [tilespmem:s22+$0x10]  }
0x52: {  	v5 =	vld [tilespmem:s22+$0x20]  }
0x53: {  	v6 =	vld [tilespmem:s22+$0x30];
	_ =	sdelay $0x1  }
0x54: {  	v2 =	vand.u32 $0x3FFF, v1  }
0x55: {  	[tilespmem:s22+$0x0] =	vst v2;
	v2 =	vand.u32 $0x3FFF, v4  }
0x56: {  	s0 =	simm.s32 $0x40;
	v3 =	vand.u32 $0x3FFF, v5;
	[tilespmem:s22+$0x10] =	vst v2  }
0x57: {  	v7 =	vand.u32 $0x3FFF, v6;
	v2 =	vld [tilespmem:s0+$0x0];
	[tilespmem:s22+$0x20] =	vst v3  }
0x58: {  	v3 =	vld [tilespmem:s0+$0x10];
	[tilespmem:s22+$0x30] =	vst v7;
	v7 =	vshrl.u32 v1, $0xE  }
0x59: {  	s28 =	simm.s32 $0x200;
	v5 =	vshrl.u32 v5, $0xE;
	v6 =	vshrl.u32 v6, $0xE;
	v4 =	vshrl.u32 v4, $0xE;
	v1 =	vld [tilespmem:s0+$0x20];
	[tilespmem:s22+$0x2800] =	vst v7  }
.LBB2_4:
0x5a: {  	p0 =	sne.s32 s28, $0x9F00;
	v7 =	vld [tilespmem:s0+$0x30];
	[tilespmem:s22+$0x2810] =	vst v4  }
0x5b: {  	[tilespmem:s22+$0x2820] =	vst v5  }
0x5c: {  	v8 =	vshrl.u32 v2, $0xE;
	v2 =	vand.u32 $0x3FFF, v2;
	[tilespmem:s22+$0x2830] =	vst v6;
	s22 =	smov.u32 s0  }
.Ltmp1:
0x5d: {  	[tilespmem:s22+$0x0] =	vst v2;
	v4 =	vshrl.u32 v3, $0xE;
	v2 =	vand.u32 $0x3FFF, v3;
	(pc) =	sbr.rel @p0 .LBB2_4-.Ltmp1, $4  }
0x5e: {  	s0 =	sshra.s32 s28, $0x2;
	[tilespmem:s22+$0x10] =	vst v2;
	v5 =	vshrl.u32 v1, $0xE;
	v1 =	vand.u32 $0x3FFF, v1  }
0x5f: {  	v2 =	vld [tilespmem:s0+$0x0];
	[tilespmem:s22+$0x20] =	vst v1;
	v6 =	vshrl.u32 v7, $0xE;
	v1 =	vand.u32 $0x3FFF, v7  }
0x60: {  	v3 =	vld [tilespmem:s0+$0x10];
	[tilespmem:s22+$0x30] =	vst v1  }
0x61: {  	s28 =	sadd.s32 $0x100, s28;
	v1 =	vld [tilespmem:s0+$0x20];
	[tilespmem:s22+$0x2800] =	vst v8  }
0x62: {  	v7 =	vld [tilespmem:s0+$0x30];
	[tilespmem:s22+$0x2810] =	vst v4  }
0x63: {  	[tilespmem:s22+$0x2820] =	vst v5  }
0x64: {  	[tilespmem:s22+$0x2830] =	vst v6;
	v60 =	vand.u32 $0x3FFF, v2  }
0x65: {  	v2 =	vshrl.u32 v2, $0xE;
	[tilespmem:s0+$0x0] =	vst v60  }
0x66: {  	v61 =	vand.u32 $0x3FFF, v3;
	[tilespmem:s0+$0x2800] =	vst v2  }
0x67: {  	v3 =	vshrl.u32 v3, $0xE;
	[tilespmem:s0+$0x10] =	vst v61  }
0x68: {  	v62 =	vand.u32 $0x3FFF, v1;
	[tilespmem:s0+$0x2810] =	vst v3  }
0x69: {  	v1 =	vshrl.u32 v1, $0xE;
	[tilespmem:s0+$0x20] =	vst v62  }
0x6a: {  	v63 =	vand.u32 $0x3FFF, v7;
	[tilespmem:s0+$0x2820] =	vst v1  }
0x6b: {  	v2 =	vshrl.u32 v7, $0xE;
	[tilespmem:s0+$0x30] =	vst v63  }
0x6c: {  	[tilespmem:s0+$0x2830] =	vst v2  }
0x6d: {  	s28 =	simm.s32 $0x0;
	[bflag:$0x0] =	sbarrier.arrive $0xFFFF  }
0x6e: {  	[tilespmem:s19], [sflag:$0x1] =	stream.indirect.gather [hbm4b:s4+s20], $0x80, s28, s20, $0xb8;
	[tilespmem:$0x1F000] =	vst v63  }
0x6f: {  	_ = 	snop  }
0x70: {  	[tilespmem:s21], [sflag:$0x2] =	stream.indirect.gather [hbm4b:s4+s20], $0x80, s20, s20, $0xb8;
	[tilespmem:$0x1F000] =	vst v63  }
0x71: {  	s22 =	simm.s32 $0x80  }
0x72: {  	[tilespmem:s23], [sflag:$0x3] =	stream.indirect.gather [hbm4b:s4+s20], $0x80, s22, s20, $0xb8;
	[tilespmem:$0x1F000] =	vst v63  }
0x73: {  	_ =	swait.ge [sflag:s24], $0x2000  }
0x74: {  	[sflag:s24] =	ssyncset.done $0x0  }
0x75: {  	s28 =	simm.s32 $0x2800;
	[sflag:s24] =	ssyncadd.s32 $0xFFFFE000  }
0x76: {  	[spmem:s2] =	stream.indirect.scatter.add.f32 [tilespmem:s19], [sflag:$0x4], $0x80, s28, s20, $0xb8;
	[tilespmem:$0x1F000] =	vst v63  }
0x77: {  	_ =	swait.ge [sflag:s18], $0x2000  }
0x78: {  	[sflag:s18] =	ssyncset.done $0x0  }
0x79: {  	s22 =	simm.s32 $0xC0;
	[sflag:s18] =	ssyncadd.s32 $0xFFFFE000  }
0x7a: {  	[tilespmem:s19], [sflag:$0x1] =	stream.indirect.gather [hbm4b:s4+s20], $0x80, s22, s20, $0xb8;
	[tilespmem:$0x1F000] =	vst v63  }
0x7b: {  	_ =	swait.ge [sflag:s25], $0x2000  }
0x7c: {  	[sflag:s25] =	ssyncset.done $0x0  }
0x7d: {  	s28 =	simm.s32 $0x2840;
	[sflag:s25] =	ssyncadd.s32 $0xFFFFE000  }
0x7e: {  	[spmem:s2] =	stream.indirect.scatter.add.f32 [tilespmem:s21], [sflag:$0x4], $0x80, s28, s20, $0xb8;
	[tilespmem:$0x1F000] =	vst v63  }
0x7f: {  	_ =	swait.ge [sflag:s18], $0x2000  }
0x80: {  	[sflag:s18] =	ssyncset.done $0x0  }
0x81: {  	s22 =	simm.s32 $0x100;
	[sflag:s18] =	ssyncadd.s32 $0xFFFFE000  }
0x82: {  	[tilespmem:s21], [sflag:$0x2] =	stream.indirect.gather [hbm4b:s4+s20], $0x80, s22, s20, $0xb8;
	[tilespmem:$0x1F000] =	vst v63  }
0x83: {  	_ =	swait.ge [sflag:s26], $0x2000  }
0x84: {  	[sflag:s26] =	ssyncset.done $0x0  }
0x85: {  	s28 =	simm.s32 $0x2880;
	[sflag:s26] =	ssyncadd.s32 $0xFFFFE000  }
0x86: {  	[spmem:s2] =	stream.indirect.scatter.add.f32 [tilespmem:s23], [sflag:$0x4], $0x80, s28, s20, $0xb8;
	[tilespmem:$0x1F000] =	vst v63  }
0x87: {  	_ =	swait.ge [sflag:s18], $0x2000  }
0x88: {  	[sflag:s18] =	ssyncset.done $0x0  }
0x89: {  	s0 =	simm.s32 $0x300;
	s22 =	simm.s32 $0x140;
	[sflag:s18] =	ssyncadd.s32 $0xFFFFE000  }
.LBB2_6:
0x8a: {  	[tilespmem:s23], [sflag:$0x3] =	stream.indirect.gather [hbm4b:s4+s20], $0x80, s22, s20, $0xb8;
	[tilespmem:$0x1F000] =	vst v63  }
0x8b: {  	s22 =	smov.u32 s0  }
0x8c: {  	p0 =	sne.s32 s0, $0x9900;
	s0 =	sadd.s32 $0x300, s0;
	_ =	swait.ge [sflag:s24], $0x2000  }
0x8d: {  	s22 =	sshra.s32 s22, $0x2;
	[sflag:s24] =	ssyncset.done $0x0  }
0x8e: {  	s28 =	sadd.s32 $0x2800, s22;
	[sflag:s24] =	ssyncadd.s32 $0xFFFFE000  }
0x8f: {  	[spmem:s2] =	stream.indirect.scatter.add.f32 [tilespmem:s19], [sflag:$0x4], $0x80, s28, s20, $0xb8;
	[tilespmem:$0x1F000] =	vst v63  }
0x90: {  	_ =	swait.ge [sflag:s18], $0x2000  }
0x91: {  	[sflag:s18] =	ssyncset.done $0x0  }
0x92: {  	s28 =	sadd.s32 $0xC0, s22;
	[sflag:s18] =	ssyncadd.s32 $0xFFFFE000  }
0x93: {  	[tilespmem:s19], [sflag:$0x1] =	stream.indirect.gather [hbm4b:s4+s20], $0x80, s28, s20, $0xb8;
	[tilespmem:$0x1F000] =	vst v63  }
0x94: {  	_ =	swait.ge [sflag:s25], $0x2000  }
0x95: {  	[sflag:s25] =	ssyncset.done $0x0  }
0x96: {  	s28 =	sadd.s32 $0x2840, s22;
	[sflag:s25] =	ssyncadd.s32 $0xFFFFE000  }
0x97: {  	[spmem:s2] =	stream.indirect.scatter.add.f32 [tilespmem:s21], [sflag:$0x4], $0x80, s28, s20, $0xb8;
	[tilespmem:$0x1F000] =	vst v63  }
0x98: {  	_ =	swait.ge [sflag:s18], $0x2000  }
0x99: {  	[sflag:s18] =	ssyncset.done $0x0  }
0x9a: {  	s28 =	sadd.s32 $0x100, s22;
	[sflag:s18] =	ssyncadd.s32 $0xFFFFE000  }
0x9b: {  	[tilespmem:s21], [sflag:$0x2] =	stream.indirect.gather [hbm4b:s4+s20], $0x80, s28, s20, $0xb8;
	[tilespmem:$0x1F000] =	vst v63  }
0x9c: {  	_ =	swait.ge [sflag:s26], $0x2000  }
0x9d: {  	[sflag:s26] =	ssyncset.done $0x0  }
.Ltmp2:
0x9e: {  	s28 =	sadd.s32 $0x2880, s22;
	[sflag:s26] =	ssyncadd.s32 $0xFFFFE000;
	(pc) =	sbr.rel @p0 .LBB2_6-.Ltmp2, $4  }
0x9f: {  	[spmem:s2] =	stream.indirect.scatter.add.f32 [tilespmem:s23], [sflag:$0x4], $0x80, s28, s20, $0xb8;
	[tilespmem:$0x1F000] =	vst v63  }
0xa0: {  	_ =	swait.ge [sflag:s18], $0x2000  }
0xa1: {  	[sflag:s18] =	ssyncset.done $0x0  }
0xa2: {  	s22 =	sadd.s32 $0x140, s22;
	[sflag:s18] =	ssyncadd.s32 $0xFFFFE000  }
0xa3: {  	[tilespmem:s23], [sflag:$0x3] =	stream.indirect.gather [hbm4b:s4+s20], $0x80, s22, s20, $0xb8;
	[tilespmem:$0x1F000] =	vst v63  }
0xa4: {  	_ =	swait.ge [sflag:s24], $0x2000  }
0xa5: {  	[sflag:s24] =	ssyncset.done $0x0  }
0xa6: {  	s0 =	simm.s32 $0x4F00;
	[sflag:s24] =	ssyncadd.s32 $0xFFFFE000  }
0xa7: {  	[spmem:s2] =	stream.indirect.scatter.add.f32 [tilespmem:s19], [sflag:$0x4], $0x80, s0, s20, $0xb8;
	[tilespmem:$0x1F000] =	vst v63  }
0xa8: {  	_ =	swait.ge [sflag:s18], $0x2000  }
0xa9: {  	[sflag:s18] =	ssyncset.done $0x0  }
0xaa: {  	[sflag:s18] =	ssyncadd.s32 $0xFFFFE000  }
0xab: {  	[tilespmem:s19], [sflag:$0x1] =	stream.indirect.gather [hbm4b:s4+s20], $0x80, s29, s20, $0xb8;
	[tilespmem:$0x1F000] =	vst v63  }
0xac: {  	_ =	swait.ge [sflag:s25], $0x2000  }
0xad: {  	[sflag:s25] =	ssyncset.done $0x0  }
0xae: {  	[sflag:s25] =	ssyncadd.s32 $0xFFFFE000  }
0xaf: {  	[spmem:s2] =	stream.indirect.scatter.add.f32 [tilespmem:s21], [sflag:$0x4], $0x80, s30, s20, $0xb8;
	[tilespmem:$0x1F000] =	vst v63  }
0xb0: {  	_ =	swait.ge [sflag:s18], $0x2000  }
0xb1: {  	[sflag:s18] =	ssyncset.done $0x0  }
0xb2: {  	[sflag:s18] =	ssyncadd.s32 $0xFFFFE000  }
0xb3: {  	_ =	swait.ge [sflag:s26], $0x2000  }
0xb4: {  	[sflag:s26] =	ssyncset.done $0x0  }
0xb5: {  	[sflag:s26] =	ssyncadd.s32 $0xFFFFE000  }
0xb6: {  	[spmem:s2] =	stream.indirect.scatter.add.f32 [tilespmem:s23], [sflag:$0x4], $0x80, s31, s20, $0xb8;
	[tilespmem:$0x1F000] =	vst v63  }
0xb7: {  	_ =	swait.ge [sflag:s18], $0x2000  }
0xb8: {  	[sflag:s18] =	ssyncset.done $0x0  }
0xb9: {  	[sflag:s18] =	ssyncadd.s32 $0xFFFFE000  }
0xba: {  	_ =	swait.ge [sflag:s24], $0x2000  }
0xbb: {  	[sflag:s24] =	ssyncset.done $0x0  }
0xbc: {  	[sflag:s24] =	ssyncadd.s32 $0xFFFFE000  }
0xbd: {  	[spmem:s2] =	stream.indirect.scatter.add.f32 [tilespmem:s19], [sflag:$0x4], $0x80, s1, s20, $0xb8;
	[tilespmem:$0x1F000] =	vst v63  }
0xbe: {  	s22 =	stileid.u32;
	_ =	swait.ge [sflag:s18], $0x2000  }
0xbf: {  	s28 =	sshrl.u32 s6, $0x3;
	s3 =	sadd.s32 $0x1, s3;
	[sflag:s18] =	ssyncset.done $0x0  }
0xc0: {  	p0 =	sne.s32 s3, s17;
	s0 =	sshll.u32 s22, $0x6;
	[sflag:s18] =	ssyncadd.s32 $0xFFFFE000  }
.Ltmp3:
0xc1: {  	s0 =	sor.u32 $0x1C04, s0;
	[bflag:$0x0] =	sbarrier.arrive $0xFFFF;
	(pc) =	sbr.rel @p0 .LBB2_1-.Ltmp3, $4  }
0xc2: {  	[hbm:s16], [sflag:s0] =	dma.local [spmem:s28], $0x2800  }
0xc3: {  	_ =	swait.ge [sflag:s18], $0x2800  }
0xc4: {  	[sflag:s18] =	ssyncset.done $0x0  }
0xc5: {  	[sflag:s18] =	ssyncadd.s32 $0xFFFFD800  }
0xc6: {  	_ =	sfence.sel $0x180000  }
0xc7: {  	[bflag:$0x0] =	sbarrier.arrive $0xFFFF  }
0xc8: {  	_ =	strace $0x9000004D  }
0xc9: {  	s0 =	stileid.u32;
	[bflag:$0x2] =	sbarrier.arrive $0xFFFF  }
0xca: {  	p0 =	sne.s32 s0, $0x0;
	s0 =	rddreg [dreg:$0x3]  }
0xcb: {  	s0 =	sadd.s32 @!p0 $0x100000, s0  }
0xcc: {  	[sflag:s0] =	ssyncadd.tile.s32 @!p0 $0x1;
	_ =	shalt  }
.Lfunc_end2:
_tile_overlayer_lowered:
.L_overlay_start_2:
0xcd: {  	(tag) =	ssettag $0x2  }
0xce: {  	s0 =	rddreg [dreg:$0x0];
	s2 =	stileid.u32  }
0xcf: {  	s1 =	rddreg [dreg:$0x1];
	p0 =	sne.s32 s2, $0x0  }
0xd0: {  	s3 =	rddreg [dreg:$0x2];
	[bflag:$0x3] =	sbarrier.arrive $0xFFFF;
	s2 =	simm.s32 @!p0 $0x1C04  }
0xd1: {  	[timem:s3], [sflag:s2] =	dma.local @!p0 [hbm:s0], s1  }
0xd2: {  	s0 =	simm.s32 @!p0 $0x4  }
0xd3: {  	_ =	swait.ge @!p0 [sflag:s0], s1  }
0xd4: {  	s1 =	ssub.s32 @!p0 $0x0, s1;
	[sflag:s0] =	ssyncset.done @!p0 $0x0  }
0xd5: {  	[sflag:s0] =	ssyncadd.s32 @!p0 s1  }
0xd6: {  	[bflag:$0x3] =	sbarrier.arrive $0xFFFF  }
0xd7: {  	_ =	shalt  }

// kernel: kernel.8.cloned.1.call-start
scs
__scs_entry_jumppad:
0x0: {  	(pc) =	sbr.rel $0x88, $3  }
0x1: {  	(tag) =	ssettag $0x0;
	lr =	simm.s32 $0x1  }
0x2: {  	[smem:$0x3F9B] =	sst lr;
	_ =	strace $0xD0000000  }
0x3: {  	_ = 	snop  }
0x4: {  	_ = 	snop  }
0x5: {  	_ = 	snop  }
0x6: {  	_ = 	snop  }
0x7: {  	_ = 	snop  }
__scs_overlays_trampoline_lowered:
0x8: {  	[smem:$0x3FAA] =	sst s0  }
0x9: {  	[smem:$0x3FAB] =	sst s1  }
0xa: {  	[smem:$0x3FAC] =	sst s2  }
0xb: {  	[smem:$0x3FAD] =	sst s3  }
0xc: {  	[smem:$0x3FAE] =	sst s4  }
0xd: {  	[smem:$0x3FAF] =	sst s5  }
0xe: {  	[smem:$0x3FB0] =	sst s6  }
0xf: {  	[smem:$0x3FB1] =	sst s7  }
0x10: {  	[smem:$0x3FB2] =	sst s8  }
0x11: {  	[smem:$0x3FB3] =	sst s9;
	s0 =	simm.s32 @!p0 $0x0  }
0x12: {  	s1 =	sld [smem:$0x3F99];
	s0 =	simm.s32 @p0 $0x1  }
0x13: {  	[smem:$0x3FB4] =	sst s0;
	s0 =	simm.s32 @!p1 $0x0  }
0x14: {  	s2 =	sld [smem:$0x3F98];
	s0 =	simm.s32 @p1 $0x1  }
0x15: {  	[smem:$0x3FB5] =	sst s0;
	s0 =	simm.s32 @!p2 $0x0  }
0x16: {  	s3 =	sld [smem:$0x3FDB];
	s0 =	simm.s32 @p2 $0x1  }
0x17: {  	s4 =	simm.s32 $0x1BF5;
	[smem:$0x3FB7] =	sst s0  }
0x18: {  	s0 =	sld [smem:$0x3F9A];
	_ =	swait.ge [sflag:s4], $0x0  }
0x19: {  	s7 =	sld [smem:$0x3F9B]  }
0x1a: {  	s8 =	sadd.s32 $0xFFFFE003, lr  }
0x1b: {  	s9 =	sadd.s32 $0xFFFFFEF7, lr;
	s5 =	simm.s32 $0xFFFFFFFF;
	p2 =	slt.u32 s8, $0xFFFFF086  }
0x1c: {  	p1 =	slt.u32 s9, $0xF7A;
	s5 =	simm.s32 @!p2 $0x0  }
0x1d: {  	s5 =	simm.s32 @p1 $0x1;
	p0 =	seq.s32 s7, s2  }
0x1e: {  	s7 =	smul.u32 @!p0 $0xF7A, s2;
	p2 =	seq.s32 @!p0 s5, $0x0  }
0x1f: {  	s9 =	smul.u32 $0xF7A, s1;
	s8 =	simm.s32 @!p0 $0x1BF5;
	p2 =	por !p2, p0  }
0x20: {  	[sflag:s8] =	ssyncset.s32 @!p0 $0xFFFFF086;
	s6 =	sadd.s32 @!p0 s3, s7;
	s7 =	simm.s32 @!p0 $0x108  }
0x21: {  	s3 =	sadd.s32 s3, s9;
	s6 =	sadd.s32 @!p0 $0x88, s6;
	s7 =	simm.s32 @p2 $0x1082  }
0x22: {  	[simem:s7], [sflag:s8] =	dma.local @!p0 [hbm:s6], $0xF7A  }
0x23: {  	s9 =	sor.u32 $0xD0000000, s2;
	s6 =	simm.s32 $0x108;
	_ =	swait.ge @!p0 [sflag:s8], $0x0  }
0x24: {  	s3 =	sadd.s32 $0x88, s3;
	s6 =	simm.s32 @!p1 $0x1082;
	[sflag:s4] =	ssyncset.s32 $0xFFFFF086  }
0x25: {  	[simem:s6], [sflag:s4] =	dma.local [hbm:s3], $0xF7A  }
0x26: {  	[smem:$0x3F9B] =	sst s1;
	(tag) =	ssettag s2;
	_ =	strace s9  }
0x27: {  	s1 =	sld [smem:$0x3FAB]  }
0x28: {  	s2 =	sld [smem:$0x3FAC]  }
0x29: {  	s4 =	sld [smem:$0x3FAE]  }
0x2a: {  	p0 =	seq.s32 s5, $0x0;
	s5 =	sld [smem:$0x3FAF]  }
0x2b: {  	s6 =	sld [smem:$0x3FB0]  }
0x2c: {  	s7 =	sld [smem:$0x3FB1]  }
0x2d: {  	s3 =	simm.s32 $0x108;
	s8 =	sld [smem:$0x3FB2]  }
0x2e: {  	s3 =	simm.s32 @!p0 $0x1082;
	s9 =	sld [smem:$0x3FB3]  }
0x2f: {  	lr =	sadd.s32 s0, s3;
	s0 =	sld [smem:$0x3FAA]  }
0x30: {  	s3 =	sld [smem:$0x3FAD]  }
0x31: {  	[smem:$0x3FB6] =	sst s10  }
0x32: {  	s10 =	sld [smem:$0x3FB4];
	_ =	sdelay $0x3  }
0x33: {  	p0 =	seq.s32 s10, $0x1;
	s10 =	sld [smem:$0x3FB6];
	_ =	sdelay $0x3  }
0x34: {  	[smem:$0x3FB6] =	sst s10  }
0x35: {  	s10 =	sld [smem:$0x3FB5];
	_ =	sdelay $0x3  }
0x36: {  	p1 =	seq.s32 s10, $0x1;
	s10 =	sld [smem:$0x3FB6];
	_ =	sdelay $0x3  }
0x37: {  	[smem:$0x3FB6] =	sst s10  }
0x38: {  	s10 =	sld [smem:$0x3FB7]  }
0x39: {  	_ = 	snop;
	(pc) =	sbr.ind lr, $3  }
0x3a: {  	_ = 	snop  }
0x3b: {  	_ = 	snop  }
0x3c: {  	p2 =	seq.s32 s10, $0x1;
	s10 =	sld [smem:$0x3FB6]  }
0x3d: {  	_ =	shalt  }
0x3e: {  	_ =	shalt  }
0x3f: {  	_ =	shalt  }
0x40: {  	_ =	shalt  }
0x41: {  	_ =	shalt  }
0x42: {  	_ =	shalt  }
0x43: {  	_ =	shalt  }
0x44: {  	_ =	shalt  }
0x45: {  	_ =	shalt  }
0x46: {  	_ =	shalt  }
0x47: {  	_ =	shalt  }
0x48: {  	_ =	shalt  }
0x49: {  	_ =	shalt  }
0x4a: {  	_ =	shalt  }
0x4b: {  	_ =	shalt  }
0x4c: {  	_ =	shalt  }
0x4d: {  	_ =	shalt  }
0x4e: {  	_ =	shalt  }
0x4f: {  	_ =	shalt  }
0x50: {  	_ =	shalt  }
0x51: {  	_ =	shalt  }
0x52: {  	_ =	shalt  }
0x53: {  	_ =	shalt  }
0x54: {  	_ =	shalt  }
0x55: {  	_ =	shalt  }
0x56: {  	_ =	shalt  }
0x57: {  	_ =	shalt  }
0x58: {  	_ =	shalt  }
0x59: {  	_ =	shalt  }
0x5a: {  	_ =	shalt  }
0x5b: {  	_ =	shalt  }
0x5c: {  	_ =	shalt  }
0x5d: {  	_ =	shalt  }
0x5e: {  	_ =	shalt  }
0x5f: {  	_ =	shalt  }
0x60: {  	_ =	shalt  }
0x61: {  	_ =	shalt  }
0x62: {  	_ =	shalt  }
0x63: {  	_ =	shalt  }
0x64: {  	_ =	shalt  }
0x65: {  	_ =	shalt  }
0x66: {  	_ =	shalt  }
0x67: {  	_ =	shalt  }
0x68: {  	_ =	shalt  }
0x69: {  	_ =	shalt  }
0x6a: {  	_ =	shalt  }
0x6b: {  	_ =	shalt  }
0x6c: {  	_ =	shalt  }
0x6d: {  	_ =	shalt  }
0x6e: {  	_ =	shalt  }
0x6f: {  	_ =	shalt  }
0x70: {  	_ =	shalt  }
0x71: {  	_ =	shalt  }
0x72: {  	_ =	shalt  }
0x73: {  	_ =	shalt  }
0x74: {  	_ =	shalt  }
0x75: {  	_ =	shalt  }
0x76: {  	_ =	shalt  }
0x77: {  	_ =	shalt  }
0x78: {  	_ =	shalt  }
0x79: {  	_ =	shalt  }
0x7a: {  	_ =	shalt  }
0x7b: {  	_ =	shalt  }
0x7c: {  	_ =	shalt  }
0x7d: {  	_ =	shalt  }
0x7e: {  	_ =	shalt  }
0x7f: {  	_ =	shalt  }
0x80: {  	_ =	shalt  }
0x81: {  	_ =	shalt  }
0x82: {  	_ =	shalt  }
0x83: {  	_ =	shalt  }
0x84: {  	_ =	shalt  }
0x85: {  	_ =	shalt  }
0x86: {  	_ =	shalt  }
0x87: {  	_ =	shalt  }
.Lfunc_end0:
.L_simem_size_0:
called_computation_lowered:
.L_overlay_start_0:
0x88: {  	s2 =	sld [smem:$0x3FD9]  }
0x89: {  	s3 =	sld [smem:$0x3FFE];
	_ =	sdelay $0x1  }
0x8a: {  	s1 =	srdreg.scid  }
0x8b: {  	s0 =	sand.u32 $0x1, s1  }
0x8c: {  	s17 =	sshll.u32 s0, $0xA;
	s2 =	sadd.s32 s3, s2  }
0x8d: {  	s2 =	sadd.s32 s2, s17  }
0x8e: {  	[smem:$0x3FC2] =	sst s2  }
0x8f: {  	_ = 	snop  }
0x90: {  	s2 =	sld [smem:$0x3FD0];
	(tm) =	ssettm $0x1  }
0x91: {  	s18 =	sld [smem:$0x3FFB];
	_ =	sdelay $0x3  }
0x92: {  	_ =	strace s18  }
0x93: {  	s3 =	sld [smem:$0x3FFC];
	_ =	sdelay $0x3  }
0x94: {  	_ =	strace s3  }
0x95: {  	s3 =	sld [smem:$0x3FFD];
	_ =	sdelay $0x3  }
0x96: {  	_ =	strace s3  }
0x97: {  	_ =	strace $0x8FFFFFFF  }
0x98: {  	s19 =	sld [smem:$0x3FDB];
	_ =	sdelay $0x1  }
0x99: {  	s4 =	simm.s32 $_scs_section_size  }
0x9a: {  	s5 =	simm.s32 $_size__tile_overlayer_lowered;
	s6 =	simm.s32 $_tile_overlayer_lowered  }
0x9b: {  	s22 =	simm.s32 $0x1BFF;
	s21 =	sshll.u32 s6, $0x1;
	s3 =	sadd.s32 s4, s19  }
0x9c: {  	s7 =	simm.s32 $0x0;
	s20 =	sshll.u32 s5, $0x1;
	s5 =	sadd.s32 s21, s3  }
0x9d: {  	[timem:s7], [sflag:s22] =	dma.local [hbm:s5], s20  }
0x9e: {  	_ =	swait.ge [sflag:s22], s20  }
0x9f: {  	s4 =	ssub.s32 $0x0, s20;
	[sflag:s22] =	ssyncset.done $0x0  }
0xa0: {  	[sflag:s22] =	ssyncadd.s32 s4;
	_ =	sdelay $0x1  }
0xa1: {  	s23 =	simm.s32 $0x1B8B  }
0xa2: {  	_ =	swait.ge [sflag:s23], $0x1  }
0xa3: {  	[sflag:s23] =	ssyncset.done $0x0  }
0xa4: {  	s25 =	simm.s32 $0x1B8E;
	s24 =	sld [smem:$0x3FFE];
	[sflag:s23] =	ssyncadd.s32 $0xFFFFFFFF  }
0xa5: {  	s26 =	simm.s32 $execute0_lowered;
	[smem:$0x3FD2] =	sst s25  }
0xa6: {  	s5 =	sshll.u32 s26, $0x1;
	_ =	strace $0x80000046;
	[dreg:$0x1] =	wrdreg $0xFFFFFFFF  }
0xa7: {  	s28 =	simm.s32 $_size_execute0_lowered;
	s3 =	sadd.s32 s3, s5;
	[dreg:$0x0] =	wrdreg $0x0  }
0xa8: {  	s5 =	sshll.u32 s28, $0x1;
	[dreg:$0x2] =	wrdreg s3  }
0xa9: {  	[dreg:$0x3] =	wrdreg s5  }
0xaa: {  	[dreg:$0x4] =	wrdreg $0xC0  }
0xab: {  	_ =	task [dreg:s7], $0x5FFFF  }
0xac: {  	[dreg:$0x1] =	wrdreg $0xFFFFFFFF  }
0xad: {  	[dreg:$0x0] =	wrdreg $0x60  }
0xae: {  	[dreg:$0x2] =	wrdreg s2  }
0xaf: {  	[dreg:$0x3] =	wrdreg s24  }
0xb0: {  	[dreg:$0x4] =	wrdreg $0x58000  }
0xb1: {  	[dreg:$0x5] =	wrdreg $0x9  }
0xb2: {  	_ =	task.clear_ibuf [dreg:s7], $0x6FFFF;
	_ =	strace $0x90000046  }
0xb3: {  	s29 =	simm.s32 $0x9;
	_ =	strace $0x80000048  }
0xb4: {  	_ =	swait.ge [sflag:s29], $0x1  }
0xb5: {  	[sflag:s29] =	ssyncadd.s32 $0xFFFFFFFF  }
0xb6: {  	_ =	strace $0x90000048  }
0xb7: {  	_ =	sfence  }
0xb8: {  	s30 =	sld [smem:$0x0];
	_ =	sdelay $0x2  }
0xb9: {  	s31 =	sshll.u32 s1, $0xD;
	s1 =	sshrl.u32 s1, $0x2  }
0xba: {  	s3 =	sand.u32 $0x4000, s31;
	s1 =	sadd.s32 s1, s30  }
0xbb: {  	s0 =	sor.u32 s3, s0;
	s1 =	sshll.u32 s1, $0x11  }
0xbc: {  	s0 =	sor.u32 s1, s0  }
0xbd: {  	s0 =	sadd.s32 $0x8F2B, s0  }
0xbe: {  	[sflag:s0] =	ssyncadd.remote.s32 $0x1  }
0xbf: {  	_ =	sfence.sel $0xFFFF  }
0xc0: {  	[dreg:$0x0] =	wrdreg $0xFFFFFFFF;
	(pc) =	sbr.abs _section_cstart, $3  }
0xc1: {  	[dreg:$0x1] =	wrdreg $0xFFFFFFFF  }
0xc2: {  	_ =	task.clear_ibuf [dreg:s7], $0x2FFFF;
	_ =	strace $0x9FFFFFFF  }
0xc3: {  	(tm) =	ssettm $0x7FFFFFFF  }
tec
execute0_lowered:
.L_overlay_start_1:
0x0: {  	(tag) =	ssettag $0x1  }
0x1: {  	s4 =	rddreg [dreg:$0x0]  }
0x2: {  	s5 =	rddreg [dreg:$0x1]  }
0x3: {  	s0 =	srdreg.scid;
	s2 =	rddreg [dreg:$0x2]  }
0x4: {  	s1 =	rddreg [dreg:$0x3];
	s3 =	simm.s32 $0x0;
	s17 =	simm.s32 $0x3  }
0x5: {  	s18 =	simm.s32 $0x5000;
	s19 =	simm.s32 $0x40;
	s20 =	simm.s32 $0x2800  }
0x6: {  	s21 =	simm.s32 $0x5400;
	s22 =	simm.s32 $0x2840;
	s6 =	sand.u32 $0x1, s0  }
0x7: {  	s23 =	simm.s32 $0x1;
	s0 =	stileid.u32;
	s7 =	smul.u32 $0x28000, s6  }
0x8: {  	s24 =	simm.s32 $0x2;
	s25 =	simm.s32 $0x0;
	s8 =	smul.u32 $0x2800, s0  }
0x9: {  	[smem:$0x7FF] =	sst s3;
	s9 =	smul.u32 $0xA000, s0;
	s6 =	ssub.s32 $0x2, s6  }
0xa: {  	_ =	strace $0x80000047;
	s31 =	sshrl.u32 s6, $0x1;
	s7 =	sadd.s32 s8, s7  }
0xb: {  	s9 =	sshrl.u32 s9, $0x2;
	s16 =	ssub.s32 s6, s31;
	s7 =	sshrl.u32 s7, $0x3  }
0xc: {  	s14 =	sadd.s32 s9, s2;
	s16 =	smax.u32 s16, $0x1;
	s15 =	sadd.s32 s7, s5  }
0xd: {  	s4 =	sadd.s32 s4, s7;
	s5 =	sadd.s32 s8, s2;
	s6 =	sadd.s32 $0x400, s14  }
0xe: {  	s7 =	sadd.s32 $0x800, s14;
	s8 =	sadd.s32 $0xC00, s14;
	s9 =	sadd.s32 $0x1000, s14  }
0xf: {  	v0 =	vimm.f32 $0.0e+00;
	vm0 =	vcmask $0x1F00;
	v2 =	vimm.f32 $1.000000000e+00;
	s10 =	sadd.s32 $0x1400, s14;
	s11 =	sadd.s32 $0x1800, s14;
	s12 =	sadd.s32 $0x1C00, s14  }
0x10: {  	v1 =	vsel vm0, $0x3F800000, v0;
	v2 =	vsel vm0, $0x0, v2;
	s13 =	sadd.s32 $0x2000, s14;
	s14 =	sadd.s32 $0x2400, s14;
	s15 =	sadd.s32 $0x2200, s15  }
.LBB2_1:
0x11: {  	[tilespmem:s3], [sflag:$0x3] =	stream.linear.gather [hbm4b:s4+s3], $0x2800, $0x38;
	[tilespmem:$0x8000] =	vst v63  }
0x12: {  	_ =	swait.ge [sflag:s17], $0x2800  }
0x13: {  	[sflag:s17] =	ssyncset.done $0x0  }
0x14: {  	s26 =	simm.s32 $0x40;
	s28 =	simm.s32 $0x0;
	[sflag:s17] =	ssyncadd.s32 $0xFFFFD800  }
.LBB2_2:
0x15: {  	p0 =	sne.s32 s26, $0xFC0;
	[tilespmem:s28+$0x5000] =	vst v0;
	s28 =	smov.u32 s26;
	s26 =	sadd.s32 $0x40, s26  }
.Ltmp0:
0x16: {  	(pc) =	sbr.rel @p0 .LBB2_2-.Ltmp0, $2  }
0x17: {  	_ =	sdelay $0x2  }
0x18: {  	s28 =	sshra.s32 s28, $0x2  }
0x19: {  	[tilespmem:s28+$0x5000] =	vst v0  }
0x1a: {  	[spmem:s5] =	stream.linear.scatter [tilespmem:s18], [sflag:$0x3], $0x400, $0x38;
	[tilespmem:$0x8000] =	vst v63  }
0x1b: {  	_ =	swait.ge [sflag:s17], $0x400  }
0x1c: {  	[sflag:s17] =	ssyncset.done $0x0  }
0x1d: {  	[sflag:s17] =	ssyncadd.s32 $0xFFFFFC00  }
0x1e: {  	[spmem:s6] =	stream.linear.scatter [tilespmem:s18], [sflag:$0x3], $0x400, $0x38;
	[tilespmem:$0x8000] =	vst v63  }
0x1f: {  	_ =	swait.ge [sflag:s17], $0x400  }
0x20: {  	[sflag:s17] =	ssyncset.done $0x0  }
0x21: {  	[sflag:s17] =	ssyncadd.s32 $0xFFFFFC00  }
0x22: {  	[spmem:s7] =	stream.linear.scatter [tilespmem:s18], [sflag:$0x3], $0x400, $0x38;
	[tilespmem:$0x8000] =	vst v63  }
0x23: {  	_ =	swait.ge [sflag:s17], $0x400  }
0x24: {  	[sflag:s17] =	ssyncset.done $0x0  }
0x25: {  	[sflag:s17] =	ssyncadd.s32 $0xFFFFFC00  }
0x26: {  	[spmem:s8] =	stream.linear.scatter [tilespmem:s18], [sflag:$0x3], $0x400, $0x38;
	[tilespmem:$0x8000] =	vst v63  }
0x27: {  	_ =	swait.ge [sflag:s17], $0x400  }
0x28: {  	[sflag:s17] =	ssyncset.done $0x0  }
0x29: {  	[sflag:s17] =	ssyncadd.s32 $0xFFFFFC00  }
0x2a: {  	[spmem:s9] =	stream.linear.scatter [tilespmem:s18], [sflag:$0x3], $0x400, $0x38;
	[tilespmem:$0x8000] =	vst v63  }
0x2b: {  	_ =	swait.ge [sflag:s17], $0x400  }
0x2c: {  	[sflag:s17] =	ssyncset.done $0x0  }
0x2d: {  	[sflag:s17] =	ssyncadd.s32 $0xFFFFFC00  }
0x2e: {  	[spmem:s10] =	stream.linear.scatter [tilespmem:s18], [sflag:$0x3], $0x400, $0x38;
	[tilespmem:$0x8000] =	vst v63  }
0x2f: {  	_ =	swait.ge [sflag:s17], $0x400  }
0x30: {  	[sflag:s17] =	ssyncset.done $0x0  }
0x31: {  	[sflag:s17] =	ssyncadd.s32 $0xFFFFFC00  }
0x32: {  	[spmem:s11] =	stream.linear.scatter [tilespmem:s18], [sflag:$0x3], $0x400, $0x38;
	[tilespmem:$0x8000] =	vst v63  }
0x33: {  	_ =	swait.ge [sflag:s17], $0x400  }
0x34: {  	[sflag:s17] =	ssyncset.done $0x0  }
0x35: {  	[sflag:s17] =	ssyncadd.s32 $0xFFFFFC00  }
0x36: {  	[spmem:s12] =	stream.linear.scatter [tilespmem:s18], [sflag:$0x3], $0x400, $0x38;
	[tilespmem:$0x8000] =	vst v63  }
0x37: {  	_ =	swait.ge [sflag:s17], $0x400  }
0x38: {  	[sflag:s17] =	ssyncset.done $0x0  }
0x39: {  	[sflag:s17] =	ssyncadd.s32 $0xFFFFFC00  }
0x3a: {  	[spmem:s13] =	stream.linear.scatter [tilespmem:s18], [sflag:$0x3], $0x400, $0x38;
	[tilespmem:$0x8000] =	vst v63  }
0x3b: {  	_ =	swait.ge [sflag:s17], $0x400  }
0x3c: {  	[sflag:s17] =	ssyncset.done $0x0  }
0x3d: {  	[sflag:s17] =	ssyncadd.s32 $0xFFFFFC00  }
0x3e: {  	[spmem:s14] =	stream.linear.scatter [tilespmem:s18], [sflag:$0x3], $0x400, $0x38;
	[tilespmem:$0x8000] =	vst v63  }
0x3f: {  	_ =	swait.ge [sflag:s17], $0x400  }
0x40: {  	[sflag:s17] =	ssyncset.done $0x0  }
0x41: {  	s26 =	simm.s32 $0x40;
	s28 =	simm.s32 $0x0;
	[sflag:s17] =	ssyncadd.s32 $0xFFFFFC00  }
.LBB2_4:
0x42: {  	p0 =	sne.s32 s26, $0xFC0;
	[tilespmem:s28+$0x5000] =	vst v1;
	s29 =	smov.u32 s26;
	s26 =	sadd.s32 $0x40, s26  }
.Ltmp1:
0x43: {  	[tilespmem:s28+$0x5400] =	vst v2;
	(pc) =	sbr.rel @p0 .LBB2_4-.Ltmp1, $2  }
0x44: {  	_ =	sdelay $0x2  }
0x45: {  	s28 =	sshra.s32 s29, $0x2  }
0x46: {  	[tilespmem:s28+$0x5000] =	vst v1  }
0x47: {  	[tilespmem:s28+$0x5400] =	vst v2;
	s28 =	simm.s32 $0x0  }
0x48: {  	v3 =	vld [tilespmem:s28+$0x0]  }
0x49: {  	v6 =	vld [tilespmem:s28+$0x10]  }
0x4a: {  	v7 =	vld [tilespmem:s28+$0x20]  }
0x4b: {  	v8 =	vld [tilespmem:s28+$0x30];
	_ =	sdelay $0x1  }
0x4c: {  	v4 =	vand.u32 $0x3FFF, v3  }
0x4d: {  	[tilespmem:s28+$0x0] =	vst v4;
	v4 =	vand.u32 $0x3FFF, v6  }
0x4e: {  	s26 =	simm.s32 $0x40;
	v5 =	vand.u32 $0x3FFF, v7;
	[tilespmem:s28+$0x10] =	vst v4  }
0x4f: {  	v9 =	vand.u32 $0x3FFF, v8;
	v4 =	vld [tilespmem:s26+$0x0];
	[tilespmem:s28+$0x20] =	vst v5  }
0x50: {  	v5 =	vld [tilespmem:s26+$0x10];
	[tilespmem:s28+$0x30] =	vst v9;
	v9 =	vshrl.u32 v3, $0xE  }
0x51: {  	s29 =	simm.s32 $0x200;
	v7 =	vshrl.u32 v7, $0xE;
	v8 =	vshrl.u32 v8, $0xE;
	v6 =	vshrl.u32 v6, $0xE;
	v3 =	vld [tilespmem:s26+$0x20];
	[tilespmem:s28+$0x2800] =	vst v9  }
.LBB2_6:
0x52: {  	p0 =	sne.s32 s29, $0x9F00;
	v9 =	vld [tilespmem:s26+$0x30];
	[tilespmem:s28+$0x2810] =	vst v6  }
0x53: {  	[tilespmem:s28+$0x2820] =	vst v7  }
0x54: {  	v10 =	vshrl.u32 v4, $0xE;
	v4 =	vand.u32 $0x3FFF, v4;
	[tilespmem:s28+$0x2830] =	vst v8;
	s28 =	smov.u32 s26  }
.Ltmp2:
0x55: {  	[tilespmem:s28+$0x0] =	vst v4;
	v6 =	vshrl.u32 v5, $0xE;
	v4 =	vand.u32 $0x3FFF, v5;
	(pc) =	sbr.rel @p0 .LBB2_6-.Ltmp2, $4  }
0x56: {  	s26 =	sshra.s32 s29, $0x2;
	[tilespmem:s28+$0x10] =	vst v4;
	v7 =	vshrl.u32 v3, $0xE;
	v3 =	vand.u32 $0x3FFF, v3  }
0x57: {  	v4 =	vld [tilespmem:s26+$0x0];
	[tilespmem:s28+$0x20] =	vst v3;
	v8 =	vshrl.u32 v9, $0xE;
	v3 =	vand.u32 $0x3FFF, v9  }
0x58: {  	v5 =	vld [tilespmem:s26+$0x10];
	[tilespmem:s28+$0x30] =	vst v3  }
0x59: {  	s29 =	sadd.s32 $0x100, s29;
	v3 =	vld [tilespmem:s26+$0x20];
	[tilespmem:s28+$0x2800] =	vst v10  }
0x5a: {  	v9 =	vld [tilespmem:s26+$0x30];
	[tilespmem:s28+$0x2810] =	vst v6  }
0x5b: {  	[tilespmem:s28+$0x2820] =	vst v7  }
0x5c: {  	[tilespmem:s28+$0x2830] =	vst v8;
	v57 =	vand.u32 $0x3FFF, v4  }
0x5d: {  	v61 =	vshrl.u32 v4, $0xE;
	[tilespmem:s26+$0x0] =	vst v57  }
0x5e: {  	v58 =	vand.u32 $0x3FFF, v5;
	[tilespmem:s26+$0x2800] =	vst v61  }
0x5f: {  	v62 =	vshrl.u32 v5, $0xE;
	[tilespmem:s26+$0x10] =	vst v58  }
0x60: {  	v59 =	vand.u32 $0x3FFF, v3;
	[tilespmem:s26+$0x2810] =	vst v62  }
0x61: {  	v3 =	vshrl.u32 v3, $0xE;
	[tilespmem:s26+$0x20] =	vst v59  }
0x62: {  	v60 =	vand.u32 $0x3FFF, v9;
	[tilespmem:s26+$0x2820] =	vst v3  }
0x63: {  	v63 =	vshrl.u32 v9, $0xE;
	[tilespmem:s26+$0x30] =	vst v60  }
0x64: {  	[tilespmem:s26+$0x2830] =	vst v63  }
0x65: {  	[bflag:$0x0] =	sbarrier.arrive $0xFFFF  }
0x66: {  	[spmem:s2] =	stream.indirect.scatter.add.f32 [tilespmem:s18], [sflag:$0x1], $0x10, s3, s19, $0xb8;
	[tilespmem:$0x8000] =	vst v63  }
0x67: {  	_ = 	snop  }
0x68: {  	[spmem:s2] =	stream.indirect.scatter.add.f32 [tilespmem:s21], [sflag:$0x2], $0x10, s20, s19, $0xb8;
	[tilespmem:$0x8000] =	vst v63  }
0x69: {  	_ = 	snop  }
0x6a: {  	[spmem:s2] =	stream.indirect.scatter.add.f32 [tilespmem:s18], [sflag:$0x1], $0x10, s19, s19, $0xb8;
	[tilespmem:$0x8000] =	vst v63  }
0x6b: {  	_ = 	snop  }
0x6c: {  	[spmem:s2] =	stream.indirect.scatter.add.f32 [tilespmem:s21], [sflag:$0x2], $0x10, s22, s19, $0xb8;
	[tilespmem:$0x8000] =	vst v63  }
0x6d: {  	_ =	swait.ge [sflag:s23], $0x400  }
0x6e: {  	[sflag:s23] =	ssyncset.done $0x0  }
0x6f: {  	[sflag:s23] =	ssyncadd.s32 $0xFFFFFC00  }
0x70: {  	_ =	swait.ge [sflag:s24], $0x400  }
0x71: {  	s31 =	simm.s32 $0x80;
	[sflag:s24] =	ssyncset.done $0x0  }
0x72: {  	s28 =	simm.s32 $0x2880;
	s26 =	simm.s32 $0x300;
	[sflag:s24] =	ssyncadd.s32 $0xFFFFFC00  }
0x73: {  	[spmem:s2] =	stream.indirect.scatter.add.f32 [tilespmem:s18], [sflag:$0x1], $0x10, s31, s19, $0xb8;
	[tilespmem:$0x8000] =	vst v63  }
.LBB2_8:
0x74: {  	[spmem:s2] =	stream.indirect.scatter.add.f32 [tilespmem:s21], [sflag:$0x2], $0x10, s28, s19, $0xb8;
	[tilespmem:$0x8000] =	vst v63  }
0x75: {  	s28 =	smov.u32 s26  }
0x76: {  	p0 =	sne.s32 s26, $0x9F00;
	s26 =	sadd.s32 $0x100, s26;
	_ =	swait.ge [sflag:s23], $0x400  }
0x77: {  	[sflag:s23] =	ssyncset.done $0x0  }
0x78: {  	[sflag:s23] =	ssyncadd.s32 $0xFFFFFC00  }
.Ltmp3:
0x79: {  	_ =	swait.ge [sflag:s24], $0x400;
	(pc) =	sbr.rel @p0 .LBB2_8-.Ltmp3, $4  }
0x7a: {  	[sflag:s24] =	ssyncset.done $0x0  }
0x7b: {  	s28 =	sshra.s32 s28, $0x2;
	[sflag:s24] =	ssyncadd.s32 $0xFFFFFC00  }
0x7c: {  	[spmem:s2] =	stream.indirect.scatter.add.f32 [tilespmem:s18], [sflag:$0x1], $0x10, s28, s19, $0xb8;
	[tilespmem:$0x8000] =	vst v63  }
0x7d: {  	s28 =	sadd.s32 $0x2800, s28  }
0x7e: {  	[spmem:s2] =	stream.indirect.scatter.add.f32 [tilespmem:s21], [sflag:$0x2], $0x10, s28, s19, $0xb8;
	[tilespmem:$0x8000] =	vst v63  }
0x7f: {  	_ =	swait.ge [sflag:s23], $0x400  }
0x80: {  	[sflag:s23] =	ssyncset.done $0x0  }
0x81: {  	[sflag:s23] =	ssyncadd.s32 $0xFFFFFC00  }
0x82: {  	_ =	swait.ge [sflag:s24], $0x400  }
0x83: {  	[sflag:s24] =	ssyncset.done $0x0  }
0x84: {  	[sflag:s24] =	ssyncadd.s32 $0xFFFFFC00  }
0x85: {  	_ =	swait.ge [sflag:s23], $0x400  }
0x86: {  	[sflag:s23] =	ssyncset.done $0x0  }
0x87: {  	[sflag:s23] =	ssyncadd.s32 $0xFFFFFC00  }
0x88: {  	_ =	swait.ge [sflag:s24], $0x400  }
0x89: {  	s26 =	sshll.u32 s0, $0x6;
	s25 =	sadd.s32 $0x1, s25;
	[sflag:s24] =	ssyncset.done $0x0  }
0x8a: {  	s31 =	sshrl.u32 s5, $0x3;
	p0 =	sne.s32 s25, s16;
	[sflag:s24] =	ssyncadd.s32 $0xFFFFFC00  }
.Ltmp4:
0x8b: {  	s26 =	sor.u32 $0x1C03, s26;
	[bflag:$0x0] =	sbarrier.arrive $0xFFFF;
	(pc) =	sbr.rel @p0 .LBB2_1-.Ltmp4, $4  }
0x8c: {  	[hbm:s15], [sflag:s26] =	dma.local [spmem:s31], $0x500  }
0x8d: {  	_ =	swait.ge [sflag:s17], $0x500  }
0x8e: {  	[sflag:s17] =	ssyncset.done $0x0  }
0x8f: {  	[sflag:s17] =	ssyncadd.s32 $0xFFFFFB00  }
0x90: {  	_ =	sfence.sel $0x180000  }
0x91: {  	[bflag:$0x0] =	sbarrier.arrive $0xFFFF  }
0x92: {  	p0 =	sne.s32 s0, $0x0;
	_ =	strace $0x90000047  }
0x93: {  	s0 =	sadd.s32 @!p0 $0x100000, s1;
	[bflag:$0x2] =	sbarrier.arrive $0xFFFF  }
0x94: {  	[sflag:s0] =	ssyncadd.tile.s32 @!p0 $0x1;
	_ =	shalt  }
.Lfunc_end2:
_tile_overlayer_lowered:
.L_overlay_start_2:
0x95: {  	(tag) =	ssettag $0x2  }
0x96: {  	s0 =	rddreg [dreg:$0x0];
	s2 =	stileid.u32  }
0x97: {  	s1 =	rddreg [dreg:$0x1];
	p0 =	sne.s32 s2, $0x0  }
0x98: {  	s3 =	rddreg [dreg:$0x2];
	[bflag:$0x3] =	sbarrier.arrive $0xFFFF;
	s2 =	simm.s32 @!p0 $0x1C03  }
0x99: {  	[timem:s3], [sflag:s2] =	dma.local @!p0 [hbm:s0], s1  }
0x9a: {  	s0 =	simm.s32 @!p0 $0x3  }
0x9b: {  	_ =	swait.ge @!p0 [sflag:s0], s1  }
0x9c: {  	s1 =	ssub.s32 @!p0 $0x0, s1;
	[sflag:s0] =	ssyncset.done @!p0 $0x0  }
0x9d: {  	[sflag:s0] =	ssyncadd.s32 @!p0 s1  }
0x9e: {  	[bflag:$0x3] =	sbarrier.arrive $0xFFFF  }
0x9f: {  	_ =	shalt  }

</sc_bundles>
